<compile_context>
chip_gen: v7x
topology: tpu7x:2x2x1
jax: 0.10.2.dev20260603
libtpu: 0.0.44.dev20260713+nightly
codegen_flags: <defaults>
</compile_context>

<pallas_src>
import jax
import jax.numpy as jnp
from jax import lax
from jax.experimental import pallas as pl
from jax.experimental.pallas import tpu as pltpu
from jax.experimental.pallas import tpu_sc as plsc

B, H, S, D, Q = 16, 16, 2048, 128, 16
BH = B * H
ROWS = BH * S

CB = 8


def _tc_body(pos_ref, c_ref, val_ref, out_ref):
    out_ref[...] = c_ref[...]
    for c in range(CB):
        for q in range(Q):
            p = pos_ref[q]
            out_ref[c, pl.ds(p, 1), :] = val_ref[c, pl.ds(q, 1), :]


def _tc_copy_scatter(cache, val, input_pos):
    grid_spec = pltpu.PrefetchScalarGridSpec(
        num_scalar_prefetch=1,
        grid=(BH // CB,),
        in_specs=[
            pl.BlockSpec((CB, S, D), lambda i, pos: (i, 0, 0)),
            pl.BlockSpec((CB, Q, D), lambda i, pos: (i, 0, 0)),
        ],
        out_specs=pl.BlockSpec((CB, S, D), lambda i, pos: (i, 0, 0)),
    )
    return pl.pallas_call(
        _tc_body,
        grid_spec=grid_spec,
        out_shape=jax.ShapeDtypeStruct((BH, S, D), jnp.float32),
        compiler_params=pltpu.CompilerParams(
            dimension_semantics=("arbitrary",),
        ),
    )(input_pos, cache, val)


NC, NS = 2, 16
NW = NC * NS
SC_BH = 160
SC_ROWS = SC_BH * S
RW = SC_ROWS // NW
R = 256
NCH = RW // R
NBUF = 2
QW = (SC_BH * Q) // NW


def _sc_body(vc_ref, vv_ref, idx_ref, vo_ref,
             buf, idx_v, val_v, insem, outsem):
    cid = lax.axis_index("c")
    sid = lax.axis_index("s")
    wid = sid * NC + cid
    base = wid * RW

    for b in range(NBUF):
        pltpu.make_async_copy(vc_ref.at[pl.ds(base + b * R, R)],
                              buf.at[b], insem.at[b]).start()

    @pl.loop(0, NCH // NBUF)
    def _grp(g):
        for b in range(NBUF):
            c = g * NBUF + b
            off = base + c * R
            pltpu.make_async_copy(vc_ref.at[pl.ds(off, R)],
                                  buf.at[b], insem.at[b]).wait()
            pltpu.make_async_copy(buf.at[b], vo_ref.at[pl.ds(off, R)],
                                  outsem.at[b]).start()
            nxt = c + NBUF

            @pl.when(nxt < NCH)
            def _():
                pltpu.make_async_copy(buf.at[b], vo_ref.at[pl.ds(off, R)],
                                      outsem.at[b]).wait()
                pltpu.make_async_copy(vc_ref.at[pl.ds(base + nxt * R, R)],
                                      buf.at[b], insem.at[b]).start()

    for b in range(NBUF):
        pltpu.make_async_copy(buf.at[b], vo_ref.at[pl.ds(base, R)],
                              outsem.at[b]).wait()

    pltpu.sync_copy(idx_ref.at[pl.ds(wid, 1)], idx_v)
    pltpu.sync_copy(vv_ref.at[pl.ds(wid * QW, QW)], val_v)
    pltpu.sync_copy(val_v, vo_ref.at[idx_v.at[0]])


def _sc_partial_copy_scatter(cache_flat, val_flat, idx):
    mesh = plsc.VectorSubcoreMesh(core_axis_name="c", subcore_axis_name="s")
    kern = pl.kernel(
        _sc_body,
        out_type=jax.ShapeDtypeStruct((ROWS, D), jnp.float32),
        mesh=mesh,
        scratch_types=[
            pltpu.VMEM((NBUF, R, D), jnp.float32),
            pltpu.VMEM((1, QW), jnp.int32),
            pltpu.VMEM((QW, D), jnp.float32),
            pltpu.SemaphoreType.DMA((NBUF,)),
            pltpu.SemaphoreType.DMA((NBUF,)),
        ],
    )
    return kern(cache_flat, val_flat, idx)


TB = BH - SC_BH


def _tcb_body(part_ref, c_ref, val_ref, pos_ref, out_ref):
    out_ref[...] = c_ref[...]
    for c in range(CB):
        for q in range(Q):
            p = pos_ref[q]
            out_ref[pl.ds(c * S + p, 1), :] = val_ref[pl.ds(c * Q + q, 1), :]


def _tc_finish_v(v_partial, cache_flat, val_flat, input_pos):
    return pl.pallas_call(
        _tcb_body,
        grid=(TB // CB,),
        in_specs=[
            pl.BlockSpec(memory_space=pltpu.MemorySpace.HBM),
            pl.BlockSpec((CB * S, D), lambda i: (SC_BH // CB + i, 0)),
            pl.BlockSpec((CB * Q, D), lambda i: (SC_BH // CB + i, 0)),
            pl.BlockSpec(memory_space=pltpu.SMEM),
        ],
        out_specs=pl.BlockSpec((CB * S, D), lambda i: (SC_BH // CB + i, 0)),
        out_shape=jax.ShapeDtypeStruct((ROWS, D), jnp.float32),
        input_output_aliases={0: 0},
        compiler_params=pltpu.CompilerParams(
            dimension_semantics=("arbitrary",),
        ),
    )(v_partial, cache_flat, val_flat, input_pos)


def kernel(k_cache, v_cache, input_pos, k_val, v_val):
    vc_flat = v_cache.reshape(ROWS, D)
    vv_flat = v_val.reshape(BH * Q, D)

    idx = (jnp.arange(SC_BH, dtype=jnp.int32)[:, None] * S
           + input_pos[None, :].astype(jnp.int32)).reshape(NW, QW)
    v_part = _sc_partial_copy_scatter(vc_flat, vv_flat, idx)

    k_out = _tc_copy_scatter(k_cache.reshape(BH, S, D),
                             k_val.reshape(BH, Q, D), input_pos)

    v_out = _tc_finish_v(v_part, vc_flat, vv_flat, input_pos)

    return (k_out.reshape(B, H, S, D), v_out.reshape(B, H, S, D))

# --- scband reference (transcript-rebuilt; emitter-appended) ---
"""Pipeline reference for scband-kvcache-1726576857536 (READ-ONLY COPY).

The authoritative reference and input builder live on the scoring server;
editing this copy changes nothing except your own understanding.
"""

import jax, jax.numpy as jnp
import numpy as np

B, H, S, D, Q = 16, 16, 2048, 128, 16


def setup_inputs(seed: int = 0) -> dict:
    key = jax.random.key(seed)
    k1, k2 = jax.random.split(key, 2)
    return {
        "k_cache": jnp.zeros((B, H, S, D), dtype=jnp.float32),
        "v_cache": jnp.zeros((B, H, S, D), dtype=jnp.float32),
        "input_pos": jnp.arange(Q, dtype=jnp.int32),
        "k_val": jax.random.normal(k1, (B, H, Q, D), dtype=jnp.float32),
        "v_val": jax.random.normal(k2, (B, H, Q, D), dtype=jnp.float32),
    }


def reference(k_cache, v_cache, input_pos, k_val, v_val):
    # KVCache.update: scatter-overwrite k_val/v_val into caches at positions input_pos
    # along the sequence axis (axis=2), then return the full caches.
    k_out = k_cache.at[:, :, input_pos].set(k_val)
    v_out = v_cache.at[:, :, input_pos].set(v_val)
    return (k_out, v_out)

if __name__ == "__main__":
    import jax
    _d = setup_inputs()
    print(jax.jit(kernel)(*tuple(_d.values())))

</pallas_src>

<mosaic_0001>
#map = affine_map<(d0, d1) -> (0, 0)>
module attributes {stable_mosaic.version = 14 : i64} {
  func.func @_sc_body(%arg0: i32, %arg1: i32, %arg2: memref<524288x128xf32, #tpu.memory_space<hbm>>, %arg3: memref<4096x128xf32, #tpu.memory_space<hbm>>, %arg4: memref<32x80xi32, #tpu.memory_space<hbm>>, %arg5: memref<524288x128xf32, #tpu.memory_space<hbm>>, %arg6: memref<2x256x128xf32, #tpu.memory_space<vmem>>, %arg7: memref<1x80xi32, #tpu.memory_space<vmem>>, %arg8: memref<80x128xf32, #tpu.memory_space<vmem>>, %arg9: memref<2x!tpu.dma_semaphore, #tpu.memory_space<semaphore_mem>>, %arg10: memref<2x!tpu.dma_semaphore, #tpu.memory_space<semaphore_mem>>) attributes {dimension_semantics = [#tpu.dimension_semantics<core_parallel>, #tpu.dimension_semantics<subcore_parallel>], iteration_bounds = array<i64: 2, 16>, scalar_prefetch = 0 : i64, scratch_operands = 5 : i64, tpu.core_type = #tpu.core_type<sc_vector_subcore>, window_params = [{transform_indices = #map}, {transform_indices = #map}, {transform_indices = #map}, {transform_indices = #map}]} {
    %mul3A = arith.constant 2 : i32
    %mul3A_0 = arith.muli %arg1, %mul3A : i32
    %add3A = arith.addi %mul3A_0, %arg0 : i32
    %mul3A_1 = arith.constant 10240 : i32
    %mul3A_2 = arith.muli %add3A, %mul3A_1 : i32
    %add3A_3 = arith.constant 0 : i32
    %add3A_4 = arith.addi %mul3A_2, %add3A_3 : i32
    %dma_start3A = arith.constant 0 : i32
    %dma_start3A_5 = arith.constant 0 : i32
    %dma_start3A_6 = arith.constant 0 : i32
    %dma_start3A_7 = arith.constant 0 : i32
    %dma_start3A_8 = tpu.memref_slice %arg6[%dma_start3A, %dma_start3A_6, %dma_start3A_7] : memref<2x256x128xf32, #tpu.memory_space<vmem>> -> memref<1x256x128xf32, #tpu.memory_space<vmem>>
    %dma_start3A_9 = tpu.memref_squeeze %dma_start3A_8 : memref<1x256x128xf32, #tpu.memory_space<vmem>> -> memref<256x128xf32, #tpu.memory_space<vmem>>
    %dma_start3A_10 = arith.constant 0 : i32
    %dma_start3A_11 = tpu.memref_slice %arg2[%add3A_4, %dma_start3A_10] : memref<524288x128xf32, #tpu.memory_space<hbm>> -> memref<256x128xf32, #tpu.memory_space<hbm>>
    %dma_start3A_12 = tpu.memref_slice %arg9[%dma_start3A_5] : memref<2x!tpu.dma_semaphore, #tpu.memory_space<semaphore_mem>> -> memref<1x!tpu.dma_semaphore, #tpu.memory_space<semaphore_mem>>
    %dma_start3A_13 = tpu.memref_squeeze %dma_start3A_12 : memref<1x!tpu.dma_semaphore, #tpu.memory_space<semaphore_mem>> -> memref<!tpu.dma_semaphore, #tpu.memory_space<semaphore_mem>>
    %dma_start3A_14 = arith.constant 0 : i32
    %dma_start3A_15 = arith.constant 0 : i32
    %dma_start3A_16 = tpu.memref_slice %arg6[%dma_start3A, %dma_start3A_14, %dma_start3A_15] : memref<2x256x128xf32, #tpu.memory_space<vmem>> -> memref<1x256x128xf32, #tpu.memory_space<vmem>>
    %dma_start3A_17 = tpu.memref_squeeze %dma_start3A_16 : memref<1x256x128xf32, #tpu.memory_space<vmem>> -> memref<256x128xf32, #tpu.memory_space<vmem>>
    %dma_start3A_18 = arith.constant 0 : i32
    %dma_start3A_19 = tpu.memref_slice %arg2[%add3A_4, %dma_start3A_18] : memref<524288x128xf32, #tpu.memory_space<hbm>> -> memref<256x128xf32, #tpu.memory_space<hbm>>
    tpu.enqueue_dma source(%dma_start3A_19 : memref<256x128xf32, #tpu.memory_space<hbm>>) target(%dma_start3A_17 : memref<256x128xf32, #tpu.memory_space<vmem>>) target_semaphore(%dma_start3A_13 : memref<!tpu.dma_semaphore, #tpu.memory_space<semaphore_mem>>)
    %add3A_20 = arith.constant 256 : i32
    %add3A_21 = arith.addi %mul3A_2, %add3A_20 : i32
    %dma_start3A_22 = arith.constant 1 : i32
    %dma_start3A_23 = arith.constant 1 : i32
    %dma_start3A_24 = arith.constant 0 : i32
    %dma_start3A_25 = arith.constant 0 : i32
    %dma_start3A_26 = tpu.memref_slice %arg6[%dma_start3A_22, %dma_start3A_24, %dma_start3A_25] : memref<2x256x128xf32, #tpu.memory_space<vmem>> -> memref<1x256x128xf32, #tpu.memory_space<vmem>>
    %dma_start3A_27 = tpu.memref_squeeze %dma_start3A_26 : memref<1x256x128xf32, #tpu.memory_space<vmem>> -> memref<256x128xf32, #tpu.memory_space<vmem>>
    %dma_start3A_28 = arith.constant 0 : i32
    %dma_start3A_29 = tpu.memref_slice %arg2[%add3A_21, %dma_start3A_28] : memref<524288x128xf32, #tpu.memory_space<hbm>> -> memref<256x128xf32, #tpu.memory_space<hbm>>
    %dma_start3A_30 = tpu.memref_slice %arg9[%dma_start3A_23] : memref<2x!tpu.dma_semaphore, #tpu.memory_space<semaphore_mem>> -> memref<1x!tpu.dma_semaphore, #tpu.memory_space<semaphore_mem>>
    %dma_start3A_31 = tpu.memref_squeeze %dma_start3A_30 : memref<1x!tpu.dma_semaphore, #tpu.memory_space<semaphore_mem>> -> memref<!tpu.dma_semaphore, #tpu.memory_space<semaphore_mem>>
    %dma_start3A_32 = arith.constant 0 : i32
    %dma_start3A_33 = arith.constant 0 : i32
    %dma_start3A_34 = tpu.memref_slice %arg6[%dma_start3A_22, %dma_start3A_32, %dma_start3A_33] : memref<2x256x128xf32, #tpu.memory_space<vmem>> -> memref<1x256x128xf32, #tpu.memory_space<vmem>>
    %dma_start3A_35 = tpu.memref_squeeze %dma_start3A_34 : memref<1x256x128xf32, #tpu.memory_space<vmem>> -> memref<256x128xf32, #tpu.memory_space<vmem>>
    %dma_start3A_36 = arith.constant 0 : i32
    %dma_start3A_37 = tpu.memref_slice %arg2[%add3A_21, %dma_start3A_36] : memref<524288x128xf32, #tpu.memory_space<hbm>> -> memref<256x128xf32, #tpu.memory_space<hbm>>
    tpu.enqueue_dma source(%dma_start3A_37 : memref<256x128xf32, #tpu.memory_space<hbm>>) target(%dma_start3A_35 : memref<256x128xf32, #tpu.memory_space<vmem>>) target_semaphore(%dma_start3A_31 : memref<!tpu.dma_semaphore, #tpu.memory_space<semaphore_mem>>)
    %scan3A = arith.constant 0 : i32
    %scan3A_38 = arith.constant 20 : i32
    %scan3A_39 = arith.addi %scan3A, %scan3A_38 : i32
    %scan3A_40 = arith.constant 1 : i32
    scf.for %scan3A_75 = %scan3A to %scan3A_39 step %scan3A_40  : i32 {
      %mul3A_76 = arith.constant 1 : i32
      %mul3A_77 = arith.muli %scan3A_75, %mul3A_76 : i32
      %add3A_78 = arith.constant 0 : i32
      %add3A_79 = arith.addi %add3A_78, %mul3A_77 : i32
      %mul3A_80 = arith.constant 2 : i32
      %mul3A_81 = arith.muli %add3A_79, %mul3A_80 : i32
      %add3A_82 = arith.constant 0 : i32
      %add3A_83 = arith.addi %mul3A_81, %add3A_82 : i32
      %mul3A_84 = arith.constant 256 : i32
      %mul3A_85 = arith.muli %add3A_83, %mul3A_84 : i32
      %add3A_86 = arith.addi %mul3A_2, %mul3A_85 : i32
      %dma_wait3A_87 = arith.constant 0 : i32
      %dma_wait3A_88 = arith.constant 0 : i32
      %dma_wait3A_89 = arith.constant 0 : i32
      %dma_wait3A_90 = arith.constant 0 : i32
      %dma_wait3A_91 = tpu.memref_slice %arg6[%dma_wait3A_87, %dma_wait3A_89, %dma_wait3A_90] : memref<2x256x128xf32, #tpu.memory_space<vmem>> -> memref<1x256x128xf32, #tpu.memory_space<vmem>>
      %dma_wait3A_92 = tpu.memref_squeeze %dma_wait3A_91 : memref<1x256x128xf32, #tpu.memory_space<vmem>> -> memref<256x128xf32, #tpu.memory_space<vmem>>
      %dma_wait3A_93 = arith.constant 0 : i32
      %dma_wait3A_94 = tpu.memref_slice %arg2[%add3A_86, %dma_wait3A_93] : memref<524288x128xf32, #tpu.memory_space<hbm>> -> memref<256x128xf32, #tpu.memory_space<hbm>>
      %dma_wait3A_95 = tpu.memref_slice %arg9[%dma_wait3A_88] : memref<2x!tpu.dma_semaphore, #tpu.memory_space<semaphore_mem>> -> memref<1x!tpu.dma_semaphore, #tpu.memory_space<semaphore_mem>>
      %dma_wait3A_96 = tpu.memref_squeeze %dma_wait3A_95 : memref<1x!tpu.dma_semaphore, #tpu.memory_space<semaphore_mem>> -> memref<!tpu.dma_semaphore, #tpu.memory_space<semaphore_mem>>
      %dma_wait3A_97 = arith.constant 0 : i32
      %dma_wait3A_98 = arith.constant 0 : i32
      %dma_wait3A_99 = tpu.memref_slice %arg6[%dma_wait3A_87, %dma_wait3A_97, %dma_wait3A_98] : memref<2x256x128xf32, #tpu.memory_space<vmem>> -> memref<1x256x128xf32, #tpu.memory_space<vmem>>
      %dma_wait3A_100 = tpu.memref_squeeze %dma_wait3A_99 : memref<1x256x128xf32, #tpu.memory_space<vmem>> -> memref<256x128xf32, #tpu.memory_space<vmem>>
      %dma_wait3A_101 = arith.constant 0 : i32
      %dma_wait3A_102 = tpu.memref_slice %arg2[%add3A_86, %dma_wait3A_101] : memref<524288x128xf32, #tpu.memory_space<hbm>> -> memref<256x128xf32, #tpu.memory_space<hbm>>
      tpu.wait_dma2 semaphore(%dma_wait3A_96 : memref<!tpu.dma_semaphore, #tpu.memory_space<semaphore_mem>>) src(%dma_wait3A_102 : memref<256x128xf32, #tpu.memory_space<hbm>>) dst(%dma_wait3A_100 : memref<256x128xf32, #tpu.memory_space<vmem>>)
      %dma_start3A_103 = arith.constant 0 : i32
      %dma_start3A_104 = arith.constant 0 : i32
      %dma_start3A_105 = arith.constant 0 : i32
      %dma_start3A_106 = arith.constant 0 : i32
      %dma_start3A_107 = tpu.memref_slice %arg6[%dma_start3A_103, %dma_start3A_105, %dma_start3A_106] : memref<2x256x128xf32, #tpu.memory_space<vmem>> -> memref<1x256x128xf32, #tpu.memory_space<vmem>>
      %dma_start3A_108 = tpu.memref_squeeze %dma_start3A_107 : memref<1x256x128xf32, #tpu.memory_space<vmem>> -> memref<256x128xf32, #tpu.memory_space<vmem>>
      %dma_start3A_109 = arith.constant 0 : i32
      %dma_start3A_110 = tpu.memref_slice %arg5[%add3A_86, %dma_start3A_109] : memref<524288x128xf32, #tpu.memory_space<hbm>> -> memref<256x128xf32, #tpu.memory_space<hbm>>
      %dma_start3A_111 = tpu.memref_slice %arg10[%dma_start3A_104] : memref<2x!tpu.dma_semaphore, #tpu.memory_space<semaphore_mem>> -> memref<1x!tpu.dma_semaphore, #tpu.memory_space<semaphore_mem>>
      %dma_start3A_112 = tpu.memref_squeeze %dma_start3A_111 : memref<1x!tpu.dma_semaphore, #tpu.memory_space<semaphore_mem>> -> memref<!tpu.dma_semaphore, #tpu.memory_space<semaphore_mem>>
      %dma_start3A_113 = arith.constant 0 : i32
      %dma_start3A_114 = tpu.memref_slice %arg5[%add3A_86, %dma_start3A_113] : memref<524288x128xf32, #tpu.memory_space<hbm>> -> memref<256x128xf32, #tpu.memory_space<hbm>>
      %dma_start3A_115 = arith.constant 0 : i32
      %dma_start3A_116 = arith.constant 0 : i32
      %dma_start3A_117 = tpu.memref_slice %arg6[%dma_start3A_103, %dma_start3A_115, %dma_start3A_116] : memref<2x256x128xf32, #tpu.memory_space<vmem>> -> memref<1x256x128xf32, #tpu.memory_space<vmem>>
      %dma_start3A_118 = tpu.memref_squeeze %dma_start3A_117 : memref<1x256x128xf32, #tpu.memory_space<vmem>> -> memref<256x128xf32, #tpu.memory_space<vmem>>
      tpu.enqueue_dma source(%dma_start3A_118 : memref<256x128xf32, #tpu.memory_space<vmem>>) target(%dma_start3A_114 : memref<256x128xf32, #tpu.memory_space<hbm>>) target_semaphore(%dma_start3A_112 : memref<!tpu.dma_semaphore, #tpu.memory_space<semaphore_mem>>)
      %add3A_119 = arith.constant 2 : i32
      %add3A_120 = arith.addi %add3A_83, %add3A_119 : i32
      %lt3A = arith.constant 40 : i32
      %lt3A_121 = arith.cmpi slt, %add3A_120, %lt3A : i32
      %convert_element_type3A = arith.extui %lt3A_121 : i1 to i32
      %cond3A = arith.constant 0 : i32
      %cond3A_122 = arith.cmpi ne, %convert_element_type3A, %cond3A : i32
      scf.if %cond3A_122 {
        %dma_wait3A_169 = arith.constant 0 : i32
        %dma_wait3A_170 = arith.constant 0 : i32
        %dma_wait3A_171 = arith.constant 0 : i32
        %dma_wait3A_172 = arith.constant 0 : i32
        %dma_wait3A_173 = tpu.memref_slice %arg6[%dma_wait3A_169, %dma_wait3A_171, %dma_wait3A_172] : memref<2x256x128xf32, #tpu.memory_space<vmem>> -> memref<1x256x128xf32, #tpu.memory_space<vmem>>
        %dma_wait3A_174 = tpu.memref_squeeze %dma_wait3A_173 : memref<1x256x128xf32, #tpu.memory_space<vmem>> -> memref<256x128xf32, #tpu.memory_space<vmem>>
        %dma_wait3A_175 = arith.constant 0 : i32
        %dma_wait3A_176 = tpu.memref_slice %arg5[%add3A_86, %dma_wait3A_175] : memref<524288x128xf32, #tpu.memory_space<hbm>> -> memref<256x128xf32, #tpu.memory_space<hbm>>
        %dma_wait3A_177 = tpu.memref_slice %arg10[%dma_wait3A_170] : memref<2x!tpu.dma_semaphore, #tpu.memory_space<semaphore_mem>> -> memref<1x!tpu.dma_semaphore, #tpu.memory_space<semaphore_mem>>
        %dma_wait3A_178 = tpu.memref_squeeze %dma_wait3A_177 : memref<1x!tpu.dma_semaphore, #tpu.memory_space<semaphore_mem>> -> memref<!tpu.dma_semaphore, #tpu.memory_space<semaphore_mem>>
        %dma_wait3A_179 = arith.constant 0 : i32
        %dma_wait3A_180 = tpu.memref_slice %arg5[%add3A_86, %dma_wait3A_179] : memref<524288x128xf32, #tpu.memory_space<hbm>> -> memref<256x128xf32, #tpu.memory_space<hbm>>
        %dma_wait3A_181 = arith.constant 0 : i32
        %dma_wait3A_182 = arith.constant 0 : i32
        %dma_wait3A_183 = tpu.memref_slice %arg6[%dma_wait3A_169, %dma_wait3A_181, %dma_wait3A_182] : memref<2x256x128xf32, #tpu.memory_space<vmem>> -> memref<1x256x128xf32, #tpu.memory_space<vmem>>
        %dma_wait3A_184 = tpu.memref_squeeze %dma_wait3A_183 : memref<1x256x128xf32, #tpu.memory_space<vmem>> -> memref<256x128xf32, #tpu.memory_space<vmem>>
        tpu.wait_dma2 semaphore(%dma_wait3A_178 : memref<!tpu.dma_semaphore, #tpu.memory_space<semaphore_mem>>) src(%dma_wait3A_184 : memref<256x128xf32, #tpu.memory_space<vmem>>) dst(%dma_wait3A_180 : memref<256x128xf32, #tpu.memory_space<hbm>>)
        %mul3A_185 = arith.constant 256 : i32
        %mul3A_186 = arith.muli %add3A_120, %mul3A_185 : i32
        %add3A_187 = arith.addi %mul3A_2, %mul3A_186 : i32
        %dma_start3A_188 = arith.constant 0 : i32
        %dma_start3A_189 = arith.constant 0 : i32
        %dma_start3A_190 = arith.constant 0 : i32
        %dma_start3A_191 = arith.constant 0 : i32
        %dma_start3A_192 = tpu.memref_slice %arg6[%dma_start3A_188, %dma_start3A_190, %dma_start3A_191] : memref<2x256x128xf32, #tpu.memory_space<vmem>> -> memref<1x256x128xf32, #tpu.memory_space<vmem>>
        %dma_start3A_193 = tpu.memref_squeeze %dma_start3A_192 : memref<1x256x128xf32, #tpu.memory_space<vmem>> -> memref<256x128xf32, #tpu.memory_space<vmem>>
        %dma_start3A_194 = arith.constant 0 : i32
        %dma_start3A_195 = tpu.memref_slice %arg2[%add3A_187, %dma_start3A_194] : memref<524288x128xf32, #tpu.memory_space<hbm>> -> memref<256x128xf32, #tpu.memory_space<hbm>>
        %dma_start3A_196 = tpu.memref_slice %arg9[%dma_start3A_189] : memref<2x!tpu.dma_semaphore, #tpu.memory_space<semaphore_mem>> -> memref<1x!tpu.dma_semaphore, #tpu.memory_space<semaphore_mem>>
        %dma_start3A_197 = tpu.memref_squeeze %dma_start3A_196 : memref<1x!tpu.dma_semaphore, #tpu.memory_space<semaphore_mem>> -> memref<!tpu.dma_semaphore, #tpu.memory_space<semaphore_mem>>
        %dma_start3A_198 = arith.constant 0 : i32
        %dma_start3A_199 = arith.constant 0 : i32
        %dma_start3A_200 = tpu.memref_slice %arg6[%dma_start3A_188, %dma_start3A_198, %dma_start3A_199] : memref<2x256x128xf32, #tpu.memory_space<vmem>> -> memref<1x256x128xf32, #tpu.memory_space<vmem>>
        %dma_start3A_201 = tpu.memref_squeeze %dma_start3A_200 : memref<1x256x128xf32, #tpu.memory_space<vmem>> -> memref<256x128xf32, #tpu.memory_space<vmem>>
        %dma_start3A_202 = arith.constant 0 : i32
        %dma_start3A_203 = tpu.memref_slice %arg2[%add3A_187, %dma_start3A_202] : memref<524288x128xf32, #tpu.memory_space<hbm>> -> memref<256x128xf32, #tpu.memory_space<hbm>>
        tpu.enqueue_dma source(%dma_start3A_203 : memref<256x128xf32, #tpu.memory_space<hbm>>) target(%dma_start3A_201 : memref<256x128xf32, #tpu.memory_space<vmem>>) target_semaphore(%dma_start3A_197 : memref<!tpu.dma_semaphore, #tpu.memory_space<semaphore_mem>>)
      } else {
      }
      %mul3A_123 = arith.constant 2 : i32
      %mul3A_124 = arith.muli %add3A_79, %mul3A_123 : i32
      %add3A_125 = arith.constant 1 : i32
      %add3A_126 = arith.addi %mul3A_124, %add3A_125 : i32
      %mul3A_127 = arith.constant 256 : i32
      %mul3A_128 = arith.muli %add3A_126, %mul3A_127 : i32
      %add3A_129 = arith.addi %mul3A_2, %mul3A_128 : i32
      %dma_wait3A_130 = arith.constant 1 : i32
      %dma_wait3A_131 = arith.constant 1 : i32
      %dma_wait3A_132 = arith.constant 0 : i32
      %dma_wait3A_133 = arith.constant 0 : i32
      %dma_wait3A_134 = tpu.memref_slice %arg6[%dma_wait3A_130, %dma_wait3A_132, %dma_wait3A_133] : memref<2x256x128xf32, #tpu.memory_space<vmem>> -> memref<1x256x128xf32, #tpu.memory_space<vmem>>
      %dma_wait3A_135 = tpu.memref_squeeze %dma_wait3A_134 : memref<1x256x128xf32, #tpu.memory_space<vmem>> -> memref<256x128xf32, #tpu.memory_space<vmem>>
      %dma_wait3A_136 = arith.constant 0 : i32
      %dma_wait3A_137 = tpu.memref_slice %arg2[%add3A_129, %dma_wait3A_136] : memref<524288x128xf32, #tpu.memory_space<hbm>> -> memref<256x128xf32, #tpu.memory_space<hbm>>
      %dma_wait3A_138 = tpu.memref_slice %arg9[%dma_wait3A_131] : memref<2x!tpu.dma_semaphore, #tpu.memory_space<semaphore_mem>> -> memref<1x!tpu.dma_semaphore, #tpu.memory_space<semaphore_mem>>
      %dma_wait3A_139 = tpu.memref_squeeze %dma_wait3A_138 : memref<1x!tpu.dma_semaphore, #tpu.memory_space<semaphore_mem>> -> memref<!tpu.dma_semaphore, #tpu.memory_space<semaphore_mem>>
      %dma_wait3A_140 = arith.constant 0 : i32
      %dma_wait3A_141 = arith.constant 0 : i32
      %dma_wait3A_142 = tpu.memref_slice %arg6[%dma_wait3A_130, %dma_wait3A_140, %dma_wait3A_141] : memref<2x256x128xf32, #tpu.memory_space<vmem>> -> memref<1x256x128xf32, #tpu.memory_space<vmem>>
      %dma_wait3A_143 = tpu.memref_squeeze %dma_wait3A_142 : memref<1x256x128xf32, #tpu.memory_space<vmem>> -> memref<256x128xf32, #tpu.memory_space<vmem>>
      %dma_wait3A_144 = arith.constant 0 : i32
      %dma_wait3A_145 = tpu.memref_slice %arg2[%add3A_129, %dma_wait3A_144] : memref<524288x128xf32, #tpu.memory_space<hbm>> -> memref<256x128xf32, #tpu.memory_space<hbm>>
      tpu.wait_dma2 semaphore(%dma_wait3A_139 : memref<!tpu.dma_semaphore, #tpu.memory_space<semaphore_mem>>) src(%dma_wait3A_145 : memref<256x128xf32, #tpu.memory_space<hbm>>) dst(%dma_wait3A_143 : memref<256x128xf32, #tpu.memory_space<vmem>>)
      %dma_start3A_146 = arith.constant 1 : i32
      %dma_start3A_147 = arith.constant 1 : i32
      %dma_start3A_148 = arith.constant 0 : i32
      %dma_start3A_149 = arith.constant 0 : i32
      %dma_start3A_150 = tpu.memref_slice %arg6[%dma_start3A_146, %dma_start3A_148, %dma_start3A_149] : memref<2x256x128xf32, #tpu.memory_space<vmem>> -> memref<1x256x128xf32, #tpu.memory_space<vmem>>
      %dma_start3A_151 = tpu.memref_squeeze %dma_start3A_150 : memref<1x256x128xf32, #tpu.memory_space<vmem>> -> memref<256x128xf32, #tpu.memory_space<vmem>>
      %dma_start3A_152 = arith.constant 0 : i32
      %dma_start3A_153 = tpu.memref_slice %arg5[%add3A_129, %dma_start3A_152] : memref<524288x128xf32, #tpu.memory_space<hbm>> -> memref<256x128xf32, #tpu.memory_space<hbm>>
      %dma_start3A_154 = tpu.memref_slice %arg10[%dma_start3A_147] : memref<2x!tpu.dma_semaphore, #tpu.memory_space<semaphore_mem>> -> memref<1x!tpu.dma_semaphore, #tpu.memory_space<semaphore_mem>>
      %dma_start3A_155 = tpu.memref_squeeze %dma_start3A_154 : memref<1x!tpu.dma_semaphore, #tpu.memory_space<semaphore_mem>> -> memref<!tpu.dma_semaphore, #tpu.memory_space<semaphore_mem>>
      %dma_start3A_156 = arith.constant 0 : i32
      %dma_start3A_157 = tpu.memref_slice %arg5[%add3A_129, %dma_start3A_156] : memref<524288x128xf32, #tpu.memory_space<hbm>> -> memref<256x128xf32, #tpu.memory_space<hbm>>
      %dma_start3A_158 = arith.constant 0 : i32
      %dma_start3A_159 = arith.constant 0 : i32
      %dma_start3A_160 = tpu.memref_slice %arg6[%dma_start3A_146, %dma_start3A_158, %dma_start3A_159] : memref<2x256x128xf32, #tpu.memory_space<vmem>> -> memref<1x256x128xf32, #tpu.memory_space<vmem>>
      %dma_start3A_161 = tpu.memref_squeeze %dma_start3A_160 : memref<1x256x128xf32, #tpu.memory_space<vmem>> -> memref<256x128xf32, #tpu.memory_space<vmem>>
      tpu.enqueue_dma source(%dma_start3A_161 : memref<256x128xf32, #tpu.memory_space<vmem>>) target(%dma_start3A_157 : memref<256x128xf32, #tpu.memory_space<hbm>>) target_semaphore(%dma_start3A_155 : memref<!tpu.dma_semaphore, #tpu.memory_space<semaphore_mem>>)
      %add3A_162 = arith.constant 2 : i32
      %add3A_163 = arith.addi %add3A_126, %add3A_162 : i32
      %lt3A_164 = arith.constant 40 : i32
      %lt3A_165 = arith.cmpi slt, %add3A_163, %lt3A_164 : i32
      %convert_element_type3A_166 = arith.extui %lt3A_165 : i1 to i32
      %cond3A_167 = arith.constant 0 : i32
      %cond3A_168 = arith.cmpi ne, %convert_element_type3A_166, %cond3A_167 : i32
      scf.if %cond3A_168 {
        %dma_wait3A_169 = arith.constant 1 : i32
        %dma_wait3A_170 = arith.constant 1 : i32
        %dma_wait3A_171 = arith.constant 0 : i32
        %dma_wait3A_172 = arith.constant 0 : i32
        %dma_wait3A_173 = tpu.memref_slice %arg6[%dma_wait3A_169, %dma_wait3A_171, %dma_wait3A_172] : memref<2x256x128xf32, #tpu.memory_space<vmem>> -> memref<1x256x128xf32, #tpu.memory_space<vmem>>
        %dma_wait3A_174 = tpu.memref_squeeze %dma_wait3A_173 : memref<1x256x128xf32, #tpu.memory_space<vmem>> -> memref<256x128xf32, #tpu.memory_space<vmem>>
        %dma_wait3A_175 = arith.constant 0 : i32
        %dma_wait3A_176 = tpu.memref_slice %arg5[%add3A_129, %dma_wait3A_175] : memref<524288x128xf32, #tpu.memory_space<hbm>> -> memref<256x128xf32, #tpu.memory_space<hbm>>
        %dma_wait3A_177 = tpu.memref_slice %arg10[%dma_wait3A_170] : memref<2x!tpu.dma_semaphore, #tpu.memory_space<semaphore_mem>> -> memref<1x!tpu.dma_semaphore, #tpu.memory_space<semaphore_mem>>
        %dma_wait3A_178 = tpu.memref_squeeze %dma_wait3A_177 : memref<1x!tpu.dma_semaphore, #tpu.memory_space<semaphore_mem>> -> memref<!tpu.dma_semaphore, #tpu.memory_space<semaphore_mem>>
        %dma_wait3A_179 = arith.constant 0 : i32
        %dma_wait3A_180 = tpu.memref_slice %arg5[%add3A_129, %dma_wait3A_179] : memref<524288x128xf32, #tpu.memory_space<hbm>> -> memref<256x128xf32, #tpu.memory_space<hbm>>
        %dma_wait3A_181 = arith.constant 0 : i32
        %dma_wait3A_182 = arith.constant 0 : i32
        %dma_wait3A_183 = tpu.memref_slice %arg6[%dma_wait3A_169, %dma_wait3A_181, %dma_wait3A_182] : memref<2x256x128xf32, #tpu.memory_space<vmem>> -> memref<1x256x128xf32, #tpu.memory_space<vmem>>
        %dma_wait3A_184 = tpu.memref_squeeze %dma_wait3A_183 : memref<1x256x128xf32, #tpu.memory_space<vmem>> -> memref<256x128xf32, #tpu.memory_space<vmem>>
        tpu.wait_dma2 semaphore(%dma_wait3A_178 : memref<!tpu.dma_semaphore, #tpu.memory_space<semaphore_mem>>) src(%dma_wait3A_184 : memref<256x128xf32, #tpu.memory_space<vmem>>) dst(%dma_wait3A_180 : memref<256x128xf32, #tpu.memory_space<hbm>>)
        %mul3A_185 = arith.constant 256 : i32
        %mul3A_186 = arith.muli %add3A_163, %mul3A_185 : i32
        %add3A_187 = arith.addi %mul3A_2, %mul3A_186 : i32
        %dma_start3A_188 = arith.constant 1 : i32
        %dma_start3A_189 = arith.constant 1 : i32
        %dma_start3A_190 = arith.constant 0 : i32
        %dma_start3A_191 = arith.constant 0 : i32
        %dma_start3A_192 = tpu.memref_slice %arg6[%dma_start3A_188, %dma_start3A_190, %dma_start3A_191] : memref<2x256x128xf32, #tpu.memory_space<vmem>> -> memref<1x256x128xf32, #tpu.memory_space<vmem>>
        %dma_start3A_193 = tpu.memref_squeeze %dma_start3A_192 : memref<1x256x128xf32, #tpu.memory_space<vmem>> -> memref<256x128xf32, #tpu.memory_space<vmem>>
        %dma_start3A_194 = arith.constant 0 : i32
        %dma_start3A_195 = tpu.memref_slice %arg2[%add3A_187, %dma_start3A_194] : memref<524288x128xf32, #tpu.memory_space<hbm>> -> memref<256x128xf32, #tpu.memory_space<hbm>>
        %dma_start3A_196 = tpu.memref_slice %arg9[%dma_start3A_189] : memref<2x!tpu.dma_semaphore, #tpu.memory_space<semaphore_mem>> -> memref<1x!tpu.dma_semaphore, #tpu.memory_space<semaphore_mem>>
        %dma_start3A_197 = tpu.memref_squeeze %dma_start3A_196 : memref<1x!tpu.dma_semaphore, #tpu.memory_space<semaphore_mem>> -> memref<!tpu.dma_semaphore, #tpu.memory_space<semaphore_mem>>
        %dma_start3A_198 = arith.constant 0 : i32
        %dma_start3A_199 = arith.constant 0 : i32
        %dma_start3A_200 = tpu.memref_slice %arg6[%dma_start3A_188, %dma_start3A_198, %dma_start3A_199] : memref<2x256x128xf32, #tpu.memory_space<vmem>> -> memref<1x256x128xf32, #tpu.memory_space<vmem>>
        %dma_start3A_201 = tpu.memref_squeeze %dma_start3A_200 : memref<1x256x128xf32, #tpu.memory_space<vmem>> -> memref<256x128xf32, #tpu.memory_space<vmem>>
        %dma_start3A_202 = arith.constant 0 : i32
        %dma_start3A_203 = tpu.memref_slice %arg2[%add3A_187, %dma_start3A_202] : memref<524288x128xf32, #tpu.memory_space<hbm>> -> memref<256x128xf32, #tpu.memory_space<hbm>>
        tpu.enqueue_dma source(%dma_start3A_203 : memref<256x128xf32, #tpu.memory_space<hbm>>) target(%dma_start3A_201 : memref<256x128xf32, #tpu.memory_space<vmem>>) target_semaphore(%dma_start3A_197 : memref<!tpu.dma_semaphore, #tpu.memory_space<semaphore_mem>>)
      } else {
      }
    }
    %scan3A_41 = arith.constant 20 : i32
    %dma_wait3A = arith.constant 0 : i32
    %dma_wait3A_42 = arith.constant 0 : i32
    %dma_wait3A_43 = arith.constant 0 : i32
    %dma_wait3A_44 = arith.constant 0 : i32
    %dma_wait3A_45 = tpu.memref_slice %arg6[%dma_wait3A, %dma_wait3A_43, %dma_wait3A_44] : memref<2x256x128xf32, #tpu.memory_space<vmem>> -> memref<1x256x128xf32, #tpu.memory_space<vmem>>
    %dma_wait3A_46 = tpu.memref_squeeze %dma_wait3A_45 : memref<1x256x128xf32, #tpu.memory_space<vmem>> -> memref<256x128xf32, #tpu.memory_space<vmem>>
    %dma_wait3A_47 = arith.constant 0 : i32
    %dma_wait3A_48 = tpu.memref_slice %arg5[%mul3A_2, %dma_wait3A_47] : memref<524288x128xf32, #tpu.memory_space<hbm>> -> memref<256x128xf32, #tpu.memory_space<hbm>>
    %dma_wait3A_49 = tpu.memref_slice %arg10[%dma_wait3A_42] : memref<2x!tpu.dma_semaphore, #tpu.memory_space<semaphore_mem>> -> memref<1x!tpu.dma_semaphore, #tpu.memory_space<semaphore_mem>>
    %dma_wait3A_50 = tpu.memref_squeeze %dma_wait3A_49 : memref<1x!tpu.dma_semaphore, #tpu.memory_space<semaphore_mem>> -> memref<!tpu.dma_semaphore, #tpu.memory_space<semaphore_mem>>
    %dma_wait3A_51 = arith.constant 0 : i32
    %dma_wait3A_52 = tpu.memref_slice %arg5[%mul3A_2, %dma_wait3A_51] : memref<524288x128xf32, #tpu.memory_space<hbm>> -> memref<256x128xf32, #tpu.memory_space<hbm>>
    %dma_wait3A_53 = arith.constant 0 : i32
    %dma_wait3A_54 = arith.constant 0 : i32
    %dma_wait3A_55 = tpu.memref_slice %arg6[%dma_wait3A, %dma_wait3A_53, %dma_wait3A_54] : memref<2x256x128xf32, #tpu.memory_space<vmem>> -> memref<1x256x128xf32, #tpu.memory_space<vmem>>
    %dma_wait3A_56 = tpu.memref_squeeze %dma_wait3A_55 : memref<1x256x128xf32, #tpu.memory_space<vmem>> -> memref<256x128xf32, #tpu.memory_space<vmem>>
    tpu.wait_dma2 semaphore(%dma_wait3A_50 : memref<!tpu.dma_semaphore, #tpu.memory_space<semaphore_mem>>) src(%dma_wait3A_56 : memref<256x128xf32, #tpu.memory_space<vmem>>) dst(%dma_wait3A_52 : memref<256x128xf32, #tpu.memory_space<hbm>>)
    %dma_wait3A_57 = arith.constant 1 : i32
    %dma_wait3A_58 = arith.constant 1 : i32
    %dma_wait3A_59 = arith.constant 0 : i32
    %dma_wait3A_60 = arith.constant 0 : i32
    %dma_wait3A_61 = tpu.memref_slice %arg6[%dma_wait3A_57, %dma_wait3A_59, %dma_wait3A_60] : memref<2x256x128xf32, #tpu.memory_space<vmem>> -> memref<1x256x128xf32, #tpu.memory_space<vmem>>
    %dma_wait3A_62 = tpu.memref_squeeze %dma_wait3A_61 : memref<1x256x128xf32, #tpu.memory_space<vmem>> -> memref<256x128xf32, #tpu.memory_space<vmem>>
    %dma_wait3A_63 = arith.constant 0 : i32
    %dma_wait3A_64 = tpu.memref_slice %arg5[%mul3A_2, %dma_wait3A_63] : memref<524288x128xf32, #tpu.memory_space<hbm>> -> memref<256x128xf32, #tpu.memory_space<hbm>>
    %dma_wait3A_65 = tpu.memref_slice %arg10[%dma_wait3A_58] : memref<2x!tpu.dma_semaphore, #tpu.memory_space<semaphore_mem>> -> memref<1x!tpu.dma_semaphore, #tpu.memory_space<semaphore_mem>>
    %dma_wait3A_66 = tpu.memref_squeeze %dma_wait3A_65 : memref<1x!tpu.dma_semaphore, #tpu.memory_space<semaphore_mem>> -> memref<!tpu.dma_semaphore, #tpu.memory_space<semaphore_mem>>
    %dma_wait3A_67 = arith.constant 0 : i32
    %dma_wait3A_68 = tpu.memref_slice %arg5[%mul3A_2, %dma_wait3A_67] : memref<524288x128xf32, #tpu.memory_space<hbm>> -> memref<256x128xf32, #tpu.memory_space<hbm>>
    %dma_wait3A_69 = arith.constant 0 : i32
    %dma_wait3A_70 = arith.constant 0 : i32
    %dma_wait3A_71 = tpu.memref_slice %arg6[%dma_wait3A_57, %dma_wait3A_69, %dma_wait3A_70] : memref<2x256x128xf32, #tpu.memory_space<vmem>> -> memref<1x256x128xf32, #tpu.memory_space<vmem>>
    %dma_wait3A_72 = tpu.memref_squeeze %dma_wait3A_71 : memref<1x256x128xf32, #tpu.memory_space<vmem>> -> memref<256x128xf32, #tpu.memory_space<vmem>>
    tpu.wait_dma2 semaphore(%dma_wait3A_66 : memref<!tpu.dma_semaphore, #tpu.memory_space<semaphore_mem>>) src(%dma_wait3A_72 : memref<256x128xf32, #tpu.memory_space<vmem>>) dst(%dma_wait3A_68 : memref<256x128xf32, #tpu.memory_space<hbm>>)
    "tpu.region"() ({
      %run_scoped3A_75 = tpu.sem_alloc : memref<!tpu.dma_semaphore, #tpu.memory_space<semaphore_mem>>
      %dma_start3A_76 = arith.constant 0 : i32
      %dma_start3A_77 = tpu.memref_slice %arg4[%add3A, %dma_start3A_76] : memref<32x80xi32, #tpu.memory_space<hbm>> -> memref<1x80xi32, #tpu.memory_space<hbm>>
      %dma_start3A_78 = arith.constant 0 : i32
      %dma_start3A_79 = tpu.memref_slice %arg4[%add3A, %dma_start3A_78] : memref<32x80xi32, #tpu.memory_space<hbm>> -> memref<1x80xi32, #tpu.memory_space<hbm>>
      tpu.enqueue_dma source(%dma_start3A_79 : memref<1x80xi32, #tpu.memory_space<hbm>>) target(%arg7 : memref<1x80xi32, #tpu.memory_space<vmem>>) target_semaphore(%run_scoped3A_75 : memref<!tpu.dma_semaphore, #tpu.memory_space<semaphore_mem>>)
      %dma_wait3A_80 = arith.constant 0 : i32
      %dma_wait3A_81 = tpu.memref_slice %arg4[%add3A, %dma_wait3A_80] : memref<32x80xi32, #tpu.memory_space<hbm>> -> memref<1x80xi32, #tpu.memory_space<hbm>>
      %dma_wait3A_82 = arith.constant 0 : i32
      %dma_wait3A_83 = tpu.memref_slice %arg4[%add3A, %dma_wait3A_82] : memref<32x80xi32, #tpu.memory_space<hbm>> -> memref<1x80xi32, #tpu.memory_space<hbm>>
      tpu.wait_dma2 semaphore(%run_scoped3A_75 : memref<!tpu.dma_semaphore, #tpu.memory_space<semaphore_mem>>) src(%dma_wait3A_83 : memref<1x80xi32, #tpu.memory_space<hbm>>) dst(%arg7 : memref<1x80xi32, #tpu.memory_space<vmem>>)
      tpu.yield
    }) : () -> ()
    %mul3A_73 = arith.constant 80 : i32
    %mul3A_74 = arith.muli %add3A, %mul3A_73 : i32
    "tpu.region"() ({
      %run_scoped3A_75 = tpu.sem_alloc : memref<!tpu.dma_semaphore, #tpu.memory_space<semaphore_mem>>
      %dma_start3A_76 = arith.constant 0 : i32
      %dma_start3A_77 = tpu.memref_slice %arg3[%mul3A_74, %dma_start3A_76] : memref<4096x128xf32, #tpu.memory_space<hbm>> -> memref<80x128xf32, #tpu.memory_space<hbm>>
      %dma_start3A_78 = arith.constant 0 : i32
      %dma_start3A_79 = tpu.memref_slice %arg3[%mul3A_74, %dma_start3A_78] : memref<4096x128xf32, #tpu.memory_space<hbm>> -> memref<80x128xf32, #tpu.memory_space<hbm>>
      tpu.enqueue_dma source(%dma_start3A_79 : memref<80x128xf32, #tpu.memory_space<hbm>>) target(%arg8 : memref<80x128xf32, #tpu.memory_space<vmem>>) target_semaphore(%run_scoped3A_75 : memref<!tpu.dma_semaphore, #tpu.memory_space<semaphore_mem>>)
      %dma_wait3A_80 = arith.constant 0 : i32
      %dma_wait3A_81 = tpu.memref_slice %arg3[%mul3A_74, %dma_wait3A_80] : memref<4096x128xf32, #tpu.memory_space<hbm>> -> memref<80x128xf32, #tpu.memory_space<hbm>>
      %dma_wait3A_82 = arith.constant 0 : i32
      %dma_wait3A_83 = tpu.memref_slice %arg3[%mul3A_74, %dma_wait3A_82] : memref<4096x128xf32, #tpu.memory_space<hbm>> -> memref<80x128xf32, #tpu.memory_space<hbm>>
      tpu.wait_dma2 semaphore(%run_scoped3A_75 : memref<!tpu.dma_semaphore, #tpu.memory_space<semaphore_mem>>) src(%dma_wait3A_83 : memref<80x128xf32, #tpu.memory_space<hbm>>) dst(%arg8 : memref<80x128xf32, #tpu.memory_space<vmem>>)
      tpu.yield
    }) : () -> ()
    %run_scoped3A = arith.constant 0 : i32
    "tpu.region"() ({
      %run_scoped3A_75 = tpu.sem_alloc : memref<!tpu.dma_semaphore, #tpu.memory_space<semaphore_mem>>
      %dma_start3A_76 = arith.constant 0 : i32
      %dma_start3A_77 = tpu.memref_slice %arg7[%run_scoped3A, %dma_start3A_76] : memref<1x80xi32, #tpu.memory_space<vmem>> -> memref<1x80xi32, #tpu.memory_space<vmem>>
      %dma_start3A_78 = tpu.memref_squeeze %dma_start3A_77 : memref<1x80xi32, #tpu.memory_space<vmem>> -> memref<80xi32, #tpu.memory_space<vmem>>
      %dma_start3A_79 = arith.constant 0 : i32
      %dma_start3A_80 = arith.constant 0 : i32
      %dma_start3A_81 = tpu.memref_slice %arg5[%dma_start3A_79, %dma_start3A_80] : memref<524288x128xf32, #tpu.memory_space<hbm>> -> memref<524288x128xf32, #tpu.memory_space<hbm>>
      tpu.enqueue_indirect_dma source(%arg8 : memref<80x128xf32, #tpu.memory_space<vmem>>) target(%dma_start3A_81 : memref<524288x128xf32, #tpu.memory_space<hbm>>) offsets(%dma_start3A_78 : memref<80xi32, #tpu.memory_space<vmem>>) semaphore(%run_scoped3A_75 : memref<!tpu.dma_semaphore, #tpu.memory_space<semaphore_mem>>)
      %dma_wait3A_82 = arith.constant 0 : i32
      %dma_wait3A_83 = tpu.memref_slice %arg7[%run_scoped3A, %dma_wait3A_82] : memref<1x80xi32, #tpu.memory_space<vmem>> -> memref<1x80xi32, #tpu.memory_space<vmem>>
      %dma_wait3A_84 = tpu.memref_squeeze %dma_wait3A_83 : memref<1x80xi32, #tpu.memory_space<vmem>> -> memref<80xi32, #tpu.memory_space<vmem>>
      %dma_wait3A_85 = arith.constant 0 : i32
      %dma_wait3A_86 = arith.constant 0 : i32
      %dma_wait3A_87 = tpu.memref_slice %arg5[%dma_wait3A_85, %dma_wait3A_86] : memref<524288x128xf32, #tpu.memory_space<hbm>> -> memref<524288x128xf32, #tpu.memory_space<hbm>>
      tpu.wait_indirect_dma semaphore(%run_scoped3A_75 : memref<!tpu.dma_semaphore, #tpu.memory_space<semaphore_mem>>) src(%arg8 : memref<80x128xf32, #tpu.memory_space<vmem>>) dst(%dma_wait3A_87 : memref<524288x128xf32, #tpu.memory_space<hbm>>)
      tpu.yield
    }) : () -> ()
    return
  }
}

module attributes {stable_mosaic.version = 14 : i64} {
  func.func @_tc_body(%arg0: i32, %arg1: memref<16xi32, #tpu.memory_space<smem>>, %arg2: memref<8x2048x128xf32, #tpu.memory_space<vmem>>, %arg3: memref<8x16x128xf32, #tpu.memory_space<vmem>>, %arg4: memref<8x2048x128xf32, #tpu.memory_space<vmem>>) attributes {dimension_semantics = [#tpu.dimension_semantics<arbitrary>], iteration_bounds = array<i64: 32>, scalar_prefetch = 1 : i64, scratch_operands = 0 : i64, tpu.core_type = #tpu.core_type<tc>, window_params = [{transform_indices = @transform_0, window_bounds = array<i64: 8, 2048, 128>}, {transform_indices = @transform_1, window_bounds = array<i64: 8, 16, 128>}, {transform_indices = @transform_2, window_bounds = array<i64: 8, 2048, 128>}]} {
    %get3A = arith.constant 0 : index
    %get3A_0 = arith.constant 0 : index
    %get3A_1 = arith.constant 0 : index
    %get3A_2 = vector.load %arg2[%get3A, %get3A_0, %get3A_1] : memref<8x2048x128xf32, #tpu.memory_space<vmem>>, vector<8x2048x128xf32>
    %swap3A = arith.constant 0 : index
    %swap3A_3 = arith.constant 0 : index
    %swap3A_4 = arith.constant 0 : index
    %swap3A_5 = vector.load %arg4[%swap3A, %swap3A_3, %swap3A_4] : memref<8x2048x128xf32, #tpu.memory_space<vmem>>, vector<8x2048x128xf32>
    tpu.vector_store %arg4[%swap3A, %swap3A_3, %swap3A_4], %get3A_2 {strides = array<i32>} : memref<8x2048x128xf32, #tpu.memory_space<vmem>>, vector<8x2048x128xf32>,
    %get3A_6 = arith.constant 0 : index
    %get3A_7 = memref.load %arg1[%get3A_6] : memref<16xi32, #tpu.memory_space<smem>>
    %get3A_8 = arith.constant 0 : index
    %get3A_9 = arith.constant 0 : index
    %get3A_10 = arith.constant 0 : index
    %get3A_11 = vector.load %arg3[%get3A_8, %get3A_9, %get3A_10] : memref<8x16x128xf32, #tpu.memory_space<vmem>>, vector<1x1x128xf32>
    %get3A_12 = vector.shape_cast %get3A_11 : vector<1x1x128xf32> to vector<1x128xf32>
    %swap3A_13 = arith.constant 0 : index
    %swap3A_14 = arith.index_cast %get3A_7 : i32 to index
    %swap3A_15 = arith.constant 0 : index
    %swap3A_16 = vector.load %arg4[%swap3A_13, %swap3A_14, %swap3A_15] : memref<8x2048x128xf32, #tpu.memory_space<vmem>>, vector<1x1x128xf32>
    %swap3A_17 = vector.shape_cast %swap3A_16 : vector<1x1x128xf32> to vector<1x128xf32>
    %swap3A_18 = vector.shape_cast %get3A_12 : vector<1x128xf32> to vector<1x1x128xf32>
    tpu.vector_store %arg4[%swap3A_13, %swap3A_14, %swap3A_15], %swap3A_18 {strides = array<i32>} : memref<8x2048x128xf32, #tpu.memory_space<vmem>>, vector<1x1x128xf32>,
    %get3A_19 = arith.constant 1 : index
    %get3A_20 = memref.load %arg1[%get3A_19] : memref<16xi32, #tpu.memory_space<smem>>
    %get3A_21 = arith.constant 0 : index
    %get3A_22 = arith.constant 1 : index
    %get3A_23 = arith.constant 0 : index
    %get3A_24 = vector.load %arg3[%get3A_21, %get3A_22, %get3A_23] : memref<8x16x128xf32, #tpu.memory_space<vmem>>, vector<1x1x128xf32>
    %get3A_25 = vector.shape_cast %get3A_24 : vector<1x1x128xf32> to vector<1x128xf32>
    %swap3A_26 = arith.constant 0 : index
    %swap3A_27 = arith.index_cast %get3A_20 : i32 to index
    %swap3A_28 = arith.constant 0 : index
    %swap3A_29 = vector.load %arg4[%swap3A_26, %swap3A_27, %swap3A_28] : memref<8x2048x128xf32, #tpu.memory_space<vmem>>, vector<1x1x128xf32>
    %swap3A_30 = vector.shape_cast %swap3A_29 : vector<1x1x128xf32> to vector<1x128xf32>
    %swap3A_31 = vector.shape_cast %get3A_25 : vector<1x128xf32> to vector<1x1x128xf32>
    tpu.vector_store %arg4[%swap3A_26, %swap3A_27, %swap3A_28], %swap3A_31 {strides = array<i32>} : memref<8x2048x128xf32, #tpu.memory_space<vmem>>, vector<1x1x128xf32>,
    %get3A_32 = arith.constant 2 : index
    %get3A_33 = memref.load %arg1[%get3A_32] : memref<16xi32, #tpu.memory_space<smem>>
    %get3A_34 = arith.constant 0 : index
    %get3A_35 = arith.constant 2 : index
    %get3A_36 = arith.constant 0 : index
    %get3A_37 = vector.load %arg3[%get3A_34, %get3A_35, %get3A_36] : memref<8x16x128xf32, #tpu.memory_space<vmem>>, vector<1x1x128xf32>
    %get3A_38 = vector.shape_cast %get3A_37 : vector<1x1x128xf32> to vector<1x128xf32>
    %swap3A_39 = arith.constant 0 : index
    %swap3A_40 = arith.index_cast %get3A_33 : i32 to index
    %swap3A_41 = arith.constant 0 : index
    %swap3A_42 = vector.load %arg4[%swap3A_39, %swap3A_40, %swap3A_41] : memref<8x2048x128xf32, #tpu.memory_space<vmem>>, vector<1x1x128xf32>
    %swap3A_43 = vector.shape_cast %swap3A_42 : vector<1x1x128xf32> to vector<1x128xf32>
    %swap3A_44 = vector.shape_cast %get3A_38 : vector<1x128xf32> to vector<1x1x128xf32>
    tpu.vector_store %arg4[%swap3A_39, %swap3A_40, %swap3A_41], %swap3A_44 {strides = array<i32>} : memref<8x2048x128xf32, #tpu.memory_space<vmem>>, vector<1x1x128xf32>,
    %get3A_45 = arith.constant 3 : index
    %get3A_46 = memref.load %arg1[%get3A_45] : memref<16xi32, #tpu.memory_space<smem>>
    %get3A_47 = arith.constant 0 : index
    %get3A_48 = arith.constant 3 : index
    %get3A_49 = arith.constant 0 : index
    %get3A_50 = vector.load %arg3[%get3A_47, %get3A_48, %get3A_49] : memref<8x16x128xf32, #tpu.memory_space<vmem>>, vector<1x1x128xf32>
    %get3A_51 = vector.shape_cast %get3A_50 : vector<1x1x128xf32> to vector<1x128xf32>
    %swap3A_52 = arith.constant 0 : index
    %swap3A_53 = arith.index_cast %get3A_46 : i32 to index
    %swap3A_54 = arith.constant 0 : index
    %swap3A_55 = vector.load %arg4[%swap3A_52, %swap3A_53, %swap3A_54] : memref<8x2048x128xf32, #tpu.memory_space<vmem>>, vector<1x1x128xf32>
    %swap3A_56 = vector.shape_cast %swap3A_55 : vector<1x1x128xf32> to vector<1x128xf32>
    %swap3A_57 = vector.shape_cast %get3A_51 : vector<1x128xf32> to vector<1x1x128xf32>
    tpu.vector_store %arg4[%swap3A_52, %swap3A_53, %swap3A_54], %swap3A_57 {strides = array<i32>} : memref<8x2048x128xf32, #tpu.memory_space<vmem>>, vector<1x1x128xf32>,
    %get3A_58 = arith.constant 4 : index
    %get3A_59 = memref.load %arg1[%get3A_58] : memref<16xi32, #tpu.memory_space<smem>>
    %get3A_60 = arith.constant 0 : index
    %get3A_61 = arith.constant 4 : index
    %get3A_62 = arith.constant 0 : index
    %get3A_63 = vector.load %arg3[%get3A_60, %get3A_61, %get3A_62] : memref<8x16x128xf32, #tpu.memory_space<vmem>>, vector<1x1x128xf32>
    %get3A_64 = vector.shape_cast %get3A_63 : vector<1x1x128xf32> to vector<1x128xf32>
    %swap3A_65 = arith.constant 0 : index
    %swap3A_66 = arith.index_cast %get3A_59 : i32 to index
    %swap3A_67 = arith.constant 0 : index
    %swap3A_68 = vector.load %arg4[%swap3A_65, %swap3A_66, %swap3A_67] : memref<8x2048x128xf32, #tpu.memory_space<vmem>>, vector<1x1x128xf32>
    %swap3A_69 = vector.shape_cast %swap3A_68 : vector<1x1x128xf32> to vector<1x128xf32>
    %swap3A_70 = vector.shape_cast %get3A_64 : vector<1x128xf32> to vector<1x1x128xf32>
    tpu.vector_store %arg4[%swap3A_65, %swap3A_66, %swap3A_67], %swap3A_70 {strides = array<i32>} : memref<8x2048x128xf32, #tpu.memory_space<vmem>>, vector<1x1x128xf32>,
    %get3A_71 = arith.constant 5 : index
    %get3A_72 = memref.load %arg1[%get3A_71] : memref<16xi32, #tpu.memory_space<smem>>
    %get3A_73 = arith.constant 0 : index
    %get3A_74 = arith.constant 5 : index
    %get3A_75 = arith.constant 0 : index
    %get3A_76 = vector.load %arg3[%get3A_73, %get3A_74, %get3A_75] : memref<8x16x128xf32, #tpu.memory_space<vmem>>, vector<1x1x128xf32>
    %get3A_77 = vector.shape_cast %get3A_76 : vector<1x1x128xf32> to vector<1x128xf32>
    %swap3A_78 = arith.constant 0 : index
    %swap3A_79 = arith.index_cast %get3A_72 : i32 to index
    %swap3A_80 = arith.constant 0 : index
    %swap3A_81 = vector.load %arg4[%swap3A_78, %swap3A_79, %swap3A_80] : memref<8x2048x128xf32, #tpu.memory_space<vmem>>, vector<1x1x128xf32>
    %swap3A_82 = vector.shape_cast %swap3A_81 : vector<1x1x128xf32> to vector<1x128xf32>
    %swap3A_83 = vector.shape_cast %get3A_77 : vector<1x128xf32> to vector<1x1x128xf32>
    tpu.vector_store %arg4[%swap3A_78, %swap3A_79, %swap3A_80], %swap3A_83 {strides = array<i32>} : memref<8x2048x128xf32, #tpu.memory_space<vmem>>, vector<1x1x128xf32>,
    %get3A_84 = arith.constant 6 : index
    %get3A_85 = memref.load %arg1[%get3A_84] : memref<16xi32, #tpu.memory_space<smem>>
    %get3A_86 = arith.constant 0 : index
    %get3A_87 = arith.constant 6 : index
    %get3A_88 = arith.constant 0 : index
    %get3A_89 = vector.load %arg3[%get3A_86, %get3A_87, %get3A_88] : memref<8x16x128xf32, #tpu.memory_space<vmem>>, vector<1x1x128xf32>
    %get3A_90 = vector.shape_cast %get3A_89 : vector<1x1x128xf32> to vector<1x128xf32>
    %swap3A_91 = arith.constant 0 : index
    %swap3A_92 = arith.index_cast %get3A_85 : i32 to index
    %swap3A_93 = arith.constant 0 : index
    %swap3A_94 = vector.load %arg4[%swap3A_91, %swap3A_92, %swap3A_93] : memref<8x2048x128xf32, #tpu.memory_space<vmem>>, vector<1x1x128xf32>
    %swap3A_95 = vector.shape_cast %swap3A_94 : vector<1x1x128xf32> to vector<1x128xf32>
    %swap3A_96 = vector.shape_cast %get3A_90 : vector<1x128xf32> to vector<1x1x128xf32>
    tpu.vector_store %arg4[%swap3A_91, %swap3A_92, %swap3A_93], %swap3A_96 {strides = array<i32>} : memref<8x2048x128xf32, #tpu.memory_space<vmem>>, vector<1x1x128xf32>,
    %get3A_97 = arith.constant 7 : index
    %get3A_98 = memref.load %arg1[%get3A_97] : memref<16xi32, #tpu.memory_space<smem>>
    %get3A_99 = arith.constant 0 : index
    %get3A_100 = arith.constant 7 : index
    %get3A_101 = arith.constant 0 : index
    %get3A_102 = vector.load %arg3[%get3A_99, %get3A_100, %get3A_101] : memref<8x16x128xf32, #tpu.memory_space<vmem>>, vector<1x1x128xf32>
    %get3A_103 = vector.shape_cast %get3A_102 : vector<1x1x128xf32> to vector<1x128xf32>
    %swap3A_104 = arith.constant 0 : index
    %swap3A_105 = arith.index_cast %get3A_98 : i32 to index
    %swap3A_106 = arith.constant 0 : index
    %swap3A_107 = vector.load %arg4[%swap3A_104, %swap3A_105, %swap3A_106] : memref<8x2048x128xf32, #tpu.memory_space<vmem>>, vector<1x1x128xf32>
    %swap3A_108 = vector.shape_cast %swap3A_107 : vector<1x1x128xf32> to vector<1x128xf32>
    %swap3A_109 = vector.shape_cast %get3A_103 : vector<1x128xf32> to vector<1x1x128xf32>
    tpu.vector_store %arg4[%swap3A_104, %swap3A_105, %swap3A_106], %swap3A_109 {strides = array<i32>} : memref<8x2048x128xf32, #tpu.memory_space<vmem>>, vector<1x1x128xf32>,
    %get3A_110 = arith.constant 8 : index
    %get3A_111 = memref.load %arg1[%get3A_110] : memref<16xi32, #tpu.memory_space<smem>>
    %get3A_112 = arith.constant 0 : index
    %get3A_113 = arith.constant 8 : index
    %get3A_114 = arith.constant 0 : index
    %get3A_115 = vector.load %arg3[%get3A_112, %get3A_113, %get3A_114] : memref<8x16x128xf32, #tpu.memory_space<vmem>>, vector<1x1x128xf32>
    %get3A_116 = vector.shape_cast %get3A_115 : vector<1x1x128xf32> to vector<1x128xf32>
    %swap3A_117 = arith.constant 0 : index
    %swap3A_118 = arith.index_cast %get3A_111 : i32 to index
    %swap3A_119 = arith.constant 0 : index
    %swap3A_120 = vector.load %arg4[%swap3A_117, %swap3A_118, %swap3A_119] : memref<8x2048x128xf32, #tpu.memory_space<vmem>>, vector<1x1x128xf32>
    %swap3A_121 = vector.shape_cast %swap3A_120 : vector<1x1x128xf32> to vector<1x128xf32>
    %swap3A_122 = vector.shape_cast %get3A_116 : vector<1x128xf32> to vector<1x1x128xf32>
    tpu.vector_store %arg4[%swap3A_117, %swap3A_118, %swap3A_119], %swap3A_122 {strides = array<i32>} : memref<8x2048x128xf32, #tpu.memory_space<vmem>>, vector<1x1x128xf32>,
    %get3A_123 = arith.constant 9 : index
    %get3A_124 = memref.load %arg1[%get3A_123] : memref<16xi32, #tpu.memory_space<smem>>
    %get3A_125 = arith.constant 0 : index
    %get3A_126 = arith.constant 9 : index
    %get3A_127 = arith.constant 0 : index
    %get3A_128 = vector.load %arg3[%get3A_125, %get3A_126, %get3A_127] : memref<8x16x128xf32, #tpu.memory_space<vmem>>, vector<1x1x128xf32>
    %get3A_129 = vector.shape_cast %get3A_128 : vector<1x1x128xf32> to vector<1x128xf32>
    %swap3A_130 = arith.constant 0 : index
    %swap3A_131 = arith.index_cast %get3A_124 : i32 to index
    %swap3A_132 = arith.constant 0 : index
    %swap3A_133 = vector.load %arg4[%swap3A_130, %swap3A_131, %swap3A_132] : memref<8x2048x128xf32, #tpu.memory_space<vmem>>, vector<1x1x128xf32>
    %swap3A_134 = vector.shape_cast %swap3A_133 : vector<1x1x128xf32> to vector<1x128xf32>
    %swap3A_135 = vector.shape_cast %get3A_129 : vector<1x128xf32> to vector<1x1x128xf32>
    tpu.vector_store %arg4[%swap3A_130, %swap3A_131, %swap3A_132], %swap3A_135 {strides = array<i32>} : memref<8x2048x128xf32, #tpu.memory_space<vmem>>, vector<1x1x128xf32>,
    %get3A_136 = arith.constant 10 : index
    %get3A_137 = memref.load %arg1[%get3A_136] : memref<16xi32, #tpu.memory_space<smem>>
    %get3A_138 = arith.constant 0 : index
    %get3A_139 = arith.constant 10 : index
    %get3A_140 = arith.constant 0 : index
    %get3A_141 = vector.load %arg3[%get3A_138, %get3A_139, %get3A_140] : memref<8x16x128xf32, #tpu.memory_space<vmem>>, vector<1x1x128xf32>
    %get3A_142 = vector.shape_cast %get3A_141 : vector<1x1x128xf32> to vector<1x128xf32>
    %swap3A_143 = arith.constant 0 : index
    %swap3A_144 = arith.index_cast %get3A_137 : i32 to index
    %swap3A_145 = arith.constant 0 : index
    %swap3A_146 = vector.load %arg4[%swap3A_143, %swap3A_144, %swap3A_145] : memref<8x2048x128xf32, #tpu.memory_space<vmem>>, vector<1x1x128xf32>
    %swap3A_147 = vector.shape_cast %swap3A_146 : vector<1x1x128xf32> to vector<1x128xf32>
    %swap3A_148 = vector.shape_cast %get3A_142 : vector<1x128xf32> to vector<1x1x128xf32>
    tpu.vector_store %arg4[%swap3A_143, %swap3A_144, %swap3A_145], %swap3A_148 {strides = array<i32>} : memref<8x2048x128xf32, #tpu.memory_space<vmem>>, vector<1x1x128xf32>,
    %get3A_149 = arith.constant 11 : index
    %get3A_150 = memref.load %arg1[%get3A_149] : memref<16xi32, #tpu.memory_space<smem>>
    %get3A_151 = arith.constant 0 : index
    %get3A_152 = arith.constant 11 : index
    %get3A_153 = arith.constant 0 : index
    %get3A_154 = vector.load %arg3[%get3A_151, %get3A_152, %get3A_153] : memref<8x16x128xf32, #tpu.memory_space<vmem>>, vector<1x1x128xf32>
    %get3A_155 = vector.shape_cast %get3A_154 : vector<1x1x128xf32> to vector<1x128xf32>
    %swap3A_156 = arith.constant 0 : index
    %swap3A_157 = arith.index_cast %get3A_150 : i32 to index
    %swap3A_158 = arith.constant 0 : index
    %swap3A_159 = vector.load %arg4[%swap3A_156, %swap3A_157, %swap3A_158] : memref<8x2048x128xf32, #tpu.memory_space<vmem>>, vector<1x1x128xf32>
    %swap3A_160 = vector.shape_cast %swap3A_159 : vector<1x1x128xf32> to vector<1x128xf32>
    %swap3A_161 = vector.shape_cast %get3A_155 : vector<1x128xf32> to vector<1x1x128xf32>
    tpu.vector_store %arg4[%swap3A_156, %swap3A_157, %swap3A_158], %swap3A_161 {strides = array<i32>} : memref<8x2048x128xf32, #tpu.memory_space<vmem>>, vector<1x1x128xf32>,
    %get3A_162 = arith.constant 12 : index
    %get3A_163 = memref.load %arg1[%get3A_162] : memref<16xi32, #tpu.memory_space<smem>>
    %get3A_164 = arith.constant 0 : index
    %get3A_165 = arith.constant 12 : index
    %get3A_166 = arith.constant 0 : index
    %get3A_167 = vector.load %arg3[%get3A_164, %get3A_165, %get3A_166] : memref<8x16x128xf32, #tpu.memory_space<vmem>>, vector<1x1x128xf32>
    %get3A_168 = vector.shape_cast %get3A_167 : vector<1x1x128xf32> to vector<1x128xf32>
    %swap3A_169 = arith.constant 0 : index
    %swap3A_170 = arith.index_cast %get3A_163 : i32 to index
    %swap3A_171 = arith.constant 0 : index
    %swap3A_172 = vector.load %arg4[%swap3A_169, %swap3A_170, %swap3A_171] : memref<8x2048x128xf32, #tpu.memory_space<vmem>>, vector<1x1x128xf32>
    %swap3A_173 = vector.shape_cast %swap3A_172 : vector<1x1x128xf32> to vector<1x128xf32>
    %swap3A_174 = vector.shape_cast %get3A_168 : vector<1x128xf32> to vector<1x1x128xf32>
    tpu.vector_store %arg4[%swap3A_169, %swap3A_170, %swap3A_171], %swap3A_174 {strides = array<i32>} : memref<8x2048x128xf32, #tpu.memory_space<vmem>>, vector<1x1x128xf32>,
    %get3A_175 = arith.constant 13 : index
    %get3A_176 = memref.load %arg1[%get3A_175] : memref<16xi32, #tpu.memory_space<smem>>
    %get3A_177 = arith.constant 0 : index
    %get3A_178 = arith.constant 13 : index
    %get3A_179 = arith.constant 0 : index
    %get3A_180 = vector.load %arg3[%get3A_177, %get3A_178, %get3A_179] : memref<8x16x128xf32, #tpu.memory_space<vmem>>, vector<1x1x128xf32>
    %get3A_181 = vector.shape_cast %get3A_180 : vector<1x1x128xf32> to vector<1x128xf32>
    %swap3A_182 = arith.constant 0 : index
    %swap3A_183 = arith.index_cast %get3A_176 : i32 to index
    %swap3A_184 = arith.constant 0 : index
    %swap3A_185 = vector.load %arg4[%swap3A_182, %swap3A_183, %swap3A_184] : memref<8x2048x128xf32, #tpu.memory_space<vmem>>, vector<1x1x128xf32>
    %swap3A_186 = vector.shape_cast %swap3A_185 : vector<1x1x128xf32> to vector<1x128xf32>
    %swap3A_187 = vector.shape_cast %get3A_181 : vector<1x128xf32> to vector<1x1x128xf32>
    tpu.vector_store %arg4[%swap3A_182, %swap3A_183, %swap3A_184], %swap3A_187 {strides = array<i32>} : memref<8x2048x128xf32, #tpu.memory_space<vmem>>, vector<1x1x128xf32>,
    %get3A_188 = arith.constant 14 : index
    %get3A_189 = memref.load %arg1[%get3A_188] : memref<16xi32, #tpu.memory_space<smem>>
    %get3A_190 = arith.constant 0 : index
    %get3A_191 = arith.constant 14 : index
    %get3A_192 = arith.constant 0 : index
    %get3A_193 = vector.load %arg3[%get3A_190, %get3A_191, %get3A_192] : memref<8x16x128xf32, #tpu.memory_space<vmem>>, vector<1x1x128xf32>
    %get3A_194 = vector.shape_cast %get3A_193 : vector<1x1x128xf32> to vector<1x128xf32>
    %swap3A_195 = arith.constant 0 : index
    %swap3A_196 = arith.index_cast %get3A_189 : i32 to index
    %swap3A_197 = arith.constant 0 : index
    %swap3A_198 = vector.load %arg4[%swap3A_195, %swap3A_196, %swap3A_197] : memref<8x2048x128xf32, #tpu.memory_space<vmem>>, vector<1x1x128xf32>
    %swap3A_199 = vector.shape_cast %swap3A_198 : vector<1x1x128xf32> to vector<1x128xf32>
    %swap3A_200 = vector.shape_cast %get3A_194 : vector<1x128xf32> to vector<1x1x128xf32>
    tpu.vector_store %arg4[%swap3A_195, %swap3A_196, %swap3A_197], %swap3A_200 {strides = array<i32>} : memref<8x2048x128xf32, #tpu.memory_space<vmem>>, vector<1x1x128xf32>,
    %get3A_201 = arith.constant 15 : index
    %get3A_202 = memref.load %arg1[%get3A_201] : memref<16xi32, #tpu.memory_space<smem>>
    %get3A_203 = arith.constant 0 : index
    %get3A_204 = arith.constant 15 : index
    %get3A_205 = arith.constant 0 : index
    %get3A_206 = vector.load %arg3[%get3A_203, %get3A_204, %get3A_205] : memref<8x16x128xf32, #tpu.memory_space<vmem>>, vector<1x1x128xf32>
    %get3A_207 = vector.shape_cast %get3A_206 : vector<1x1x128xf32> to vector<1x128xf32>
    %swap3A_208 = arith.constant 0 : index
    %swap3A_209 = arith.index_cast %get3A_202 : i32 to index
    %swap3A_210 = arith.constant 0 : index
    %swap3A_211 = vector.load %arg4[%swap3A_208, %swap3A_209, %swap3A_210] : memref<8x2048x128xf32, #tpu.memory_space<vmem>>, vector<1x1x128xf32>
    %swap3A_212 = vector.shape_cast %swap3A_211 : vector<1x1x128xf32> to vector<1x128xf32>
    %swap3A_213 = vector.shape_cast %get3A_207 : vector<1x128xf32> to vector<1x1x128xf32>
    tpu.vector_store %arg4[%swap3A_208, %swap3A_209, %swap3A_210], %swap3A_213 {strides = array<i32>} : memref<8x2048x128xf32, #tpu.memory_space<vmem>>, vector<1x1x128xf32>,
    %get3A_214 = arith.constant 0 : index
    %get3A_215 = memref.load %arg1[%get3A_214] : memref<16xi32, #tpu.memory_space<smem>>
    %get3A_216 = arith.constant 1 : index
    %get3A_217 = arith.constant 0 : index
    %get3A_218 = arith.constant 0 : index
    %get3A_219 = vector.load %arg3[%get3A_216, %get3A_217, %get3A_218] : memref<8x16x128xf32, #tpu.memory_space<vmem>>, vector<1x1x128xf32>
    %get3A_220 = vector.shape_cast %get3A_219 : vector<1x1x128xf32> to vector<1x128xf32>
    %swap3A_221 = arith.constant 1 : index
    %swap3A_222 = arith.index_cast %get3A_215 : i32 to index
    %swap3A_223 = arith.constant 0 : index
    %swap3A_224 = vector.load %arg4[%swap3A_221, %swap3A_222, %swap3A_223] : memref<8x2048x128xf32, #tpu.memory_space<vmem>>, vector<1x1x128xf32>
    %swap3A_225 = vector.shape_cast %swap3A_224 : vector<1x1x128xf32> to vector<1x128xf32>
    %swap3A_226 = vector.shape_cast %get3A_220 : vector<1x128xf32> to vector<1x1x128xf32>
    tpu.vector_store %arg4[%swap3A_221, %swap3A_222, %swap3A_223], %swap3A_226 {strides = array<i32>} : memref<8x2048x128xf32, #tpu.memory_space<vmem>>, vector<1x1x128xf32>,
    %get3A_227 = arith.constant 1 : index
    %get3A_228 = memref.load %arg1[%get3A_227] : memref<16xi32, #tpu.memory_space<smem>>
    %get3A_229 = arith.constant 1 : index
    %get3A_230 = arith.constant 1 : index
    %get3A_231 = arith.constant 0 : index
    %get3A_232 = vector.load %arg3[%get3A_229, %get3A_230, %get3A_231] : memref<8x16x128xf32, #tpu.memory_space<vmem>>, vector<1x1x128xf32>
    %get3A_233 = vector.shape_cast %get3A_232 : vector<1x1x128xf32> to vector<1x128xf32>
    %swap3A_234 = arith.constant 1 : index
    %swap3A_235 = arith.index_cast %get3A_228 : i32 to index
    %swap3A_236 = arith.constant 0 : index
    %swap3A_237 = vector.load %arg4[%swap3A_234, %swap3A_235, %swap3A_236] : memref<8x2048x128xf32, #tpu.memory_space<vmem>>, vector<1x1x128xf32>
    %swap3A_238 = vector.shape_cast %swap3A_237 : vector<1x1x128xf32> to vector<1x128xf32>
    %swap3A_239 = vector.shape_cast %get3A_233 : vector<1x128xf32> to vector<1x1x128xf32>
    tpu.vector_store %arg4[%swap3A_234, %swap3A_235, %swap3A_236], %swap3A_239 {strides = array<i32>} : memref<8x2048x128xf32, #tpu.memory_space<vmem>>, vector<1x1x128xf32>,
    %get3A_240 = arith.constant 2 : index
    %get3A_241 = memref.load %arg1[%get3A_240] : memref<16xi32, #tpu.memory_space<smem>>
    %get3A_242 = arith.constant 1 : index
    %get3A_243 = arith.constant 2 : index
    %get3A_244 = arith.constant 0 : index
    %get3A_245 = vector.load %arg3[%get3A_242, %get3A_243, %get3A_244] : memref<8x16x128xf32, #tpu.memory_space<vmem>>, vector<1x1x128xf32>
    %get3A_246 = vector.shape_cast %get3A_245 : vector<1x1x128xf32> to vector<1x128xf32>
    %swap3A_247 = arith.constant 1 : index
    %swap3A_248 = arith.index_cast %get3A_241 : i32 to index
    %swap3A_249 = arith.constant 0 : index
    %swap3A_250 = vector.load %arg4[%swap3A_247, %swap3A_248, %swap3A_249] : memref<8x2048x128xf32, #tpu.memory_space<vmem>>, vector<1x1x128xf32>
    %swap3A_251 = vector.shape_cast %swap3A_250 : vector<1x1x128xf32> to vector<1x128xf32>
    %swap3A_252 = vector.shape_cast %get3A_246 : vector<1x128xf32> to vector<1x1x128xf32>
    tpu.vector_store %arg4[%swap3A_247, %swap3A_248, %swap3A_249], %swap3A_252 {strides = array<i32>} : memref<8x2048x128xf32, #tpu.memory_space<vmem>>, vector<1x1x128xf32>,
    %get3A_253 = arith.constant 3 : index
    %get3A_254 = memref.load %arg1[%get3A_253] : memref<16xi32, #tpu.memory_space<smem>>
    %get3A_255 = arith.constant 1 : index
    %get3A_256 = arith.constant 3 : index
    %get3A_257 = arith.constant 0 : index
    %get3A_258 = vector.load %arg3[%get3A_255, %get3A_256, %get3A_257] : memref<8x16x128xf32, #tpu.memory_space<vmem>>, vector<1x1x128xf32>
    %get3A_259 = vector.shape_cast %get3A_258 : vector<1x1x128xf32> to vector<1x128xf32>
    %swap3A_260 = arith.constant 1 : index
    %swap3A_261 = arith.index_cast %get3A_254 : i32 to index
    %swap3A_262 = arith.constant 0 : index
    %swap3A_263 = vector.load %arg4[%swap3A_260, %swap3A_261, %swap3A_262] : memref<8x2048x128xf32, #tpu.memory_space<vmem>>, vector<1x1x128xf32>
    %swap3A_264 = vector.shape_cast %swap3A_263 : vector<1x1x128xf32> to vector<1x128xf32>
    %swap3A_265 = vector.shape_cast %get3A_259 : vector<1x128xf32> to vector<1x1x128xf32>
    tpu.vector_store %arg4[%swap3A_260, %swap3A_261, %swap3A_262], %swap3A_265 {strides = array<i32>} : memref<8x2048x128xf32, #tpu.memory_space<vmem>>, vector<1x1x128xf32>,
    %get3A_266 = arith.constant 4 : index
    %get3A_267 = memref.load %arg1[%get3A_266] : memref<16xi32, #tpu.memory_space<smem>>
    %get3A_268 = arith.constant 1 : index
    %get3A_269 = arith.constant 4 : index
    %get3A_270 = arith.constant 0 : index
    %get3A_271 = vector.load %arg3[%get3A_268, %get3A_269, %get3A_270] : memref<8x16x128xf32, #tpu.memory_space<vmem>>, vector<1x1x128xf32>
    %get3A_272 = vector.shape_cast %get3A_271 : vector<1x1x128xf32> to vector<1x128xf32>
    %swap3A_273 = arith.constant 1 : index
    %swap3A_274 = arith.index_cast %get3A_267 : i32 to index
    %swap3A_275 = arith.constant 0 : index
    %swap3A_276 = vector.load %arg4[%swap3A_273, %swap3A_274, %swap3A_275] : memref<8x2048x128xf32, #tpu.memory_space<vmem>>, vector<1x1x128xf32>
    %swap3A_277 = vector.shape_cast %swap3A_276 : vector<1x1x128xf32> to vector<1x128xf32>
    %swap3A_278 = vector.shape_cast %get3A_272 : vector<1x128xf32> to vector<1x1x128xf32>
    tpu.vector_store %arg4[%swap3A_273, %swap3A_274, %swap3A_275], %swap3A_278 {strides = array<i32>} : memref<8x2048x128xf32, #tpu.memory_space<vmem>>, vector<1x1x128xf32>,
    %get3A_279 = arith.constant 5 : index
    %get3A_280 = memref.load %arg1[%get3A_279] : memref<16xi32, #tpu.memory_space<smem>>
    %get3A_281 = arith.constant 1 : index
    %get3A_282 = arith.constant 5 : index
    %get3A_283 = arith.constant 0 : index
    %get3A_284 = vector.load %arg3[%get3A_281, %get3A_282, %get3A_283] : memref<8x16x128xf32, #tpu.memory_space<vmem>>, vector<1x1x128xf32>
    %get3A_285 = vector.shape_cast %get3A_284 : vector<1x1x128xf32> to vector<1x128xf32>
    %swap3A_286 = arith.constant 1 : index
    %swap3A_287 = arith.index_cast %get3A_280 : i32 to index
    %swap3A_288 = arith.constant 0 : index
    %swap3A_289 = vector.load %arg4[%swap3A_286, %swap3A_287, %swap3A_288] : memref<8x2048x128xf32, #tpu.memory_space<vmem>>, vector<1x1x128xf32>
    %swap3A_290 = vector.shape_cast %swap3A_289 : vector<1x1x128xf32> to vector<1x128xf32>
    %swap3A_291 = vector.shape_cast %get3A_285 : vector<1x128xf32> to vector<1x1x128xf32>
    tpu.vector_store %arg4[%swap3A_286, %swap3A_287, %swap3A_288], %swap3A_291 {strides = array<i32>} : memref<8x2048x128xf32, #tpu.memory_space<vmem>>, vector<1x1x128xf32>,
    %get3A_292 = arith.constant 6 : index
    %get3A_293 = memref.load %arg1[%get3A_292] : memref<16xi32, #tpu.memory_space<smem>>
    %get3A_294 = arith.constant 1 : index
    %get3A_295 = arith.constant 6 : index
    %get3A_296 = arith.constant 0 : index
    %get3A_297 = vector.load %arg3[%get3A_294, %get3A_295, %get3A_296] : memref<8x16x128xf32, #tpu.memory_space<vmem>>, vector<1x1x128xf32>
    %get3A_298 = vector.shape_cast %get3A_297 : vector<1x1x128xf32> to vector<1x128xf32>
    %swap3A_299 = arith.constant 1 : index
    %swap3A_300 = arith.index_cast %get3A_293 : i32 to index
    %swap3A_301 = arith.constant 0 : index
    %swap3A_302 = vector.load %arg4[%swap3A_299, %swap3A_300, %swap3A_301] : memref<8x2048x128xf32, #tpu.memory_space<vmem>>, vector<1x1x128xf32>
    %swap3A_303 = vector.shape_cast %swap3A_302 : vector<1x1x128xf32> to vector<1x128xf32>
    %swap3A_304 = vector.shape_cast %get3A_298 : vector<1x128xf32> to vector<1x1x128xf32>
    tpu.vector_store %arg4[%swap3A_299, %swap3A_300, %swap3A_301], %swap3A_304 {strides = array<i32>} : memref<8x2048x128xf32, #tpu.memory_space<vmem>>, vector<1x1x128xf32>,
    %get3A_305 = arith.constant 7 : index
    %get3A_306 = memref.load %arg1[%get3A_305] : memref<16xi32, #tpu.memory_space<smem>>
    %get3A_307 = arith.constant 1 : index
    %get3A_308 = arith.constant 7 : index
    %get3A_309 = arith.constant 0 : index
    %get3A_310 = vector.load %arg3[%get3A_307, %get3A_308, %get3A_309] : memref<8x16x128xf32, #tpu.memory_space<vmem>>, vector<1x1x128xf32>
    %get3A_311 = vector.shape_cast %get3A_310 : vector<1x1x128xf32> to vector<1x128xf32>
    %swap3A_312 = arith.constant 1 : index
    %swap3A_313 = arith.index_cast %get3A_306 : i32 to index
    %swap3A_314 = arith.constant 0 : index
    %swap3A_315 = vector.load %arg4[%swap3A_312, %swap3A_313, %swap3A_314] : memref<8x2048x128xf32, #tpu.memory_space<vmem>>, vector<1x1x128xf32>
    %swap3A_316 = vector.shape_cast %swap3A_315 : vector<1x1x128xf32> to vector<1x128xf32>
    %swap3A_317 = vector.shape_cast %get3A_311 : vector<1x128xf32> to vector<1x1x128xf32>
    tpu.vector_store %arg4[%swap3A_312, %swap3A_313, %swap3A_314], %swap3A_317 {strides = array<i32>} : memref<8x2048x128xf32, #tpu.memory_space<vmem>>, vector<1x1x128xf32>,
    %get3A_318 = arith.constant 8 : index
    %get3A_319 = memref.load %arg1[%get3A_318] : memref<16xi32, #tpu.memory_space<smem>>
    %get3A_320 = arith.constant 1 : index
    %get3A_321 = arith.constant 8 : index
    %get3A_322 = arith.constant 0 : index
    %get3A_323 = vector.load %arg3[%get3A_320, %get3A_321, %get3A_322] : memref<8x16x128xf32, #tpu.memory_space<vmem>>, vector<1x1x128xf32>
    %get3A_324 = vector.shape_cast %get3A_323 : vector<1x1x128xf32> to vector<1x128xf32>
    %swap3A_325 = arith.constant 1 : index
    %swap3A_326 = arith.index_cast %get3A_319 : i32 to index
    %swap3A_327 = arith.constant 0 : index
    %swap3A_328 = vector.load %arg4[%swap3A_325, %swap3A_326, %swap3A_327] : memref<8x2048x128xf32, #tpu.memory_space<vmem>>, vector<1x1x128xf32>
    %swap3A_329 = vector.shape_cast %swap3A_328 : vector<1x1x128xf32> to vector<1x128xf32>
    %swap3A_330 = vector.shape_cast %get3A_324 : vector<1x128xf32> to vector<1x1x128xf32>
    tpu.vector_store %arg4[%swap3A_325, %swap3A_326, %swap3A_327], %swap3A_330 {strides = array<i32>} : memref<8x2048x128xf32, #tpu.memory_space<vmem>>, vector<1x1x128xf32>,
    %get3A_331 = arith.constant 9 : index
    %get3A_332 = memref.load %arg1[%get3A_331] : memref<16xi32, #tpu.memory_space<smem>>
    %get3A_333 = arith.constant 1 : index
    %get3A_334 = arith.constant 9 : index
    %get3A_335 = arith.constant 0 : index
    %get3A_336 = vector.load %arg3[%get3A_333, %get3A_334, %get3A_335] : memref<8x16x128xf32, #tpu.memory_space<vmem>>, vector<1x1x128xf32>
    %get3A_337 = vector.shape_cast %get3A_336 : vector<1x1x128xf32> to vector<1x128xf32>
    %swap3A_338 = arith.constant 1 : index
    %swap3A_339 = arith.index_cast %get3A_332 : i32 to index
    %swap3A_340 = arith.constant 0 : index
    %swap3A_341 = vector.load %arg4[%swap3A_338, %swap3A_339, %swap3A_340] : memref<8x2048x128xf32, #tpu.memory_space<vmem>>, vector<1x1x128xf32>
    %swap3A_342 = vector.shape_cast %swap3A_341 : vector<1x1x128xf32> to vector<1x128xf32>
    %swap3A_343 = vector.shape_cast %get3A_337 : vector<1x128xf32> to vector<1x1x128xf32>
    tpu.vector_store %arg4[%swap3A_338, %swap3A_339, %swap3A_340], %swap3A_343 {strides = array<i32>} : memref<8x2048x128xf32, #tpu.memory_space<vmem>>, vector<1x1x128xf32>,
    %get3A_344 = arith.constant 10 : index
    %get3A_345 = memref.load %arg1[%get3A_344] : memref<16xi32, #tpu.memory_space<smem>>
    %get3A_346 = arith.constant 1 : index
    %get3A_347 = arith.constant 10 : index
    %get3A_348 = arith.constant 0 : index
    %get3A_349 = vector.load %arg3[%get3A_346, %get3A_347, %get3A_348] : memref<8x16x128xf32, #tpu.memory_space<vmem>>, vector<1x1x128xf32>
    %get3A_350 = vector.shape_cast %get3A_349 : vector<1x1x128xf32> to vector<1x128xf32>
    %swap3A_351 = arith.constant 1 : index
    %swap3A_352 = arith.index_cast %get3A_345 : i32 to index
    %swap3A_353 = arith.constant 0 : index
    %swap3A_354 = vector.load %arg4[%swap3A_351, %swap3A_352, %swap3A_353] : memref<8x2048x128xf32, #tpu.memory_space<vmem>>, vector<1x1x128xf32>
    %swap3A_355 = vector.shape_cast %swap3A_354 : vector<1x1x128xf32> to vector<1x128xf32>
    %swap3A_356 = vector.shape_cast %get3A_350 : vector<1x128xf32> to vector<1x1x128xf32>
    tpu.vector_store %arg4[%swap3A_351, %swap3A_352, %swap3A_353], %swap3A_356 {strides = array<i32>} : memref<8x2048x128xf32, #tpu.memory_space<vmem>>, vector<1x1x128xf32>,
    %get3A_357 = arith.constant 11 : index
    %get3A_358 = memref.load %arg1[%get3A_357] : memref<16xi32, #tpu.memory_space<smem>>
    %get3A_359 = arith.constant 1 : index
    %get3A_360 = arith.constant 11 : index
    %get3A_361 = arith.constant 0 : index
    %get3A_362 = vector.load %arg3[%get3A_359, %get3A_360, %get3A_361] : memref<8x16x128xf32, #tpu.memory_space<vmem>>, vector<1x1x128xf32>
    %get3A_363 = vector.shape_cast %get3A_362 : vector<1x1x128xf32> to vector<1x128xf32>
    %swap3A_364 = arith.constant 1 : index
    %swap3A_365 = arith.index_cast %get3A_358 : i32 to index
    %swap3A_366 = arith.constant 0 : index
    %swap3A_367 = vector.load %arg4[%swap3A_364, %swap3A_365, %swap3A_366] : memref<8x2048x128xf32, #tpu.memory_space<vmem>>, vector<1x1x128xf32>
    %swap3A_368 = vector.shape_cast %swap3A_367 : vector<1x1x128xf32> to vector<1x128xf32>
    %swap3A_369 = vector.shape_cast %get3A_363 : vector<1x128xf32> to vector<1x1x128xf32>
    tpu.vector_store %arg4[%swap3A_364, %swap3A_365, %swap3A_366], %swap3A_369 {strides = array<i32>} : memref<8x2048x128xf32, #tpu.memory_space<vmem>>, vector<1x1x128xf32>,
    %get3A_370 = arith.constant 12 : index
    %get3A_371 = memref.load %arg1[%get3A_370] : memref<16xi32, #tpu.memory_space<smem>>
    %get3A_372 = arith.constant 1 : index
    %get3A_373 = arith.constant 12 : index
    %get3A_374 = arith.constant 0 : index
    %get3A_375 = vector.load %arg3[%get3A_372, %get3A_373, %get3A_374] : memref<8x16x128xf32, #tpu.memory_space<vmem>>, vector<1x1x128xf32>
    %get3A_376 = vector.shape_cast %get3A_375 : vector<1x1x128xf32> to vector<1x128xf32>
    %swap3A_377 = arith.constant 1 : index
    %swap3A_378 = arith.index_cast %get3A_371 : i32 to index
    %swap3A_379 = arith.constant 0 : index
    %swap3A_380 = vector.load %arg4[%swap3A_377, %swap3A_378, %swap3A_379] : memref<8x2048x128xf32, #tpu.memory_space<vmem>>, vector<1x1x128xf32>
    %swap3A_381 = vector.shape_cast %swap3A_380 : vector<1x1x128xf32> to vector<1x128xf32>
    %swap3A_382 = vector.shape_cast %get3A_376 : vector<1x128xf32> to vector<1x1x128xf32>
    tpu.vector_store %arg4[%swap3A_377, %swap3A_378, %swap3A_379], %swap3A_382 {strides = array<i32>} : memref<8x2048x128xf32, #tpu.memory_space<vmem>>, vector<1x1x128xf32>,
    %get3A_383 = arith.constant 13 : index
    %get3A_384 = memref.load %arg1[%get3A_383] : memref<16xi32, #tpu.memory_space<smem>>
    %get3A_385 = arith.constant 1 : index
    %get3A_386 = arith.constant 13 : index
    %get3A_387 = arith.constant 0 : index
    %get3A_388 = vector.load %arg3[%get3A_385, %get3A_386, %get3A_387] : memref<8x16x128xf32, #tpu.memory_space<vmem>>, vector<1x1x128xf32>
    %get3A_389 = vector.shape_cast %get3A_388 : vector<1x1x128xf32> to vector<1x128xf32>
    %swap3A_390 = arith.constant 1 : index
    %swap3A_391 = arith.index_cast %get3A_384 : i32 to index
    %swap3A_392 = arith.constant 0 : index
    %swap3A_393 = vector.load %arg4[%swap3A_390, %swap3A_391, %swap3A_392] : memref<8x2048x128xf32, #tpu.memory_space<vmem>>, vector<1x1x128xf32>
    %swap3A_394 = vector.shape_cast %swap3A_393 : vector<1x1x128xf32> to vector<1x128xf32>
    %swap3A_395 = vector.shape_cast %get3A_389 : vector<1x128xf32> to vector<1x1x128xf32>
    tpu.vector_store %arg4[%swap3A_390, %swap3A_391, %swap3A_392], %swap3A_395 {strides = array<i32>} : memref<8x2048x128xf32, #tpu.memory_space<vmem>>, vector<1x1x128xf32>,
    %get3A_396 = arith.constant 14 : index
    %get3A_397 = memref.load %arg1[%get3A_396] : memref<16xi32, #tpu.memory_space<smem>>
    %get3A_398 = arith.constant 1 : index
    %get3A_399 = arith.constant 14 : index
    %get3A_400 = arith.constant 0 : index
    %get3A_401 = vector.load %arg3[%get3A_398, %get3A_399, %get3A_400] : memref<8x16x128xf32, #tpu.memory_space<vmem>>, vector<1x1x128xf32>
    %get3A_402 = vector.shape_cast %get3A_401 : vector<1x1x128xf32> to vector<1x128xf32>
    %swap3A_403 = arith.constant 1 : index
    %swap3A_404 = arith.index_cast %get3A_397 : i32 to index
    %swap3A_405 = arith.constant 0 : index
    %swap3A_406 = vector.load %arg4[%swap3A_403, %swap3A_404, %swap3A_405] : memref<8x2048x128xf32, #tpu.memory_space<vmem>>, vector<1x1x128xf32>
    %swap3A_407 = vector.shape_cast %swap3A_406 : vector<1x1x128xf32> to vector<1x128xf32>
    %swap3A_408 = vector.shape_cast %get3A_402 : vector<1x128xf32> to vector<1x1x128xf32>
    tpu.vector_store %arg4[%swap3A_403, %swap3A_404, %swap3A_405], %swap3A_408 {strides = array<i32>} : memref<8x2048x128xf32, #tpu.memory_space<vmem>>, vector<1x1x128xf32>,
    %get3A_409 = arith.constant 15 : index
    %get3A_410 = memref.load %arg1[%get3A_409] : memref<16xi32, #tpu.memory_space<smem>>
    %get3A_411 = arith.constant 1 : index
    %get3A_412 = arith.constant 15 : index
    %get3A_413 = arith.constant 0 : index
    %get3A_414 = vector.load %arg3[%get3A_411, %get3A_412, %get3A_413] : memref<8x16x128xf32, #tpu.memory_space<vmem>>, vector<1x1x128xf32>
    %get3A_415 = vector.shape_cast %get3A_414 : vector<1x1x128xf32> to vector<1x128xf32>
    %swap3A_416 = arith.constant 1 : index
    %swap3A_417 = arith.index_cast %get3A_410 : i32 to index
    %swap3A_418 = arith.constant 0 : index
    %swap3A_419 = vector.load %arg4[%swap3A_416, %swap3A_417, %swap3A_418] : memref<8x2048x128xf32, #tpu.memory_space<vmem>>, vector<1x1x128xf32>
    %swap3A_420 = vector.shape_cast %swap3A_419 : vector<1x1x128xf32> to vector<1x128xf32>
    %swap3A_421 = vector.shape_cast %get3A_415 : vector<1x128xf32> to vector<1x1x128xf32>
    tpu.vector_store %arg4[%swap3A_416, %swap3A_417, %swap3A_418], %swap3A_421 {strides = array<i32>} : memref<8x2048x128xf32, #tpu.memory_space<vmem>>, vector<1x1x128xf32>,
    %get3A_422 = arith.constant 0 : index
    %get3A_423 = memref.load %arg1[%get3A_422] : memref<16xi32, #tpu.memory_space<smem>>
    %get3A_424 = arith.constant 2 : index
    %get3A_425 = arith.constant 0 : index
    %get3A_426 = arith.constant 0 : index
    %get3A_427 = vector.load %arg3[%get3A_424, %get3A_425, %get3A_426] : memref<8x16x128xf32, #tpu.memory_space<vmem>>, vector<1x1x128xf32>
    %get3A_428 = vector.shape_cast %get3A_427 : vector<1x1x128xf32> to vector<1x128xf32>
    %swap3A_429 = arith.constant 2 : index
    %swap3A_430 = arith.index_cast %get3A_423 : i32 to index
    %swap3A_431 = arith.constant 0 : index
    %swap3A_432 = vector.load %arg4[%swap3A_429, %swap3A_430, %swap3A_431] : memref<8x2048x128xf32, #tpu.memory_space<vmem>>, vector<1x1x128xf32>
    %swap3A_433 = vector.shape_cast %swap3A_432 : vector<1x1x128xf32> to vector<1x128xf32>
    %swap3A_434 = vector.shape_cast %get3A_428 : vector<1x128xf32> to vector<1x1x128xf32>
    tpu.vector_store %arg4[%swap3A_429, %swap3A_430, %swap3A_431], %swap3A_434 {strides = array<i32>} : memref<8x2048x128xf32, #tpu.memory_space<vmem>>, vector<1x1x128xf32>,
    %get3A_435 = arith.constant 1 : index
    %get3A_436 = memref.load %arg1[%get3A_435] : memref<16xi32, #tpu.memory_space<smem>>
    %get3A_437 = arith.constant 2 : index
    %get3A_438 = arith.constant 1 : index
    %get3A_439 = arith.constant 0 : index
    %get3A_440 = vector.load %arg3[%get3A_437, %get3A_438, %get3A_439] : memref<8x16x128xf32, #tpu.memory_space<vmem>>, vector<1x1x128xf32>
    %get3A_441 = vector.shape_cast %get3A_440 : vector<1x1x128xf32> to vector<1x128xf32>
    %swap3A_442 = arith.constant 2 : index
    %swap3A_443 = arith.index_cast %get3A_436 : i32 to index
    %swap3A_444 = arith.constant 0 : index
    %swap3A_445 = vector.load %arg4[%swap3A_442, %swap3A_443, %swap3A_444] : memref<8x2048x128xf32, #tpu.memory_space<vmem>>, vector<1x1x128xf32>
    %swap3A_446 = vector.shape_cast %swap3A_445 : vector<1x1x128xf32> to vector<1x128xf32>
    %swap3A_447 = vector.shape_cast %get3A_441 : vector<1x128xf32> to vector<1x1x128xf32>
    tpu.vector_store %arg4[%swap3A_442, %swap3A_443, %swap3A_444], %swap3A_447 {strides = array<i32>} : memref<8x2048x128xf32, #tpu.memory_space<vmem>>, vector<1x1x128xf32>,
    %get3A_448 = arith.constant 2 : index
    %get3A_449 = memref.load %arg1[%get3A_448] : memref<16xi32, #tpu.memory_space<smem>>
    %get3A_450 = arith.constant 2 : index
    %get3A_451 = arith.constant 2 : index
    %get3A_452 = arith.constant 0 : index
    %get3A_453 = vector.load %arg3[%get3A_450, %get3A_451, %get3A_452] : memref<8x16x128xf32, #tpu.memory_space<vmem>>, vector<1x1x128xf32>
    %get3A_454 = vector.shape_cast %get3A_453 : vector<1x1x128xf32> to vector<1x128xf32>
    %swap3A_455 = arith.constant 2 : index
    %swap3A_456 = arith.index_cast %get3A_449 : i32 to index
    %swap3A_457 = arith.constant 0 : index
    %swap3A_458 = vector.load %arg4[%swap3A_455, %swap3A_456, %swap3A_457] : memref<8x2048x128xf32, #tpu.memory_space<vmem>>, vector<1x1x128xf32>
    %swap3A_459 = vector.shape_cast %swap3A_458 : vector<1x1x128xf32> to vector<1x128xf32>
    %swap3A_460 = vector.shape_cast %get3A_454 : vector<1x128xf32> to vector<1x1x128xf32>
    tpu.vector_store %arg4[%swap3A_455, %swap3A_456, %swap3A_457], %swap3A_460 {strides = array<i32>} : memref<8x2048x128xf32, #tpu.memory_space<vmem>>, vector<1x1x128xf32>,
    %get3A_461 = arith.constant 3 : index
    %get3A_462 = memref.load %arg1[%get3A_461] : memref<16xi32, #tpu.memory_space<smem>>
    %get3A_463 = arith.constant 2 : index
    %get3A_464 = arith.constant 3 : index
    %get3A_465 = arith.constant 0 : index
    %get3A_466 = vector.load %arg3[%get3A_463, %get3A_464, %get3A_465] : memref<8x16x128xf32, #tpu.memory_space<vmem>>, vector<1x1x128xf32>
    %get3A_467 = vector.shape_cast %get3A_466 : vector<1x1x128xf32> to vector<1x128xf32>
    %swap3A_468 = arith.constant 2 : index
    %swap3A_469 = arith.index_cast %get3A_462 : i32 to index
    %swap3A_470 = arith.constant 0 : index
    %swap3A_471 = vector.load %arg4[%swap3A_468, %swap3A_469, %swap3A_470] : memref<8x2048x128xf32, #tpu.memory_space<vmem>>, vector<1x1x128xf32>
    %swap3A_472 = vector.shape_cast %swap3A_471 : vector<1x1x128xf32> to vector<1x128xf32>
    %swap3A_473 = vector.shape_cast %get3A_467 : vector<1x128xf32> to vector<1x1x128xf32>
    tpu.vector_store %arg4[%swap3A_468, %swap3A_469, %swap3A_470], %swap3A_473 {strides = array<i32>} : memref<8x2048x128xf32, #tpu.memory_space<vmem>>, vector<1x1x128xf32>,
    %get3A_474 = arith.constant 4 : index
    %get3A_475 = memref.load %arg1[%get3A_474] : memref<16xi32, #tpu.memory_space<smem>>
    %get3A_476 = arith.constant 2 : index
    %get3A_477 = arith.constant 4 : index
    %get3A_478 = arith.constant 0 : index
    %get3A_479 = vector.load %arg3[%get3A_476, %get3A_477, %get3A_478] : memref<8x16x128xf32, #tpu.memory_space<vmem>>, vector<1x1x128xf32>
    %get3A_480 = vector.shape_cast %get3A_479 : vector<1x1x128xf32> to vector<1x128xf32>
    %swap3A_481 = arith.constant 2 : index
    %swap3A_482 = arith.index_cast %get3A_475 : i32 to index
    %swap3A_483 = arith.constant 0 : index
    %swap3A_484 = vector.load %arg4[%swap3A_481, %swap3A_482, %swap3A_483] : memref<8x2048x128xf32, #tpu.memory_space<vmem>>, vector<1x1x128xf32>
    %swap3A_485 = vector.shape_cast %swap3A_484 : vector<1x1x128xf32> to vector<1x128xf32>
    %swap3A_486 = vector.shape_cast %get3A_480 : vector<1x128xf32> to vector<1x1x128xf32>
    tpu.vector_store %arg4[%swap3A_481, %swap3A_482, %swap3A_483], %swap3A_486 {strides = array<i32>} : memref<8x2048x128xf32, #tpu.memory_space<vmem>>, vector<1x1x128xf32>,
    %get3A_487 = arith.constant 5 : index
    %get3A_488 = memref.load %arg1[%get3A_487] : memref<16xi32, #tpu.memory_space<smem>>
    %get3A_489 = arith.constant 2 : index
    %get3A_490 = arith.constant 5 : index
    %get3A_491 = arith.constant 0 : index
    %get3A_492 = vector.load %arg3[%get3A_489, %get3A_490, %get3A_491] : memref<8x16x128xf32, #tpu.memory_space<vmem>>, vector<1x1x128xf32>
    %get3A_493 = vector.shape_cast %get3A_492 : vector<1x1x128xf32> to vector<1x128xf32>
    %swap3A_494 = arith.constant 2 : index
    %swap3A_495 = arith.index_cast %get3A_488 : i32 to index
    %swap3A_496 = arith.constant 0 : index
    %swap3A_497 = vector.load %arg4[%swap3A_494, %swap3A_495, %swap3A_496] : memref<8x2048x128xf32, #tpu.memory_space<vmem>>, vector<1x1x128xf32>
    %swap3A_498 = vector.shape_cast %swap3A_497 : vector<1x1x128xf32> to vector<1x128xf32>
    %swap3A_499 = vector.shape_cast %get3A_493 : vector<1x128xf32> to vector<1x1x128xf32>
    tpu.vector_store %arg4[%swap3A_494, %swap3A_495, %swap3A_496], %swap3A_499 {strides = array<i32>} : memref<8x2048x128xf32, #tpu.memory_space<vmem>>, vector<1x1x128xf32>,
    %get3A_500 = arith.constant 6 : index
    %get3A_501 = memref.load %arg1[%get3A_500] : memref<16xi32, #tpu.memory_space<smem>>
    %get3A_502 = arith.constant 2 : index
    %get3A_503 = arith.constant 6 : index
    %get3A_504 = arith.constant 0 : index
    %get3A_505 = vector.load %arg3[%get3A_502, %get3A_503, %get3A_504] : memref<8x16x128xf32, #tpu.memory_space<vmem>>, vector<1x1x128xf32>
    %get3A_506 = vector.shape_cast %get3A_505 : vector<1x1x128xf32> to vector<1x128xf32>
    %swap3A_507 = arith.constant 2 : index
    %swap3A_508 = arith.index_cast %get3A_501 : i32 to index
    %swap3A_509 = arith.constant 0 : index
    %swap3A_510 = vector.load %arg4[%swap3A_507, %swap3A_508, %swap3A_509] : memref<8x2048x128xf32, #tpu.memory_space<vmem>>, vector<1x1x128xf32>
    %swap3A_511 = vector.shape_cast %swap3A_510 : vector<1x1x128xf32> to vector<1x128xf32>
    %swap3A_512 = vector.shape_cast %get3A_506 : vector<1x128xf32> to vector<1x1x128xf32>
    tpu.vector_store %arg4[%swap3A_507, %swap3A_508, %swap3A_509], %swap3A_512 {strides = array<i32>} : memref<8x2048x128xf32, #tpu.memory_space<vmem>>, vector<1x1x128xf32>,
    %get3A_513 = arith.constant 7 : index
    %get3A_514 = memref.load %arg1[%get3A_513] : memref<16xi32, #tpu.memory_space<smem>>
    %get3A_515 = arith.constant 2 : index
    %get3A_516 = arith.constant 7 : index
    %get3A_517 = arith.constant 0 : index
    %get3A_518 = vector.load %arg3[%get3A_515, %get3A_516, %get3A_517] : memref<8x16x128xf32, #tpu.memory_space<vmem>>, vector<1x1x128xf32>
    %get3A_519 = vector.shape_cast %get3A_518 : vector<1x1x128xf32> to vector<1x128xf32>
    %swap3A_520 = arith.constant 2 : index
    %swap3A_521 = arith.index_cast %get3A_514 : i32 to index
    %swap3A_522 = arith.constant 0 : index
    %swap3A_523 = vector.load %arg4[%swap3A_520, %swap3A_521, %swap3A_522] : memref<8x2048x128xf32, #tpu.memory_space<vmem>>, vector<1x1x128xf32>
    %swap3A_524 = vector.shape_cast %swap3A_523 : vector<1x1x128xf32> to vector<1x128xf32>
    %swap3A_525 = vector.shape_cast %get3A_519 : vector<1x128xf32> to vector<1x1x128xf32>
    tpu.vector_store %arg4[%swap3A_520, %swap3A_521, %swap3A_522], %swap3A_525 {strides = array<i32>} : memref<8x2048x128xf32, #tpu.memory_space<vmem>>, vector<1x1x128xf32>,
    %get3A_526 = arith.constant 8 : index
    %get3A_527 = memref.load %arg1[%get3A_526] : memref<16xi32, #tpu.memory_space<smem>>
    %get3A_528 = arith.constant 2 : index
    %get3A_529 = arith.constant 8 : index
    %get3A_530 = arith.constant 0 : index
    %get3A_531 = vector.load %arg3[%get3A_528, %get3A_529, %get3A_530] : memref<8x16x128xf32, #tpu.memory_space<vmem>>, vector<1x1x128xf32>
    %get3A_532 = vector.shape_cast %get3A_531 : vector<1x1x128xf32> to vector<1x128xf32>
    %swap3A_533 = arith.constant 2 : index
    %swap3A_534 = arith.index_cast %get3A_527 : i32 to index
    %swap3A_535 = arith.constant 0 : index
    %swap3A_536 = vector.load %arg4[%swap3A_533, %swap3A_534, %swap3A_535] : memref<8x2048x128xf32, #tpu.memory_space<vmem>>, vector<1x1x128xf32>
    %swap3A_537 = vector.shape_cast %swap3A_536 : vector<1x1x128xf32> to vector<1x128xf32>
    %swap3A_538 = vector.shape_cast %get3A_532 : vector<1x128xf32> to vector<1x1x128xf32>
    tpu.vector_store %arg4[%swap3A_533, %swap3A_534, %swap3A_535], %swap3A_538 {strides = array<i32>} : memref<8x2048x128xf32, #tpu.memory_space<vmem>>, vector<1x1x128xf32>,
    %get3A_539 = arith.constant 9 : index
    %get3A_540 = memref.load %arg1[%get3A_539] : memref<16xi32, #tpu.memory_space<smem>>
    %get3A_541 = arith.constant 2 : index
    %get3A_542 = arith.constant 9 : index
    %get3A_543 = arith.constant 0 : index
    %get3A_544 = vector.load %arg3[%get3A_541, %get3A_542, %get3A_543] : memref<8x16x128xf32, #tpu.memory_space<vmem>>, vector<1x1x128xf32>
    %get3A_545 = vector.shape_cast %get3A_544 : vector<1x1x128xf32> to vector<1x128xf32>
    %swap3A_546 = arith.constant 2 : index
    %swap3A_547 = arith.index_cast %get3A_540 : i32 to index
    %swap3A_548 = arith.constant 0 : index
    %swap3A_549 = vector.load %arg4[%swap3A_546, %swap3A_547, %swap3A_548] : memref<8x2048x128xf32, #tpu.memory_space<vmem>>, vector<1x1x128xf32>
    %swap3A_550 = vector.shape_cast %swap3A_549 : vector<1x1x128xf32> to vector<1x128xf32>
    %swap3A_551 = vector.shape_cast %get3A_545 : vector<1x128xf32> to vector<1x1x128xf32>
    tpu.vector_store %arg4[%swap3A_546, %swap3A_547, %swap3A_548], %swap3A_551 {strides = array<i32>} : memref<8x2048x128xf32, #tpu.memory_space<vmem>>, vector<1x1x128xf32>,
    %get3A_552 = arith.constant 10 : index
    %get3A_553 = memref.load %arg1[%get3A_552] : memref<16xi32, #tpu.memory_space<smem>>
    %get3A_554 = arith.constant 2 : index
    %get3A_555 = arith.constant 10 : index
    %get3A_556 = arith.constant 0 : index
    %get3A_557 = vector.load %arg3[%get3A_554, %get3A_555, %get3A_556] : memref<8x16x128xf32, #tpu.memory_space<vmem>>, vector<1x1x128xf32>
    %get3A_558 = vector.shape_cast %get3A_557 : vector<1x1x128xf32> to vector<1x128xf32>
    %swap3A_559 = arith.constant 2 : index
    %swap3A_560 = arith.index_cast %get3A_553 : i32 to index
    %swap3A_561 = arith.constant 0 : index
    %swap3A_562 = vector.load %arg4[%swap3A_559, %swap3A_560, %swap3A_561] : memref<8x2048x128xf32, #tpu.memory_space<vmem>>, vector<1x1x128xf32>
    %swap3A_563 = vector.shape_cast %swap3A_562 : vector<1x1x128xf32> to vector<1x128xf32>
    %swap3A_564 = vector.shape_cast %get3A_558 : vector<1x128xf32> to vector<1x1x128xf32>
    tpu.vector_store %arg4[%swap3A_559, %swap3A_560, %swap3A_561], %swap3A_564 {strides = array<i32>} : memref<8x2048x128xf32, #tpu.memory_space<vmem>>, vector<1x1x128xf32>,
    %get3A_565 = arith.constant 11 : index
    %get3A_566 = memref.load %arg1[%get3A_565] : memref<16xi32, #tpu.memory_space<smem>>
    %get3A_567 = arith.constant 2 : index
    %get3A_568 = arith.constant 11 : index
    %get3A_569 = arith.constant 0 : index
    %get3A_570 = vector.load %arg3[%get3A_567, %get3A_568, %get3A_569] : memref<8x16x128xf32, #tpu.memory_space<vmem>>, vector<1x1x128xf32>
    %get3A_571 = vector.shape_cast %get3A_570 : vector<1x1x128xf32> to vector<1x128xf32>
    %swap3A_572 = arith.constant 2 : index
    %swap3A_573 = arith.index_cast %get3A_566 : i32 to index
    %swap3A_574 = arith.constant 0 : index
    %swap3A_575 = vector.load %arg4[%swap3A_572, %swap3A_573, %swap3A_574] : memref<8x2048x128xf32, #tpu.memory_space<vmem>>, vector<1x1x128xf32>
    %swap3A_576 = vector.shape_cast %swap3A_575 : vector<1x1x128xf32> to vector<1x128xf32>
    %swap3A_577 = vector.shape_cast %get3A_571 : vector<1x128xf32> to vector<1x1x128xf32>
    tpu.vector_store %arg4[%swap3A_572, %swap3A_573, %swap3A_574], %swap3A_577 {strides = array<i32>} : memref<8x2048x128xf32, #tpu.memory_space<vmem>>, vector<1x1x128xf32>,
    %get3A_578 = arith.constant 12 : index
    %get3A_579 = memref.load %arg1[%get3A_578] : memref<16xi32, #tpu.memory_space<smem>>
    %get3A_580 = arith.constant 2 : index
    %get3A_581 = arith.constant 12 : index
    %get3A_582 = arith.constant 0 : index
    %get3A_583 = vector.load %arg3[%get3A_580, %get3A_581, %get3A_582] : memref<8x16x128xf32, #tpu.memory_space<vmem>>, vector<1x1x128xf32>
    %get3A_584 = vector.shape_cast %get3A_583 : vector<1x1x128xf32> to vector<1x128xf32>
    %swap3A_585 = arith.constant 2 : index
    %swap3A_586 = arith.index_cast %get3A_579 : i32 to index
    %swap3A_587 = arith.constant 0 : index
    %swap3A_588 = vector.load %arg4[%swap3A_585, %swap3A_586, %swap3A_587] : memref<8x2048x128xf32, #tpu.memory_space<vmem>>, vector<1x1x128xf32>
    %swap3A_589 = vector.shape_cast %swap3A_588 : vector<1x1x128xf32> to vector<1x128xf32>
    %swap3A_590 = vector.shape_cast %get3A_584 : vector<1x128xf32> to vector<1x1x128xf32>
    tpu.vector_store %arg4[%swap3A_585, %swap3A_586, %swap3A_587], %swap3A_590 {strides = array<i32>} : memref<8x2048x128xf32, #tpu.memory_space<vmem>>, vector<1x1x128xf32>,
    %get3A_591 = arith.constant 13 : index
    %get3A_592 = memref.load %arg1[%get3A_591] : memref<16xi32, #tpu.memory_space<smem>>
    %get3A_593 = arith.constant 2 : index
    %get3A_594 = arith.constant 13 : index
    %get3A_595 = arith.constant 0 : index
    %get3A_596 = vector.load %arg3[%get3A_593, %get3A_594, %get3A_595] : memref<8x16x128xf32, #tpu.memory_space<vmem>>, vector<1x1x128xf32>
    %get3A_597 = vector.shape_cast %get3A_596 : vector<1x1x128xf32> to vector<1x128xf32>
    %swap3A_598 = arith.constant 2 : index
    %swap3A_599 = arith.index_cast %get3A_592 : i32 to index
    %swap3A_600 = arith.constant 0 : index
    %swap3A_601 = vector.load %arg4[%swap3A_598, %swap3A_599, %swap3A_600] : memref<8x2048x128xf32, #tpu.memory_space<vmem>>, vector<1x1x128xf32>
    %swap3A_602 = vector.shape_cast %swap3A_601 : vector<1x1x128xf32> to vector<1x128xf32>
    %swap3A_603 = vector.shape_cast %get3A_597 : vector<1x128xf32> to vector<1x1x128xf32>
    tpu.vector_store %arg4[%swap3A_598, %swap3A_599, %swap3A_600], %swap3A_603 {strides = array<i32>} : memref<8x2048x128xf32, #tpu.memory_space<vmem>>, vector<1x1x128xf32>,
    %get3A_604 = arith.constant 14 : index
    %get3A_605 = memref.load %arg1[%get3A_604] : memref<16xi32, #tpu.memory_space<smem>>
    %get3A_606 = arith.constant 2 : index
    %get3A_607 = arith.constant 14 : index
    %get3A_608 = arith.constant 0 : index
    %get3A_609 = vector.load %arg3[%get3A_606, %get3A_607, %get3A_608] : memref<8x16x128xf32, #tpu.memory_space<vmem>>, vector<1x1x128xf32>
    %get3A_610 = vector.shape_cast %get3A_609 : vector<1x1x128xf32> to vector<1x128xf32>
    %swap3A_611 = arith.constant 2 : index
    %swap3A_612 = arith.index_cast %get3A_605 : i32 to index
    %swap3A_613 = arith.constant 0 : index
    %swap3A_614 = vector.load %arg4[%swap3A_611, %swap3A_612, %swap3A_613] : memref<8x2048x128xf32, #tpu.memory_space<vmem>>, vector<1x1x128xf32>
    %swap3A_615 = vector.shape_cast %swap3A_614 : vector<1x1x128xf32> to vector<1x128xf32>
    %swap3A_616 = vector.shape_cast %get3A_610 : vector<1x128xf32> to vector<1x1x128xf32>
    tpu.vector_store %arg4[%swap3A_611, %swap3A_612, %swap3A_613], %swap3A_616 {strides = array<i32>} : memref<8x2048x128xf32, #tpu.memory_space<vmem>>, vector<1x1x128xf32>,
    %get3A_617 = arith.constant 15 : index
    %get3A_618 = memref.load %arg1[%get3A_617] : memref<16xi32, #tpu.memory_space<smem>>
    %get3A_619 = arith.constant 2 : index
    %get3A_620 = arith.constant 15 : index
    %get3A_621 = arith.constant 0 : index
    %get3A_622 = vector.load %arg3[%get3A_619, %get3A_620, %get3A_621] : memref<8x16x128xf32, #tpu.memory_space<vmem>>, vector<1x1x128xf32>
    %get3A_623 = vector.shape_cast %get3A_622 : vector<1x1x128xf32> to vector<1x128xf32>
    %swap3A_624 = arith.constant 2 : index
    %swap3A_625 = arith.index_cast %get3A_618 : i32 to index
    %swap3A_626 = arith.constant 0 : index
    %swap3A_627 = vector.load %arg4[%swap3A_624, %swap3A_625, %swap3A_626] : memref<8x2048x128xf32, #tpu.memory_space<vmem>>, vector<1x1x128xf32>
    %swap3A_628 = vector.shape_cast %swap3A_627 : vector<1x1x128xf32> to vector<1x128xf32>
    %swap3A_629 = vector.shape_cast %get3A_623 : vector<1x128xf32> to vector<1x1x128xf32>
    tpu.vector_store %arg4[%swap3A_624, %swap3A_625, %swap3A_626], %swap3A_629 {strides = array<i32>} : memref<8x2048x128xf32, #tpu.memory_space<vmem>>, vector<1x1x128xf32>,
    %get3A_630 = arith.constant 0 : index
    %get3A_631 = memref.load %arg1[%get3A_630] : memref<16xi32, #tpu.memory_space<smem>>
    %get3A_632 = arith.constant 3 : index
    %get3A_633 = arith.constant 0 : index
    %get3A_634 = arith.constant 0 : index
    %get3A_635 = vector.load %arg3[%get3A_632, %get3A_633, %get3A_634] : memref<8x16x128xf32, #tpu.memory_space<vmem>>, vector<1x1x128xf32>
    %get3A_636 = vector.shape_cast %get3A_635 : vector<1x1x128xf32> to vector<1x128xf32>
    %swap3A_637 = arith.constant 3 : index
    %swap3A_638 = arith.index_cast %get3A_631 : i32 to index
    %swap3A_639 = arith.constant 0 : index
    %swap3A_640 = vector.load %arg4[%swap3A_637, %swap3A_638, %swap3A_639] : memref<8x2048x128xf32, #tpu.memory_space<vmem>>, vector<1x1x128xf32>
    %swap3A_641 = vector.shape_cast %swap3A_640 : vector<1x1x128xf32> to vector<1x128xf32>
    %swap3A_642 = vector.shape_cast %get3A_636 : vector<1x128xf32> to vector<1x1x128xf32>
    tpu.vector_store %arg4[%swap3A_637, %swap3A_638, %swap3A_639], %swap3A_642 {strides = array<i32>} : memref<8x2048x128xf32, #tpu.memory_space<vmem>>, vector<1x1x128xf32>,
    %get3A_643 = arith.constant 1 : index
    %get3A_644 = memref.load %arg1[%get3A_643] : memref<16xi32, #tpu.memory_space<smem>>
    %get3A_645 = arith.constant 3 : index
    %get3A_646 = arith.constant 1 : index
    %get3A_647 = arith.constant 0 : index
    %get3A_648 = vector.load %arg3[%get3A_645, %get3A_646, %get3A_647] : memref<8x16x128xf32, #tpu.memory_space<vmem>>, vector<1x1x128xf32>
    %get3A_649 = vector.shape_cast %get3A_648 : vector<1x1x128xf32> to vector<1x128xf32>
    %swap3A_650 = arith.constant 3 : index
    %swap3A_651 = arith.index_cast %get3A_644 : i32 to index
    %swap3A_652 = arith.constant 0 : index
    %swap3A_653 = vector.load %arg4[%swap3A_650, %swap3A_651, %swap3A_652] : memref<8x2048x128xf32, #tpu.memory_space<vmem>>, vector<1x1x128xf32>
    %swap3A_654 = vector.shape_cast %swap3A_653 : vector<1x1x128xf32> to vector<1x128xf32>
    %swap3A_655 = vector.shape_cast %get3A_649 : vector<1x128xf32> to vector<1x1x128xf32>
    tpu.vector_store %arg4[%swap3A_650, %swap3A_651, %swap3A_652], %swap3A_655 {strides = array<i32>} : memref<8x2048x128xf32, #tpu.memory_space<vmem>>, vector<1x1x128xf32>,
    %get3A_656 = arith.constant 2 : index
    %get3A_657 = memref.load %arg1[%get3A_656] : memref<16xi32, #tpu.memory_space<smem>>
    %get3A_658 = arith.constant 3 : index
    %get3A_659 = arith.constant 2 : index
    %get3A_660 = arith.constant 0 : index
    %get3A_661 = vector.load %arg3[%get3A_658, %get3A_659, %get3A_660] : memref<8x16x128xf32, #tpu.memory_space<vmem>>, vector<1x1x128xf32>
    %get3A_662 = vector.shape_cast %get3A_661 : vector<1x1x128xf32> to vector<1x128xf32>
    %swap3A_663 = arith.constant 3 : index
    %swap3A_664 = arith.index_cast %get3A_657 : i32 to index
    %swap3A_665 = arith.constant 0 : index
    %swap3A_666 = vector.load %arg4[%swap3A_663, %swap3A_664, %swap3A_665] : memref<8x2048x128xf32, #tpu.memory_space<vmem>>, vector<1x1x128xf32>
    %swap3A_667 = vector.shape_cast %swap3A_666 : vector<1x1x128xf32> to vector<1x128xf32>
    %swap3A_668 = vector.shape_cast %get3A_662 : vector<1x128xf32> to vector<1x1x128xf32>
    tpu.vector_store %arg4[%swap3A_663, %swap3A_664, %swap3A_665], %swap3A_668 {strides = array<i32>} : memref<8x2048x128xf32, #tpu.memory_space<vmem>>, vector<1x1x128xf32>,
    %get3A_669 = arith.constant 3 : index
    %get3A_670 = memref.load %arg1[%get3A_669] : memref<16xi32, #tpu.memory_space<smem>>
    %get3A_671 = arith.constant 3 : index
    %get3A_672 = arith.constant 3 : index
    %get3A_673 = arith.constant 0 : index
    %get3A_674 = vector.load %arg3[%get3A_671, %get3A_672, %get3A_673] : memref<8x16x128xf32, #tpu.memory_space<vmem>>, vector<1x1x128xf32>
    %get3A_675 = vector.shape_cast %get3A_674 : vector<1x1x128xf32> to vector<1x128xf32>
    %swap3A_676 = arith.constant 3 : index
    %swap3A_677 = arith.index_cast %get3A_670 : i32 to index
    %swap3A_678 = arith.constant 0 : index
    %swap3A_679 = vector.load %arg4[%swap3A_676, %swap3A_677, %swap3A_678] : memref<8x2048x128xf32, #tpu.memory_space<vmem>>, vector<1x1x128xf32>
    %swap3A_680 = vector.shape_cast %swap3A_679 : vector<1x1x128xf32> to vector<1x128xf32>
    %swap3A_681 = vector.shape_cast %get3A_675 : vector<1x128xf32> to vector<1x1x128xf32>
    tpu.vector_store %arg4[%swap3A_676, %swap3A_677, %swap3A_678], %swap3A_681 {strides = array<i32>} : memref<8x2048x128xf32, #tpu.memory_space<vmem>>, vector<1x1x128xf32>,
    %get3A_682 = arith.constant 4 : index
    %get3A_683 = memref.load %arg1[%get3A_682] : memref<16xi32, #tpu.memory_space<smem>>
    %get3A_684 = arith.constant 3 : index
    %get3A_685 = arith.constant 4 : index
    %get3A_686 = arith.constant 0 : index
    %get3A_687 = vector.load %arg3[%get3A_684, %get3A_685, %get3A_686] : memref<8x16x128xf32, #tpu.memory_space<vmem>>, vector<1x1x128xf32>
    %get3A_688 = vector.shape_cast %get3A_687 : vector<1x1x128xf32> to vector<1x128xf32>
    %swap3A_689 = arith.constant 3 : index
    %swap3A_690 = arith.index_cast %get3A_683 : i32 to index
    %swap3A_691 = arith.constant 0 : index
    %swap3A_692 = vector.load %arg4[%swap3A_689, %swap3A_690, %swap3A_691] : memref<8x2048x128xf32, #tpu.memory_space<vmem>>, vector<1x1x128xf32>
    %swap3A_693 = vector.shape_cast %swap3A_692 : vector<1x1x128xf32> to vector<1x128xf32>
    %swap3A_694 = vector.shape_cast %get3A_688 : vector<1x128xf32> to vector<1x1x128xf32>
    tpu.vector_store %arg4[%swap3A_689, %swap3A_690, %swap3A_691], %swap3A_694 {strides = array<i32>} : memref<8x2048x128xf32, #tpu.memory_space<vmem>>, vector<1x1x128xf32>,
    %get3A_695 = arith.constant 5 : index
    %get3A_696 = memref.load %arg1[%get3A_695] : memref<16xi32, #tpu.memory_space<smem>>
    %get3A_697 = arith.constant 3 : index
    %get3A_698 = arith.constant 5 : index
    %get3A_699 = arith.constant 0 : index
    %get3A_700 = vector.load %arg3[%get3A_697, %get3A_698, %get3A_699] : memref<8x16x128xf32, #tpu.memory_space<vmem>>, vector<1x1x128xf32>
    %get3A_701 = vector.shape_cast %get3A_700 : vector<1x1x128xf32> to vector<1x128xf32>
    %swap3A_702 = arith.constant 3 : index
    %swap3A_703 = arith.index_cast %get3A_696 : i32 to index
    %swap3A_704 = arith.constant 0 : index
    %swap3A_705 = vector.load %arg4[%swap3A_702, %swap3A_703, %swap3A_704] : memref<8x2048x128xf32, #tpu.memory_space<vmem>>, vector<1x1x128xf32>
    %swap3A_706 = vector.shape_cast %swap3A_705 : vector<1x1x128xf32> to vector<1x128xf32>
    %swap3A_707 = vector.shape_cast %get3A_701 : vector<1x128xf32> to vector<1x1x128xf32>
    tpu.vector_store %arg4[%swap3A_702, %swap3A_703, %swap3A_704], %swap3A_707 {strides = array<i32>} : memref<8x2048x128xf32, #tpu.memory_space<vmem>>, vector<1x1x128xf32>,
    %get3A_708 = arith.constant 6 : index
    %get3A_709 = memref.load %arg1[%get3A_708] : memref<16xi32, #tpu.memory_space<smem>>
    %get3A_710 = arith.constant 3 : index
    %get3A_711 = arith.constant 6 : index
    %get3A_712 = arith.constant 0 : index
    %get3A_713 = vector.load %arg3[%get3A_710, %get3A_711, %get3A_712] : memref<8x16x128xf32, #tpu.memory_space<vmem>>, vector<1x1x128xf32>
    %get3A_714 = vector.shape_cast %get3A_713 : vector<1x1x128xf32> to vector<1x128xf32>
    %swap3A_715 = arith.constant 3 : index
    %swap3A_716 = arith.index_cast %get3A_709 : i32 to index
    %swap3A_717 = arith.constant 0 : index
    %swap3A_718 = vector.load %arg4[%swap3A_715, %swap3A_716, %swap3A_717] : memref<8x2048x128xf32, #tpu.memory_space<vmem>>, vector<1x1x128xf32>
    %swap3A_719 = vector.shape_cast %swap3A_718 : vector<1x1x128xf32> to vector<1x128xf32>
    %swap3A_720 = vector.shape_cast %get3A_714 : vector<1x128xf32> to vector<1x1x128xf32>
    tpu.vector_store %arg4[%swap3A_715, %swap3A_716, %swap3A_717], %swap3A_720 {strides = array<i32>} : memref<8x2048x128xf32, #tpu.memory_space<vmem>>, vector<1x1x128xf32>,
    %get3A_721 = arith.constant 7 : index
    %get3A_722 = memref.load %arg1[%get3A_721] : memref<16xi32, #tpu.memory_space<smem>>
    %get3A_723 = arith.constant 3 : index
    %get3A_724 = arith.constant 7 : index
    %get3A_725 = arith.constant 0 : index
    %get3A_726 = vector.load %arg3[%get3A_723, %get3A_724, %get3A_725] : memref<8x16x128xf32, #tpu.memory_space<vmem>>, vector<1x1x128xf32>
    %get3A_727 = vector.shape_cast %get3A_726 : vector<1x1x128xf32> to vector<1x128xf32>
    %swap3A_728 = arith.constant 3 : index
    %swap3A_729 = arith.index_cast %get3A_722 : i32 to index
    %swap3A_730 = arith.constant 0 : index
    %swap3A_731 = vector.load %arg4[%swap3A_728, %swap3A_729, %swap3A_730] : memref<8x2048x128xf32, #tpu.memory_space<vmem>>, vector<1x1x128xf32>
    %swap3A_732 = vector.shape_cast %swap3A_731 : vector<1x1x128xf32> to vector<1x128xf32>
    %swap3A_733 = vector.shape_cast %get3A_727 : vector<1x128xf32> to vector<1x1x128xf32>
    tpu.vector_store %arg4[%swap3A_728, %swap3A_729, %swap3A_730], %swap3A_733 {strides = array<i32>} : memref<8x2048x128xf32, #tpu.memory_space<vmem>>, vector<1x1x128xf32>,
    %get3A_734 = arith.constant 8 : index
    %get3A_735 = memref.load %arg1[%get3A_734] : memref<16xi32, #tpu.memory_space<smem>>
    %get3A_736 = arith.constant 3 : index
    %get3A_737 = arith.constant 8 : index
    %get3A_738 = arith.constant 0 : index
    %get3A_739 = vector.load %arg3[%get3A_736, %get3A_737, %get3A_738] : memref<8x16x128xf32, #tpu.memory_space<vmem>>, vector<1x1x128xf32>
    %get3A_740 = vector.shape_cast %get3A_739 : vector<1x1x128xf32> to vector<1x128xf32>
    %swap3A_741 = arith.constant 3 : index
    %swap3A_742 = arith.index_cast %get3A_735 : i32 to index
    %swap3A_743 = arith.constant 0 : index
    %swap3A_744 = vector.load %arg4[%swap3A_741, %swap3A_742, %swap3A_743] : memref<8x2048x128xf32, #tpu.memory_space<vmem>>, vector<1x1x128xf32>
    %swap3A_745 = vector.shape_cast %swap3A_744 : vector<1x1x128xf32> to vector<1x128xf32>
    %swap3A_746 = vector.shape_cast %get3A_740 : vector<1x128xf32> to vector<1x1x128xf32>
    tpu.vector_store %arg4[%swap3A_741, %swap3A_742, %swap3A_743], %swap3A_746 {strides = array<i32>} : memref<8x2048x128xf32, #tpu.memory_space<vmem>>, vector<1x1x128xf32>,
    %get3A_747 = arith.constant 9 : index
    %get3A_748 = memref.load %arg1[%get3A_747] : memref<16xi32, #tpu.memory_space<smem>>
    %get3A_749 = arith.constant 3 : index
    %get3A_750 = arith.constant 9 : index
    %get3A_751 = arith.constant 0 : index
    %get3A_752 = vector.load %arg3[%get3A_749, %get3A_750, %get3A_751] : memref<8x16x128xf32, #tpu.memory_space<vmem>>, vector<1x1x128xf32>
    %get3A_753 = vector.shape_cast %get3A_752 : vector<1x1x128xf32> to vector<1x128xf32>
    %swap3A_754 = arith.constant 3 : index
    %swap3A_755 = arith.index_cast %get3A_748 : i32 to index
    %swap3A_756 = arith.constant 0 : index
    %swap3A_757 = vector.load %arg4[%swap3A_754, %swap3A_755, %swap3A_756] : memref<8x2048x128xf32, #tpu.memory_space<vmem>>, vector<1x1x128xf32>
    %swap3A_758 = vector.shape_cast %swap3A_757 : vector<1x1x128xf32> to vector<1x128xf32>
    %swap3A_759 = vector.shape_cast %get3A_753 : vector<1x128xf32> to vector<1x1x128xf32>
    tpu.vector_store %arg4[%swap3A_754, %swap3A_755, %swap3A_756], %swap3A_759 {strides = array<i32>} : memref<8x2048x128xf32, #tpu.memory_space<vmem>>, vector<1x1x128xf32>,
    %get3A_760 = arith.constant 10 : index
    %get3A_761 = memref.load %arg1[%get3A_760] : memref<16xi32, #tpu.memory_space<smem>>
    %get3A_762 = arith.constant 3 : index
    %get3A_763 = arith.constant 10 : index
    %get3A_764 = arith.constant 0 : index
    %get3A_765 = vector.load %arg3[%get3A_762, %get3A_763, %get3A_764] : memref<8x16x128xf32, #tpu.memory_space<vmem>>, vector<1x1x128xf32>
    %get3A_766 = vector.shape_cast %get3A_765 : vector<1x1x128xf32> to vector<1x128xf32>
    %swap3A_767 = arith.constant 3 : index
    %swap3A_768 = arith.index_cast %get3A_761 : i32 to index
    %swap3A_769 = arith.constant 0 : index
    %swap3A_770 = vector.load %arg4[%swap3A_767, %swap3A_768, %swap3A_769] : memref<8x2048x128xf32, #tpu.memory_space<vmem>>, vector<1x1x128xf32>
    %swap3A_771 = vector.shape_cast %swap3A_770 : vector<1x1x128xf32> to vector<1x128xf32>
    %swap3A_772 = vector.shape_cast %get3A_766 : vector<1x128xf32> to vector<1x1x128xf32>
    tpu.vector_store %arg4[%swap3A_767, %swap3A_768, %swap3A_769], %swap3A_772 {strides = array<i32>} : memref<8x2048x128xf32, #tpu.memory_space<vmem>>, vector<1x1x128xf32>,
    %get3A_773 = arith.constant 11 : index
    %get3A_774 = memref.load %arg1[%get3A_773] : memref<16xi32, #tpu.memory_space<smem>>
    %get3A_775 = arith.constant 3 : index
    %get3A_776 = arith.constant 11 : index
    %get3A_777 = arith.constant 0 : index
    %get3A_778 = vector.load %arg3[%get3A_775, %get3A_776, %get3A_777] : memref<8x16x128xf32, #tpu.memory_space<vmem>>, vector<1x1x128xf32>
    %get3A_779 = vector.shape_cast %get3A_778 : vector<1x1x128xf32> to vector<1x128xf32>
    %swap3A_780 = arith.constant 3 : index
    %swap3A_781 = arith.index_cast %get3A_774 : i32 to index
    %swap3A_782 = arith.constant 0 : index
    %swap3A_783 = vector.load %arg4[%swap3A_780, %swap3A_781, %swap3A_782] : memref<8x2048x128xf32, #tpu.memory_space<vmem>>, vector<1x1x128xf32>
    %swap3A_784 = vector.shape_cast %swap3A_783 : vector<1x1x128xf32> to vector<1x128xf32>
    %swap3A_785 = vector.shape_cast %get3A_779 : vector<1x128xf32> to vector<1x1x128xf32>
    tpu.vector_store %arg4[%swap3A_780, %swap3A_781, %swap3A_782], %swap3A_785 {strides = array<i32>} : memref<8x2048x128xf32, #tpu.memory_space<vmem>>, vector<1x1x128xf32>,
    %get3A_786 = arith.constant 12 : index
    %get3A_787 = memref.load %arg1[%get3A_786] : memref<16xi32, #tpu.memory_space<smem>>
    %get3A_788 = arith.constant 3 : index
    %get3A_789 = arith.constant 12 : index
    %get3A_790 = arith.constant 0 : index
    %get3A_791 = vector.load %arg3[%get3A_788, %get3A_789, %get3A_790] : memref<8x16x128xf32, #tpu.memory_space<vmem>>, vector<1x1x128xf32>
    %get3A_792 = vector.shape_cast %get3A_791 : vector<1x1x128xf32> to vector<1x128xf32>
    %swap3A_793 = arith.constant 3 : index
    %swap3A_794 = arith.index_cast %get3A_787 : i32 to index
    %swap3A_795 = arith.constant 0 : index
    %swap3A_796 = vector.load %arg4[%swap3A_793, %swap3A_794, %swap3A_795] : memref<8x2048x128xf32, #tpu.memory_space<vmem>>, vector<1x1x128xf32>
    %swap3A_797 = vector.shape_cast %swap3A_796 : vector<1x1x128xf32> to vector<1x128xf32>
    %swap3A_798 = vector.shape_cast %get3A_792 : vector<1x128xf32> to vector<1x1x128xf32>
    tpu.vector_store %arg4[%swap3A_793, %swap3A_794, %swap3A_795], %swap3A_798 {strides = array<i32>} : memref<8x2048x128xf32, #tpu.memory_space<vmem>>, vector<1x1x128xf32>,
    %get3A_799 = arith.constant 13 : index
    %get3A_800 = memref.load %arg1[%get3A_799] : memref<16xi32, #tpu.memory_space<smem>>
    %get3A_801 = arith.constant 3 : index
    %get3A_802 = arith.constant 13 : index
    %get3A_803 = arith.constant 0 : index
    %get3A_804 = vector.load %arg3[%get3A_801, %get3A_802, %get3A_803] : memref<8x16x128xf32, #tpu.memory_space<vmem>>, vector<1x1x128xf32>
    %get3A_805 = vector.shape_cast %get3A_804 : vector<1x1x128xf32> to vector<1x128xf32>
    %swap3A_806 = arith.constant 3 : index
    %swap3A_807 = arith.index_cast %get3A_800 : i32 to index
    %swap3A_808 = arith.constant 0 : index
    %swap3A_809 = vector.load %arg4[%swap3A_806, %swap3A_807, %swap3A_808] : memref<8x2048x128xf32, #tpu.memory_space<vmem>>, vector<1x1x128xf32>
    %swap3A_810 = vector.shape_cast %swap3A_809 : vector<1x1x128xf32> to vector<1x128xf32>
    %swap3A_811 = vector.shape_cast %get3A_805 : vector<1x128xf32> to vector<1x1x128xf32>
    tpu.vector_store %arg4[%swap3A_806, %swap3A_807, %swap3A_808], %swap3A_811 {strides = array<i32>} : memref<8x2048x128xf32, #tpu.memory_space<vmem>>, vector<1x1x128xf32>,
    %get3A_812 = arith.constant 14 : index
    %get3A_813 = memref.load %arg1[%get3A_812] : memref<16xi32, #tpu.memory_space<smem>>
    %get3A_814 = arith.constant 3 : index
    %get3A_815 = arith.constant 14 : index
    %get3A_816 = arith.constant 0 : index
    %get3A_817 = vector.load %arg3[%get3A_814, %get3A_815, %get3A_816] : memref<8x16x128xf32, #tpu.memory_space<vmem>>, vector<1x1x128xf32>
    %get3A_818 = vector.shape_cast %get3A_817 : vector<1x1x128xf32> to vector<1x128xf32>
    %swap3A_819 = arith.constant 3 : index
    %swap3A_820 = arith.index_cast %get3A_813 : i32 to index
    %swap3A_821 = arith.constant 0 : index
    %swap3A_822 = vector.load %arg4[%swap3A_819, %swap3A_820, %swap3A_821] : memref<8x2048x128xf32, #tpu.memory_space<vmem>>, vector<1x1x128xf32>
    %swap3A_823 = vector.shape_cast %swap3A_822 : vector<1x1x128xf32> to vector<1x128xf32>
    %swap3A_824 = vector.shape_cast %get3A_818 : vector<1x128xf32> to vector<1x1x128xf32>
    tpu.vector_store %arg4[%swap3A_819, %swap3A_820, %swap3A_821], %swap3A_824 {strides = array<i32>} : memref<8x2048x128xf32, #tpu.memory_space<vmem>>, vector<1x1x128xf32>,
    %get3A_825 = arith.constant 15 : index
    %get3A_826 = memref.load %arg1[%get3A_825] : memref<16xi32, #tpu.memory_space<smem>>
    %get3A_827 = arith.constant 3 : index
    %get3A_828 = arith.constant 15 : index
    %get3A_829 = arith.constant 0 : index
    %get3A_830 = vector.load %arg3[%get3A_827, %get3A_828, %get3A_829] : memref<8x16x128xf32, #tpu.memory_space<vmem>>, vector<1x1x128xf32>
    %get3A_831 = vector.shape_cast %get3A_830 : vector<1x1x128xf32> to vector<1x128xf32>
    %swap3A_832 = arith.constant 3 : index
    %swap3A_833 = arith.index_cast %get3A_826 : i32 to index
    %swap3A_834 = arith.constant 0 : index
    %swap3A_835 = vector.load %arg4[%swap3A_832, %swap3A_833, %swap3A_834] : memref<8x2048x128xf32, #tpu.memory_space<vmem>>, vector<1x1x128xf32>
    %swap3A_836 = vector.shape_cast %swap3A_835 : vector<1x1x128xf32> to vector<1x128xf32>
    %swap3A_837 = vector.shape_cast %get3A_831 : vector<1x128xf32> to vector<1x1x128xf32>
    tpu.vector_store %arg4[%swap3A_832, %swap3A_833, %swap3A_834], %swap3A_837 {strides = array<i32>} : memref<8x2048x128xf32, #tpu.memory_space<vmem>>, vector<1x1x128xf32>,
    %get3A_838 = arith.constant 0 : index
    %get3A_839 = memref.load %arg1[%get3A_838] : memref<16xi32, #tpu.memory_space<smem>>
    %get3A_840 = arith.constant 4 : index
    %get3A_841 = arith.constant 0 : index
    %get3A_842 = arith.constant 0 : index
    %get3A_843 = vector.load %arg3[%get3A_840, %get3A_841, %get3A_842] : memref<8x16x128xf32, #tpu.memory_space<vmem>>, vector<1x1x128xf32>
    %get3A_844 = vector.shape_cast %get3A_843 : vector<1x1x128xf32> to vector<1x128xf32>
    %swap3A_845 = arith.constant 4 : index
    %swap3A_846 = arith.index_cast %get3A_839 : i32 to index
    %swap3A_847 = arith.constant 0 : index
    %swap3A_848 = vector.load %arg4[%swap3A_845, %swap3A_846, %swap3A_847] : memref<8x2048x128xf32, #tpu.memory_space<vmem>>, vector<1x1x128xf32>
    %swap3A_849 = vector.shape_cast %swap3A_848 : vector<1x1x128xf32> to vector<1x128xf32>
    %swap3A_850 = vector.shape_cast %get3A_844 : vector<1x128xf32> to vector<1x1x128xf32>
    tpu.vector_store %arg4[%swap3A_845, %swap3A_846, %swap3A_847], %swap3A_850 {strides = array<i32>} : memref<8x2048x128xf32, #tpu.memory_space<vmem>>, vector<1x1x128xf32>,
    %get3A_851 = arith.constant 1 : index
    %get3A_852 = memref.load %arg1[%get3A_851] : memref<16xi32, #tpu.memory_space<smem>>
    %get3A_853 = arith.constant 4 : index
    %get3A_854 = arith.constant 1 : index
    %get3A_855 = arith.constant 0 : index
    %get3A_856 = vector.load %arg3[%get3A_853, %get3A_854, %get3A_855] : memref<8x16x128xf32, #tpu.memory_space<vmem>>, vector<1x1x128xf32>
    %get3A_857 = vector.shape_cast %get3A_856 : vector<1x1x128xf32> to vector<1x128xf32>
    %swap3A_858 = arith.constant 4 : index
    %swap3A_859 = arith.index_cast %get3A_852 : i32 to index
    %swap3A_860 = arith.constant 0 : index
    %swap3A_861 = vector.load %arg4[%swap3A_858, %swap3A_859, %swap3A_860] : memref<8x2048x128xf32, #tpu.memory_space<vmem>>, vector<1x1x128xf32>
    %swap3A_862 = vector.shape_cast %swap3A_861 : vector<1x1x128xf32> to vector<1x128xf32>
    %swap3A_863 = vector.shape_cast %get3A_857 : vector<1x128xf32> to vector<1x1x128xf32>
    tpu.vector_store %arg4[%swap3A_858, %swap3A_859, %swap3A_860], %swap3A_863 {strides = array<i32>} : memref<8x2048x128xf32, #tpu.memory_space<vmem>>, vector<1x1x128xf32>,
    %get3A_864 = arith.constant 2 : index
    %get3A_865 = memref.load %arg1[%get3A_864] : memref<16xi32, #tpu.memory_space<smem>>
    %get3A_866 = arith.constant 4 : index
    %get3A_867 = arith.constant 2 : index
    %get3A_868 = arith.constant 0 : index
    %get3A_869 = vector.load %arg3[%get3A_866, %get3A_867, %get3A_868] : memref<8x16x128xf32, #tpu.memory_space<vmem>>, vector<1x1x128xf32>
    %get3A_870 = vector.shape_cast %get3A_869 : vector<1x1x128xf32> to vector<1x128xf32>
    %swap3A_871 = arith.constant 4 : index
    %swap3A_872 = arith.index_cast %get3A_865 : i32 to index
    %swap3A_873 = arith.constant 0 : index
    %swap3A_874 = vector.load %arg4[%swap3A_871, %swap3A_872, %swap3A_873] : memref<8x2048x128xf32, #tpu.memory_space<vmem>>, vector<1x1x128xf32>
    %swap3A_875 = vector.shape_cast %swap3A_874 : vector<1x1x128xf32> to vector<1x128xf32>
    %swap3A_876 = vector.shape_cast %get3A_870 : vector<1x128xf32> to vector<1x1x128xf32>
    tpu.vector_store %arg4[%swap3A_871, %swap3A_872, %swap3A_873], %swap3A_876 {strides = array<i32>} : memref<8x2048x128xf32, #tpu.memory_space<vmem>>, vector<1x1x128xf32>,
    %get3A_877 = arith.constant 3 : index
    %get3A_878 = memref.load %arg1[%get3A_877] : memref<16xi32, #tpu.memory_space<smem>>
    %get3A_879 = arith.constant 4 : index
    %get3A_880 = arith.constant 3 : index
    %get3A_881 = arith.constant 0 : index
    %get3A_882 = vector.load %arg3[%get3A_879, %get3A_880, %get3A_881] : memref<8x16x128xf32, #tpu.memory_space<vmem>>, vector<1x1x128xf32>
    %get3A_883 = vector.shape_cast %get3A_882 : vector<1x1x128xf32> to vector<1x128xf32>
    %swap3A_884 = arith.constant 4 : index
    %swap3A_885 = arith.index_cast %get3A_878 : i32 to index
    %swap3A_886 = arith.constant 0 : index
    %swap3A_887 = vector.load %arg4[%swap3A_884, %swap3A_885, %swap3A_886] : memref<8x2048x128xf32, #tpu.memory_space<vmem>>, vector<1x1x128xf32>
    %swap3A_888 = vector.shape_cast %swap3A_887 : vector<1x1x128xf32> to vector<1x128xf32>
    %swap3A_889 = vector.shape_cast %get3A_883 : vector<1x128xf32> to vector<1x1x128xf32>
    tpu.vector_store %arg4[%swap3A_884, %swap3A_885, %swap3A_886], %swap3A_889 {strides = array<i32>} : memref<8x2048x128xf32, #tpu.memory_space<vmem>>, vector<1x1x128xf32>,
    %get3A_890 = arith.constant 4 : index
    %get3A_891 = memref.load %arg1[%get3A_890] : memref<16xi32, #tpu.memory_space<smem>>
    %get3A_892 = arith.constant 4 : index
    %get3A_893 = arith.constant 4 : index
    %get3A_894 = arith.constant 0 : index
    %get3A_895 = vector.load %arg3[%get3A_892, %get3A_893, %get3A_894] : memref<8x16x128xf32, #tpu.memory_space<vmem>>, vector<1x1x128xf32>
    %get3A_896 = vector.shape_cast %get3A_895 : vector<1x1x128xf32> to vector<1x128xf32>
    %swap3A_897 = arith.constant 4 : index
    %swap3A_898 = arith.index_cast %get3A_891 : i32 to index
    %swap3A_899 = arith.constant 0 : index
    %swap3A_900 = vector.load %arg4[%swap3A_897, %swap3A_898, %swap3A_899] : memref<8x2048x128xf32, #tpu.memory_space<vmem>>, vector<1x1x128xf32>
    %swap3A_901 = vector.shape_cast %swap3A_900 : vector<1x1x128xf32> to vector<1x128xf32>
    %swap3A_902 = vector.shape_cast %get3A_896 : vector<1x128xf32> to vector<1x1x128xf32>
    tpu.vector_store %arg4[%swap3A_897, %swap3A_898, %swap3A_899], %swap3A_902 {strides = array<i32>} : memref<8x2048x128xf32, #tpu.memory_space<vmem>>, vector<1x1x128xf32>,
    %get3A_903 = arith.constant 5 : index
    %get3A_904 = memref.load %arg1[%get3A_903] : memref<16xi32, #tpu.memory_space<smem>>
    %get3A_905 = arith.constant 4 : index
    %get3A_906 = arith.constant 5 : index
    %get3A_907 = arith.constant 0 : index
    %get3A_908 = vector.load %arg3[%get3A_905, %get3A_906, %get3A_907] : memref<8x16x128xf32, #tpu.memory_space<vmem>>, vector<1x1x128xf32>
    %get3A_909 = vector.shape_cast %get3A_908 : vector<1x1x128xf32> to vector<1x128xf32>
    %swap3A_910 = arith.constant 4 : index
    %swap3A_911 = arith.index_cast %get3A_904 : i32 to index
    %swap3A_912 = arith.constant 0 : index
    %swap3A_913 = vector.load %arg4[%swap3A_910, %swap3A_911, %swap3A_912] : memref<8x2048x128xf32, #tpu.memory_space<vmem>>, vector<1x1x128xf32>
    %swap3A_914 = vector.shape_cast %swap3A_913 : vector<1x1x128xf32> to vector<1x128xf32>
    %swap3A_915 = vector.shape_cast %get3A_909 : vector<1x128xf32> to vector<1x1x128xf32>
    tpu.vector_store %arg4[%swap3A_910, %swap3A_911, %swap3A_912], %swap3A_915 {strides = array<i32>} : memref<8x2048x128xf32, #tpu.memory_space<vmem>>, vector<1x1x128xf32>,
    %get3A_916 = arith.constant 6 : index
    %get3A_917 = memref.load %arg1[%get3A_916] : memref<16xi32, #tpu.memory_space<smem>>
    %get3A_918 = arith.constant 4 : index
    %get3A_919 = arith.constant 6 : index
    %get3A_920 = arith.constant 0 : index
    %get3A_921 = vector.load %arg3[%get3A_918, %get3A_919, %get3A_920] : memref<8x16x128xf32, #tpu.memory_space<vmem>>, vector<1x1x128xf32>
    %get3A_922 = vector.shape_cast %get3A_921 : vector<1x1x128xf32> to vector<1x128xf32>
    %swap3A_923 = arith.constant 4 : index
    %swap3A_924 = arith.index_cast %get3A_917 : i32 to index
    %swap3A_925 = arith.constant 0 : index
    %swap3A_926 = vector.load %arg4[%swap3A_923, %swap3A_924, %swap3A_925] : memref<8x2048x128xf32, #tpu.memory_space<vmem>>, vector<1x1x128xf32>
    %swap3A_927 = vector.shape_cast %swap3A_926 : vector<1x1x128xf32> to vector<1x128xf32>
    %swap3A_928 = vector.shape_cast %get3A_922 : vector<1x128xf32> to vector<1x1x128xf32>
    tpu.vector_store %arg4[%swap3A_923, %swap3A_924, %swap3A_925], %swap3A_928 {strides = array<i32>} : memref<8x2048x128xf32, #tpu.memory_space<vmem>>, vector<1x1x128xf32>,
    %get3A_929 = arith.constant 7 : index
    %get3A_930 = memref.load %arg1[%get3A_929] : memref<16xi32, #tpu.memory_space<smem>>
    %get3A_931 = arith.constant 4 : index
    %get3A_932 = arith.constant 7 : index
    %get3A_933 = arith.constant 0 : index
    %get3A_934 = vector.load %arg3[%get3A_931, %get3A_932, %get3A_933] : memref<8x16x128xf32, #tpu.memory_space<vmem>>, vector<1x1x128xf32>
    %get3A_935 = vector.shape_cast %get3A_934 : vector<1x1x128xf32> to vector<1x128xf32>
    %swap3A_936 = arith.constant 4 : index
    %swap3A_937 = arith.index_cast %get3A_930 : i32 to index
    %swap3A_938 = arith.constant 0 : index
    %swap3A_939 = vector.load %arg4[%swap3A_936, %swap3A_937, %swap3A_938] : memref<8x2048x128xf32, #tpu.memory_space<vmem>>, vector<1x1x128xf32>
    %swap3A_940 = vector.shape_cast %swap3A_939 : vector<1x1x128xf32> to vector<1x128xf32>
    %swap3A_941 = vector.shape_cast %get3A_935 : vector<1x128xf32> to vector<1x1x128xf32>
    tpu.vector_store %arg4[%swap3A_936, %swap3A_937, %swap3A_938], %swap3A_941 {strides = array<i32>} : memref<8x2048x128xf32, #tpu.memory_space<vmem>>, vector<1x1x128xf32>,
    %get3A_942 = arith.constant 8 : index
    %get3A_943 = memref.load %arg1[%get3A_942] : memref<16xi32, #tpu.memory_space<smem>>
    %get3A_944 = arith.constant 4 : index
    %get3A_945 = arith.constant 8 : index
    %get3A_946 = arith.constant 0 : index
    %get3A_947 = vector.load %arg3[%get3A_944, %get3A_945, %get3A_946] : memref<8x16x128xf32, #tpu.memory_space<vmem>>, vector<1x1x128xf32>
    %get3A_948 = vector.shape_cast %get3A_947 : vector<1x1x128xf32> to vector<1x128xf32>
    %swap3A_949 = arith.constant 4 : index
    %swap3A_950 = arith.index_cast %get3A_943 : i32 to index
    %swap3A_951 = arith.constant 0 : index
    %swap3A_952 = vector.load %arg4[%swap3A_949, %swap3A_950, %swap3A_951] : memref<8x2048x128xf32, #tpu.memory_space<vmem>>, vector<1x1x128xf32>
    %swap3A_953 = vector.shape_cast %swap3A_952 : vector<1x1x128xf32> to vector<1x128xf32>
    %swap3A_954 = vector.shape_cast %get3A_948 : vector<1x128xf32> to vector<1x1x128xf32>
    tpu.vector_store %arg4[%swap3A_949, %swap3A_950, %swap3A_951], %swap3A_954 {strides = array<i32>} : memref<8x2048x128xf32, #tpu.memory_space<vmem>>, vector<1x1x128xf32>,
    %get3A_955 = arith.constant 9 : index
    %get3A_956 = memref.load %arg1[%get3A_955] : memref<16xi32, #tpu.memory_space<smem>>
    %get3A_957 = arith.constant 4 : index
    %get3A_958 = arith.constant 9 : index
    %get3A_959 = arith.constant 0 : index
    %get3A_960 = vector.load %arg3[%get3A_957, %get3A_958, %get3A_959] : memref<8x16x128xf32, #tpu.memory_space<vmem>>, vector<1x1x128xf32>
    %get3A_961 = vector.shape_cast %get3A_960 : vector<1x1x128xf32> to vector<1x128xf32>
    %swap3A_962 = arith.constant 4 : index
    %swap3A_963 = arith.index_cast %get3A_956 : i32 to index
    %swap3A_964 = arith.constant 0 : index
    %swap3A_965 = vector.load %arg4[%swap3A_962, %swap3A_963, %swap3A_964] : memref<8x2048x128xf32, #tpu.memory_space<vmem>>, vector<1x1x128xf32>
    %swap3A_966 = vector.shape_cast %swap3A_965 : vector<1x1x128xf32> to vector<1x128xf32>
    %swap3A_967 = vector.shape_cast %get3A_961 : vector<1x128xf32> to vector<1x1x128xf32>
    tpu.vector_store %arg4[%swap3A_962, %swap3A_963, %swap3A_964], %swap3A_967 {strides = array<i32>} : memref<8x2048x128xf32, #tpu.memory_space<vmem>>, vector<1x1x128xf32>,
    %get3A_968 = arith.constant 10 : index
    %get3A_969 = memref.load %arg1[%get3A_968] : memref<16xi32, #tpu.memory_space<smem>>
    %get3A_970 = arith.constant 4 : index
    %get3A_971 = arith.constant 10 : index
    %get3A_972 = arith.constant 0 : index
    %get3A_973 = vector.load %arg3[%get3A_970, %get3A_971, %get3A_972] : memref<8x16x128xf32, #tpu.memory_space<vmem>>, vector<1x1x128xf32>
    %get3A_974 = vector.shape_cast %get3A_973 : vector<1x1x128xf32> to vector<1x128xf32>
    %swap3A_975 = arith.constant 4 : index
    %swap3A_976 = arith.index_cast %get3A_969 : i32 to index
    %swap3A_977 = arith.constant 0 : index
    %swap3A_978 = vector.load %arg4[%swap3A_975, %swap3A_976, %swap3A_977] : memref<8x2048x128xf32, #tpu.memory_space<vmem>>, vector<1x1x128xf32>
    %swap3A_979 = vector.shape_cast %swap3A_978 : vector<1x1x128xf32> to vector<1x128xf32>
    %swap3A_980 = vector.shape_cast %get3A_974 : vector<1x128xf32> to vector<1x1x128xf32>
    tpu.vector_store %arg4[%swap3A_975, %swap3A_976, %swap3A_977], %swap3A_980 {strides = array<i32>} : memref<8x2048x128xf32, #tpu.memory_space<vmem>>, vector<1x1x128xf32>,
    %get3A_981 = arith.constant 11 : index
    %get3A_982 = memref.load %arg1[%get3A_981] : memref<16xi32, #tpu.memory_space<smem>>
    %get3A_983 = arith.constant 4 : index
    %get3A_984 = arith.constant 11 : index
    %get3A_985 = arith.constant 0 : index
    %get3A_986 = vector.load %arg3[%get3A_983, %get3A_984, %get3A_985] : memref<8x16x128xf32, #tpu.memory_space<vmem>>, vector<1x1x128xf32>
    %get3A_987 = vector.shape_cast %get3A_986 : vector<1x1x128xf32> to vector<1x128xf32>
    %swap3A_988 = arith.constant 4 : index
    %swap3A_989 = arith.index_cast %get3A_982 : i32 to index
    %swap3A_990 = arith.constant 0 : index
    %swap3A_991 = vector.load %arg4[%swap3A_988, %swap3A_989, %swap3A_990] : memref<8x2048x128xf32, #tpu.memory_space<vmem>>, vector<1x1x128xf32>
    %swap3A_992 = vector.shape_cast %swap3A_991 : vector<1x1x128xf32> to vector<1x128xf32>
    %swap3A_993 = vector.shape_cast %get3A_987 : vector<1x128xf32> to vector<1x1x128xf32>
    tpu.vector_store %arg4[%swap3A_988, %swap3A_989, %swap3A_990], %swap3A_993 {strides = array<i32>} : memref<8x2048x128xf32, #tpu.memory_space<vmem>>, vector<1x1x128xf32>,
    %get3A_994 = arith.constant 12 : index
    %get3A_995 = memref.load %arg1[%get3A_994] : memref<16xi32, #tpu.memory_space<smem>>
    %get3A_996 = arith.constant 4 : index
    %get3A_997 = arith.constant 12 : index
    %get3A_998 = arith.constant 0 : index
    %get3A_999 = vector.load %arg3[%get3A_996, %get3A_997, %get3A_998] : memref<8x16x128xf32, #tpu.memory_space<vmem>>, vector<1x1x128xf32>
    %get3A_1000 = vector.shape_cast %get3A_999 : vector<1x1x128xf32> to vector<1x128xf32>
    %swap3A_1001 = arith.constant 4 : index
    %swap3A_1002 = arith.index_cast %get3A_995 : i32 to index
    %swap3A_1003 = arith.constant 0 : index
    %swap3A_1004 = vector.load %arg4[%swap3A_1001, %swap3A_1002, %swap3A_1003] : memref<8x2048x128xf32, #tpu.memory_space<vmem>>, vector<1x1x128xf32>
    %swap3A_1005 = vector.shape_cast %swap3A_1004 : vector<1x1x128xf32> to vector<1x128xf32>
    %swap3A_1006 = vector.shape_cast %get3A_1000 : vector<1x128xf32> to vector<1x1x128xf32>
    tpu.vector_store %arg4[%swap3A_1001, %swap3A_1002, %swap3A_1003], %swap3A_1006 {strides = array<i32>} : memref<8x2048x128xf32, #tpu.memory_space<vmem>>, vector<1x1x128xf32>,
    %get3A_1007 = arith.constant 13 : index
    %get3A_1008 = memref.load %arg1[%get3A_1007] : memref<16xi32, #tpu.memory_space<smem>>
    %get3A_1009 = arith.constant 4 : index
    %get3A_1010 = arith.constant 13 : index
    %get3A_1011 = arith.constant 0 : index
    %get3A_1012 = vector.load %arg3[%get3A_1009, %get3A_1010, %get3A_1011] : memref<8x16x128xf32, #tpu.memory_space<vmem>>, vector<1x1x128xf32>
    %get3A_1013 = vector.shape_cast %get3A_1012 : vector<1x1x128xf32> to vector<1x128xf32>
    %swap3A_1014 = arith.constant 4 : index
    %swap3A_1015 = arith.index_cast %get3A_1008 : i32 to index
    %swap3A_1016 = arith.constant 0 : index
    %swap3A_1017 = vector.load %arg4[%swap3A_1014, %swap3A_1015, %swap3A_1016] : memref<8x2048x128xf32, #tpu.memory_space<vmem>>, vector<1x1x128xf32>
    %swap3A_1018 = vector.shape_cast %swap3A_1017 : vector<1x1x128xf32> to vector<1x128xf32>
    %swap3A_1019 = vector.shape_cast %get3A_1013 : vector<1x128xf32> to vector<1x1x128xf32>
    tpu.vector_store %arg4[%swap3A_1014, %swap3A_1015, %swap3A_1016], %swap3A_1019 {strides = array<i32>} : memref<8x2048x128xf32, #tpu.memory_space<vmem>>, vector<1x1x128xf32>,
    %get3A_1020 = arith.constant 14 : index
    %get3A_1021 = memref.load %arg1[%get3A_1020] : memref<16xi32, #tpu.memory_space<smem>>
    %get3A_1022 = arith.constant 4 : index
    %get3A_1023 = arith.constant 14 : index
    %get3A_1024 = arith.constant 0 : index
    %get3A_1025 = vector.load %arg3[%get3A_1022, %get3A_1023, %get3A_1024] : memref<8x16x128xf32, #tpu.memory_space<vmem>>, vector<1x1x128xf32>
    %get3A_1026 = vector.shape_cast %get3A_1025 : vector<1x1x128xf32> to vector<1x128xf32>
    %swap3A_1027 = arith.constant 4 : index
    %swap3A_1028 = arith.index_cast %get3A_1021 : i32 to index
    %swap3A_1029 = arith.constant 0 : index
    %swap3A_1030 = vector.load %arg4[%swap3A_1027, %swap3A_1028, %swap3A_1029] : memref<8x2048x128xf32, #tpu.memory_space<vmem>>, vector<1x1x128xf32>
    %swap3A_1031 = vector.shape_cast %swap3A_1030 : vector<1x1x128xf32> to vector<1x128xf32>
    %swap3A_1032 = vector.shape_cast %get3A_1026 : vector<1x128xf32> to vector<1x1x128xf32>
    tpu.vector_store %arg4[%swap3A_1027, %swap3A_1028, %swap3A_1029], %swap3A_1032 {strides = array<i32>} : memref<8x2048x128xf32, #tpu.memory_space<vmem>>, vector<1x1x128xf32>,
    %get3A_1033 = arith.constant 15 : index
    %get3A_1034 = memref.load %arg1[%get3A_1033] : memref<16xi32, #tpu.memory_space<smem>>
    %get3A_1035 = arith.constant 4 : index
    %get3A_1036 = arith.constant 15 : index
    %get3A_1037 = arith.constant 0 : index
    %get3A_1038 = vector.load %arg3[%get3A_1035, %get3A_1036, %get3A_1037] : memref<8x16x128xf32, #tpu.memory_space<vmem>>, vector<1x1x128xf32>
    %get3A_1039 = vector.shape_cast %get3A_1038 : vector<1x1x128xf32> to vector<1x128xf32>
    %swap3A_1040 = arith.constant 4 : index
    %swap3A_1041 = arith.index_cast %get3A_1034 : i32 to index
    %swap3A_1042 = arith.constant 0 : index
    %swap3A_1043 = vector.load %arg4[%swap3A_1040, %swap3A_1041, %swap3A_1042] : memref<8x2048x128xf32, #tpu.memory_space<vmem>>, vector<1x1x128xf32>
    %swap3A_1044 = vector.shape_cast %swap3A_1043 : vector<1x1x128xf32> to vector<1x128xf32>
    %swap3A_1045 = vector.shape_cast %get3A_1039 : vector<1x128xf32> to vector<1x1x128xf32>
    tpu.vector_store %arg4[%swap3A_1040, %swap3A_1041, %swap3A_1042], %swap3A_1045 {strides = array<i32>} : memref<8x2048x128xf32, #tpu.memory_space<vmem>>, vector<1x1x128xf32>,
    %get3A_1046 = arith.constant 0 : index
    %get3A_1047 = memref.load %arg1[%get3A_1046] : memref<16xi32, #tpu.memory_space<smem>>
    %get3A_1048 = arith.constant 5 : index
    %get3A_1049 = arith.constant 0 : index
    %get3A_1050 = arith.constant 0 : index
    %get3A_1051 = vector.load %arg3[%get3A_1048, %get3A_1049, %get3A_1050] : memref<8x16x128xf32, #tpu.memory_space<vmem>>, vector<1x1x128xf32>
    %get3A_1052 = vector.shape_cast %get3A_1051 : vector<1x1x128xf32> to vector<1x128xf32>
    %swap3A_1053 = arith.constant 5 : index
    %swap3A_1054 = arith.index_cast %get3A_1047 : i32 to index
    %swap3A_1055 = arith.constant 0 : index
    %swap3A_1056 = vector.load %arg4[%swap3A_1053, %swap3A_1054, %swap3A_1055] : memref<8x2048x128xf32, #tpu.memory_space<vmem>>, vector<1x1x128xf32>
    %swap3A_1057 = vector.shape_cast %swap3A_1056 : vector<1x1x128xf32> to vector<1x128xf32>
    %swap3A_1058 = vector.shape_cast %get3A_1052 : vector<1x128xf32> to vector<1x1x128xf32>
    tpu.vector_store %arg4[%swap3A_1053, %swap3A_1054, %swap3A_1055], %swap3A_1058 {strides = array<i32>} : memref<8x2048x128xf32, #tpu.memory_space<vmem>>, vector<1x1x128xf32>,
    %get3A_1059 = arith.constant 1 : index
    %get3A_1060 = memref.load %arg1[%get3A_1059] : memref<16xi32, #tpu.memory_space<smem>>
    %get3A_1061 = arith.constant 5 : index
    %get3A_1062 = arith.constant 1 : index
    %get3A_1063 = arith.constant 0 : index
    %get3A_1064 = vector.load %arg3[%get3A_1061, %get3A_1062, %get3A_1063] : memref<8x16x128xf32, #tpu.memory_space<vmem>>, vector<1x1x128xf32>
    %get3A_1065 = vector.shape_cast %get3A_1064 : vector<1x1x128xf32> to vector<1x128xf32>
    %swap3A_1066 = arith.constant 5 : index
    %swap3A_1067 = arith.index_cast %get3A_1060 : i32 to index
    %swap3A_1068 = arith.constant 0 : index
    %swap3A_1069 = vector.load %arg4[%swap3A_1066, %swap3A_1067, %swap3A_1068] : memref<8x2048x128xf32, #tpu.memory_space<vmem>>, vector<1x1x128xf32>
    %swap3A_1070 = vector.shape_cast %swap3A_1069 : vector<1x1x128xf32> to vector<1x128xf32>
    %swap3A_1071 = vector.shape_cast %get3A_1065 : vector<1x128xf32> to vector<1x1x128xf32>
    tpu.vector_store %arg4[%swap3A_1066, %swap3A_1067, %swap3A_1068], %swap3A_1071 {strides = array<i32>} : memref<8x2048x128xf32, #tpu.memory_space<vmem>>, vector<1x1x128xf32>,
    %get3A_1072 = arith.constant 2 : index
    %get3A_1073 = memref.load %arg1[%get3A_1072] : memref<16xi32, #tpu.memory_space<smem>>
    %get3A_1074 = arith.constant 5 : index
    %get3A_1075 = arith.constant 2 : index
    %get3A_1076 = arith.constant 0 : index
    %get3A_1077 = vector.load %arg3[%get3A_1074, %get3A_1075, %get3A_1076] : memref<8x16x128xf32, #tpu.memory_space<vmem>>, vector<1x1x128xf32>
    %get3A_1078 = vector.shape_cast %get3A_1077 : vector<1x1x128xf32> to vector<1x128xf32>
    %swap3A_1079 = arith.constant 5 : index
    %swap3A_1080 = arith.index_cast %get3A_1073 : i32 to index
    %swap3A_1081 = arith.constant 0 : index
    %swap3A_1082 = vector.load %arg4[%swap3A_1079, %swap3A_1080, %swap3A_1081] : memref<8x2048x128xf32, #tpu.memory_space<vmem>>, vector<1x1x128xf32>
    %swap3A_1083 = vector.shape_cast %swap3A_1082 : vector<1x1x128xf32> to vector<1x128xf32>
    %swap3A_1084 = vector.shape_cast %get3A_1078 : vector<1x128xf32> to vector<1x1x128xf32>
    tpu.vector_store %arg4[%swap3A_1079, %swap3A_1080, %swap3A_1081], %swap3A_1084 {strides = array<i32>} : memref<8x2048x128xf32, #tpu.memory_space<vmem>>, vector<1x1x128xf32>,
    %get3A_1085 = arith.constant 3 : index
    %get3A_1086 = memref.load %arg1[%get3A_1085] : memref<16xi32, #tpu.memory_space<smem>>
    %get3A_1087 = arith.constant 5 : index
    %get3A_1088 = arith.constant 3 : index
    %get3A_1089 = arith.constant 0 : index
    %get3A_1090 = vector.load %arg3[%get3A_1087, %get3A_1088, %get3A_1089] : memref<8x16x128xf32, #tpu.memory_space<vmem>>, vector<1x1x128xf32>
    %get3A_1091 = vector.shape_cast %get3A_1090 : vector<1x1x128xf32> to vector<1x128xf32>
    %swap3A_1092 = arith.constant 5 : index
    %swap3A_1093 = arith.index_cast %get3A_1086 : i32 to index
    %swap3A_1094 = arith.constant 0 : index
    %swap3A_1095 = vector.load %arg4[%swap3A_1092, %swap3A_1093, %swap3A_1094] : memref<8x2048x128xf32, #tpu.memory_space<vmem>>, vector<1x1x128xf32>
    %swap3A_1096 = vector.shape_cast %swap3A_1095 : vector<1x1x128xf32> to vector<1x128xf32>
    %swap3A_1097 = vector.shape_cast %get3A_1091 : vector<1x128xf32> to vector<1x1x128xf32>
    tpu.vector_store %arg4[%swap3A_1092, %swap3A_1093, %swap3A_1094], %swap3A_1097 {strides = array<i32>} : memref<8x2048x128xf32, #tpu.memory_space<vmem>>, vector<1x1x128xf32>,
    %get3A_1098 = arith.constant 4 : index
    %get3A_1099 = memref.load %arg1[%get3A_1098] : memref<16xi32, #tpu.memory_space<smem>>
    %get3A_1100 = arith.constant 5 : index
    %get3A_1101 = arith.constant 4 : index
    %get3A_1102 = arith.constant 0 : index
    %get3A_1103 = vector.load %arg3[%get3A_1100, %get3A_1101, %get3A_1102] : memref<8x16x128xf32, #tpu.memory_space<vmem>>, vector<1x1x128xf32>
    %get3A_1104 = vector.shape_cast %get3A_1103 : vector<1x1x128xf32> to vector<1x128xf32>
    %swap3A_1105 = arith.constant 5 : index
    %swap3A_1106 = arith.index_cast %get3A_1099 : i32 to index
    %swap3A_1107 = arith.constant 0 : index
    %swap3A_1108 = vector.load %arg4[%swap3A_1105, %swap3A_1106, %swap3A_1107] : memref<8x2048x128xf32, #tpu.memory_space<vmem>>, vector<1x1x128xf32>
    %swap3A_1109 = vector.shape_cast %swap3A_1108 : vector<1x1x128xf32> to vector<1x128xf32>
    %swap3A_1110 = vector.shape_cast %get3A_1104 : vector<1x128xf32> to vector<1x1x128xf32>
    tpu.vector_store %arg4[%swap3A_1105, %swap3A_1106, %swap3A_1107], %swap3A_1110 {strides = array<i32>} : memref<8x2048x128xf32, #tpu.memory_space<vmem>>, vector<1x1x128xf32>,
    %get3A_1111 = arith.constant 5 : index
    %get3A_1112 = memref.load %arg1[%get3A_1111] : memref<16xi32, #tpu.memory_space<smem>>
    %get3A_1113 = arith.constant 5 : index
    %get3A_1114 = arith.constant 5 : index
    %get3A_1115 = arith.constant 0 : index
    %get3A_1116 = vector.load %arg3[%get3A_1113, %get3A_1114, %get3A_1115] : memref<8x16x128xf32, #tpu.memory_space<vmem>>, vector<1x1x128xf32>
    %get3A_1117 = vector.shape_cast %get3A_1116 : vector<1x1x128xf32> to vector<1x128xf32>
    %swap3A_1118 = arith.constant 5 : index
    %swap3A_1119 = arith.index_cast %get3A_1112 : i32 to index
    %swap3A_1120 = arith.constant 0 : index
    %swap3A_1121 = vector.load %arg4[%swap3A_1118, %swap3A_1119, %swap3A_1120] : memref<8x2048x128xf32, #tpu.memory_space<vmem>>, vector<1x1x128xf32>
    %swap3A_1122 = vector.shape_cast %swap3A_1121 : vector<1x1x128xf32> to vector<1x128xf32>
    %swap3A_1123 = vector.shape_cast %get3A_1117 : vector<1x128xf32> to vector<1x1x128xf32>
    tpu.vector_store %arg4[%swap3A_1118, %swap3A_1119, %swap3A_1120], %swap3A_1123 {strides = array<i32>} : memref<8x2048x128xf32, #tpu.memory_space<vmem>>, vector<1x1x128xf32>,
    %get3A_1124 = arith.constant 6 : index
    %get3A_1125 = memref.load %arg1[%get3A_1124] : memref<16xi32, #tpu.memory_space<smem>>
    %get3A_1126 = arith.constant 5 : index
    %get3A_1127 = arith.constant 6 : index
    %get3A_1128 = arith.constant 0 : index
    %get3A_1129 = vector.load %arg3[%get3A_1126, %get3A_1127, %get3A_1128] : memref<8x16x128xf32, #tpu.memory_space<vmem>>, vector<1x1x128xf32>
    %get3A_1130 = vector.shape_cast %get3A_1129 : vector<1x1x128xf32> to vector<1x128xf32>
    %swap3A_1131 = arith.constant 5 : index
    %swap3A_1132 = arith.index_cast %get3A_1125 : i32 to index
    %swap3A_1133 = arith.constant 0 : index
    %swap3A_1134 = vector.load %arg4[%swap3A_1131, %swap3A_1132, %swap3A_1133] : memref<8x2048x128xf32, #tpu.memory_space<vmem>>, vector<1x1x128xf32>
    %swap3A_1135 = vector.shape_cast %swap3A_1134 : vector<1x1x128xf32> to vector<1x128xf32>
    %swap3A_1136 = vector.shape_cast %get3A_1130 : vector<1x128xf32> to vector<1x1x128xf32>
    tpu.vector_store %arg4[%swap3A_1131, %swap3A_1132, %swap3A_1133], %swap3A_1136 {strides = array<i32>} : memref<8x2048x128xf32, #tpu.memory_space<vmem>>, vector<1x1x128xf32>,
    %get3A_1137 = arith.constant 7 : index
    %get3A_1138 = memref.load %arg1[%get3A_1137] : memref<16xi32, #tpu.memory_space<smem>>
    %get3A_1139 = arith.constant 5 : index
    %get3A_1140 = arith.constant 7 : index
    %get3A_1141 = arith.constant 0 : index
    %get3A_1142 = vector.load %arg3[%get3A_1139, %get3A_1140, %get3A_1141] : memref<8x16x128xf32, #tpu.memory_space<vmem>>, vector<1x1x128xf32>
    %get3A_1143 = vector.shape_cast %get3A_1142 : vector<1x1x128xf32> to vector<1x128xf32>
    %swap3A_1144 = arith.constant 5 : index
    %swap3A_1145 = arith.index_cast %get3A_1138 : i32 to index
    %swap3A_1146 = arith.constant 0 : index
    %swap3A_1147 = vector.load %arg4[%swap3A_1144, %swap3A_1145, %swap3A_1146] : memref<8x2048x128xf32, #tpu.memory_space<vmem>>, vector<1x1x128xf32>
    %swap3A_1148 = vector.shape_cast %swap3A_1147 : vector<1x1x128xf32> to vector<1x128xf32>
    %swap3A_1149 = vector.shape_cast %get3A_1143 : vector<1x128xf32> to vector<1x1x128xf32>
    tpu.vector_store %arg4[%swap3A_1144, %swap3A_1145, %swap3A_1146], %swap3A_1149 {strides = array<i32>} : memref<8x2048x128xf32, #tpu.memory_space<vmem>>, vector<1x1x128xf32>,
    %get3A_1150 = arith.constant 8 : index
    %get3A_1151 = memref.load %arg1[%get3A_1150] : memref<16xi32, #tpu.memory_space<smem>>
    %get3A_1152 = arith.constant 5 : index
    %get3A_1153 = arith.constant 8 : index
    %get3A_1154 = arith.constant 0 : index
    %get3A_1155 = vector.load %arg3[%get3A_1152, %get3A_1153, %get3A_1154] : memref<8x16x128xf32, #tpu.memory_space<vmem>>, vector<1x1x128xf32>
    %get3A_1156 = vector.shape_cast %get3A_1155 : vector<1x1x128xf32> to vector<1x128xf32>
    %swap3A_1157 = arith.constant 5 : index
    %swap3A_1158 = arith.index_cast %get3A_1151 : i32 to index
    %swap3A_1159 = arith.constant 0 : index
    %swap3A_1160 = vector.load %arg4[%swap3A_1157, %swap3A_1158, %swap3A_1159] : memref<8x2048x128xf32, #tpu.memory_space<vmem>>, vector<1x1x128xf32>
    %swap3A_1161 = vector.shape_cast %swap3A_1160 : vector<1x1x128xf32> to vector<1x128xf32>
    %swap3A_1162 = vector.shape_cast %get3A_1156 : vector<1x128xf32> to vector<1x1x128xf32>
    tpu.vector_store %arg4[%swap3A_1157, %swap3A_1158, %swap3A_1159], %swap3A_1162 {strides = array<i32>} : memref<8x2048x128xf32, #tpu.memory_space<vmem>>, vector<1x1x128xf32>,
    %get3A_1163 = arith.constant 9 : index
    %get3A_1164 = memref.load %arg1[%get3A_1163] : memref<16xi32, #tpu.memory_space<smem>>
    %get3A_1165 = arith.constant 5 : index
    %get3A_1166 = arith.constant 9 : index
    %get3A_1167 = arith.constant 0 : index
    %get3A_1168 = vector.load %arg3[%get3A_1165, %get3A_1166, %get3A_1167] : memref<8x16x128xf32, #tpu.memory_space<vmem>>, vector<1x1x128xf32>
    %get3A_1169 = vector.shape_cast %get3A_1168 : vector<1x1x128xf32> to vector<1x128xf32>
    %swap3A_1170 = arith.constant 5 : index
    %swap3A_1171 = arith.index_cast %get3A_1164 : i32 to index
    %swap3A_1172 = arith.constant 0 : index
    %swap3A_1173 = vector.load %arg4[%swap3A_1170, %swap3A_1171, %swap3A_1172] : memref<8x2048x128xf32, #tpu.memory_space<vmem>>, vector<1x1x128xf32>
    %swap3A_1174 = vector.shape_cast %swap3A_1173 : vector<1x1x128xf32> to vector<1x128xf32>
    %swap3A_1175 = vector.shape_cast %get3A_1169 : vector<1x128xf32> to vector<1x1x128xf32>
    tpu.vector_store %arg4[%swap3A_1170, %swap3A_1171, %swap3A_1172], %swap3A_1175 {strides = array<i32>} : memref<8x2048x128xf32, #tpu.memory_space<vmem>>, vector<1x1x128xf32>,
    %get3A_1176 = arith.constant 10 : index
    %get3A_1177 = memref.load %arg1[%get3A_1176] : memref<16xi32, #tpu.memory_space<smem>>
    %get3A_1178 = arith.constant 5 : index
    %get3A_1179 = arith.constant 10 : index
    %get3A_1180 = arith.constant 0 : index
    %get3A_1181 = vector.load %arg3[%get3A_1178, %get3A_1179, %get3A_1180] : memref<8x16x128xf32, #tpu.memory_space<vmem>>, vector<1x1x128xf32>
    %get3A_1182 = vector.shape_cast %get3A_1181 : vector<1x1x128xf32> to vector<1x128xf32>
    %swap3A_1183 = arith.constant 5 : index
    %swap3A_1184 = arith.index_cast %get3A_1177 : i32 to index
    %swap3A_1185 = arith.constant 0 : index
    %swap3A_1186 = vector.load %arg4[%swap3A_1183, %swap3A_1184, %swap3A_1185] : memref<8x2048x128xf32, #tpu.memory_space<vmem>>, vector<1x1x128xf32>
    %swap3A_1187 = vector.shape_cast %swap3A_1186 : vector<1x1x128xf32> to vector<1x128xf32>
    %swap3A_1188 = vector.shape_cast %get3A_1182 : vector<1x128xf32> to vector<1x1x128xf32>
    tpu.vector_store %arg4[%swap3A_1183, %swap3A_1184, %swap3A_1185], %swap3A_1188 {strides = array<i32>} : memref<8x2048x128xf32, #tpu.memory_space<vmem>>, vector<1x1x128xf32>,
    %get3A_1189 = arith.constant 11 : index
    %get3A_1190 = memref.load %arg1[%get3A_1189] : memref<16xi32, #tpu.memory_space<smem>>
    %get3A_1191 = arith.constant 5 : index
    %get3A_1192 = arith.constant 11 : index
    %get3A_1193 = arith.constant 0 : index
    %get3A_1194 = vector.load %arg3[%get3A_1191, %get3A_1192, %get3A_1193] : memref<8x16x128xf32, #tpu.memory_space<vmem>>, vector<1x1x128xf32>
    %get3A_1195 = vector.shape_cast %get3A_1194 : vector<1x1x128xf32> to vector<1x128xf32>
    %swap3A_1196 = arith.constant 5 : index
    %swap3A_1197 = arith.index_cast %get3A_1190 : i32 to index
    %swap3A_1198 = arith.constant 0 : index
    %swap3A_1199 = vector.load %arg4[%swap3A_1196, %swap3A_1197, %swap3A_1198] : memref<8x2048x128xf32, #tpu.memory_space<vmem>>, vector<1x1x128xf32>
    %swap3A_1200 = vector.shape_cast %swap3A_1199 : vector<1x1x128xf32> to vector<1x128xf32>
    %swap3A_1201 = vector.shape_cast %get3A_1195 : vector<1x128xf32> to vector<1x1x128xf32>
    tpu.vector_store %arg4[%swap3A_1196, %swap3A_1197, %swap3A_1198], %swap3A_1201 {strides = array<i32>} : memref<8x2048x128xf32, #tpu.memory_space<vmem>>, vector<1x1x128xf32>,
    %get3A_1202 = arith.constant 12 : index
    %get3A_1203 = memref.load %arg1[%get3A_1202] : memref<16xi32, #tpu.memory_space<smem>>
    %get3A_1204 = arith.constant 5 : index
    %get3A_1205 = arith.constant 12 : index
    %get3A_1206 = arith.constant 0 : index
    %get3A_1207 = vector.load %arg3[%get3A_1204, %get3A_1205, %get3A_1206] : memref<8x16x128xf32, #tpu.memory_space<vmem>>, vector<1x1x128xf32>
    %get3A_1208 = vector.shape_cast %get3A_1207 : vector<1x1x128xf32> to vector<1x128xf32>
    %swap3A_1209 = arith.constant 5 : index
    %swap3A_1210 = arith.index_cast %get3A_1203 : i32 to index
    %swap3A_1211 = arith.constant 0 : index
    %swap3A_1212 = vector.load %arg4[%swap3A_1209, %swap3A_1210, %swap3A_1211] : memref<8x2048x128xf32, #tpu.memory_space<vmem>>, vector<1x1x128xf32>
    %swap3A_1213 = vector.shape_cast %swap3A_1212 : vector<1x1x128xf32> to vector<1x128xf32>
    %swap3A_1214 = vector.shape_cast %get3A_1208 : vector<1x128xf32> to vector<1x1x128xf32>
    tpu.vector_store %arg4[%swap3A_1209, %swap3A_1210, %swap3A_1211], %swap3A_1214 {strides = array<i32>} : memref<8x2048x128xf32, #tpu.memory_space<vmem>>, vector<1x1x128xf32>,
    %get3A_1215 = arith.constant 13 : index
    %get3A_1216 = memref.load %arg1[%get3A_1215] : memref<16xi32, #tpu.memory_space<smem>>
    %get3A_1217 = arith.constant 5 : index
    %get3A_1218 = arith.constant 13 : index
    %get3A_1219 = arith.constant 0 : index
    %get3A_1220 = vector.load %arg3[%get3A_1217, %get3A_1218, %get3A_1219] : memref<8x16x128xf32, #tpu.memory_space<vmem>>, vector<1x1x128xf32>
    %get3A_1221 = vector.shape_cast %get3A_1220 : vector<1x1x128xf32> to vector<1x128xf32>
    %swap3A_1222 = arith.constant 5 : index
    %swap3A_1223 = arith.index_cast %get3A_1216 : i32 to index
    %swap3A_1224 = arith.constant 0 : index
    %swap3A_1225 = vector.load %arg4[%swap3A_1222, %swap3A_1223, %swap3A_1224] : memref<8x2048x128xf32, #tpu.memory_space<vmem>>, vector<1x1x128xf32>
    %swap3A_1226 = vector.shape_cast %swap3A_1225 : vector<1x1x128xf32> to vector<1x128xf32>
    %swap3A_1227 = vector.shape_cast %get3A_1221 : vector<1x128xf32> to vector<1x1x128xf32>
    tpu.vector_store %arg4[%swap3A_1222, %swap3A_1223, %swap3A_1224], %swap3A_1227 {strides = array<i32>} : memref<8x2048x128xf32, #tpu.memory_space<vmem>>, vector<1x1x128xf32>,
    %get3A_1228 = arith.constant 14 : index
    %get3A_1229 = memref.load %arg1[%get3A_1228] : memref<16xi32, #tpu.memory_space<smem>>
    %get3A_1230 = arith.constant 5 : index
    %get3A_1231 = arith.constant 14 : index
    %get3A_1232 = arith.constant 0 : index
    %get3A_1233 = vector.load %arg3[%get3A_1230, %get3A_1231, %get3A_1232] : memref<8x16x128xf32, #tpu.memory_space<vmem>>, vector<1x1x128xf32>
    %get3A_1234 = vector.shape_cast %get3A_1233 : vector<1x1x128xf32> to vector<1x128xf32>
    %swap3A_1235 = arith.constant 5 : index
    %swap3A_1236 = arith.index_cast %get3A_1229 : i32 to index
    %swap3A_1237 = arith.constant 0 : index
    %swap3A_1238 = vector.load %arg4[%swap3A_1235, %swap3A_1236, %swap3A_1237] : memref<8x2048x128xf32, #tpu.memory_space<vmem>>, vector<1x1x128xf32>
    %swap3A_1239 = vector.shape_cast %swap3A_1238 : vector<1x1x128xf32> to vector<1x128xf32>
    %swap3A_1240 = vector.shape_cast %get3A_1234 : vector<1x128xf32> to vector<1x1x128xf32>
    tpu.vector_store %arg4[%swap3A_1235, %swap3A_1236, %swap3A_1237], %swap3A_1240 {strides = array<i32>} : memref<8x2048x128xf32, #tpu.memory_space<vmem>>, vector<1x1x128xf32>,
    %get3A_1241 = arith.constant 15 : index
    %get3A_1242 = memref.load %arg1[%get3A_1241] : memref<16xi32, #tpu.memory_space<smem>>
    %get3A_1243 = arith.constant 5 : index
    %get3A_1244 = arith.constant 15 : index
    %get3A_1245 = arith.constant 0 : index
    %get3A_1246 = vector.load %arg3[%get3A_1243, %get3A_1244, %get3A_1245] : memref<8x16x128xf32, #tpu.memory_space<vmem>>, vector<1x1x128xf32>
    %get3A_1247 = vector.shape_cast %get3A_1246 : vector<1x1x128xf32> to vector<1x128xf32>
    %swap3A_1248 = arith.constant 5 : index
    %swap3A_1249 = arith.index_cast %get3A_1242 : i32 to index
    %swap3A_1250 = arith.constant 0 : index
    %swap3A_1251 = vector.load %arg4[%swap3A_1248, %swap3A_1249, %swap3A_1250] : memref<8x2048x128xf32, #tpu.memory_space<vmem>>, vector<1x1x128xf32>
    %swap3A_1252 = vector.shape_cast %swap3A_1251 : vector<1x1x128xf32> to vector<1x128xf32>
    %swap3A_1253 = vector.shape_cast %get3A_1247 : vector<1x128xf32> to vector<1x1x128xf32>
    tpu.vector_store %arg4[%swap3A_1248, %swap3A_1249, %swap3A_1250], %swap3A_1253 {strides = array<i32>} : memref<8x2048x128xf32, #tpu.memory_space<vmem>>, vector<1x1x128xf32>,
    %get3A_1254 = arith.constant 0 : index
    %get3A_1255 = memref.load %arg1[%get3A_1254] : memref<16xi32, #tpu.memory_space<smem>>
    %get3A_1256 = arith.constant 6 : index
    %get3A_1257 = arith.constant 0 : index
    %get3A_1258 = arith.constant 0 : index
    %get3A_1259 = vector.load %arg3[%get3A_1256, %get3A_1257, %get3A_1258] : memref<8x16x128xf32, #tpu.memory_space<vmem>>, vector<1x1x128xf32>
    %get3A_1260 = vector.shape_cast %get3A_1259 : vector<1x1x128xf32> to vector<1x128xf32>
    %swap3A_1261 = arith.constant 6 : index
    %swap3A_1262 = arith.index_cast %get3A_1255 : i32 to index
    %swap3A_1263 = arith.constant 0 : index
    %swap3A_1264 = vector.load %arg4[%swap3A_1261, %swap3A_1262, %swap3A_1263] : memref<8x2048x128xf32, #tpu.memory_space<vmem>>, vector<1x1x128xf32>
    %swap3A_1265 = vector.shape_cast %swap3A_1264 : vector<1x1x128xf32> to vector<1x128xf32>
    %swap3A_1266 = vector.shape_cast %get3A_1260 : vector<1x128xf32> to vector<1x1x128xf32>
    tpu.vector_store %arg4[%swap3A_1261, %swap3A_1262, %swap3A_1263], %swap3A_1266 {strides = array<i32>} : memref<8x2048x128xf32, #tpu.memory_space<vmem>>, vector<1x1x128xf32>,
    %get3A_1267 = arith.constant 1 : index
    %get3A_1268 = memref.load %arg1[%get3A_1267] : memref<16xi32, #tpu.memory_space<smem>>
    %get3A_1269 = arith.constant 6 : index
    %get3A_1270 = arith.constant 1 : index
    %get3A_1271 = arith.constant 0 : index
    %get3A_1272 = vector.load %arg3[%get3A_1269, %get3A_1270, %get3A_1271] : memref<8x16x128xf32, #tpu.memory_space<vmem>>, vector<1x1x128xf32>
    %get3A_1273 = vector.shape_cast %get3A_1272 : vector<1x1x128xf32> to vector<1x128xf32>
    %swap3A_1274 = arith.constant 6 : index
    %swap3A_1275 = arith.index_cast %get3A_1268 : i32 to index
    %swap3A_1276 = arith.constant 0 : index
    %swap3A_1277 = vector.load %arg4[%swap3A_1274, %swap3A_1275, %swap3A_1276] : memref<8x2048x128xf32, #tpu.memory_space<vmem>>, vector<1x1x128xf32>
    %swap3A_1278 = vector.shape_cast %swap3A_1277 : vector<1x1x128xf32> to vector<1x128xf32>
    %swap3A_1279 = vector.shape_cast %get3A_1273 : vector<1x128xf32> to vector<1x1x128xf32>
    tpu.vector_store %arg4[%swap3A_1274, %swap3A_1275, %swap3A_1276], %swap3A_1279 {strides = array<i32>} : memref<8x2048x128xf32, #tpu.memory_space<vmem>>, vector<1x1x128xf32>,
    %get3A_1280 = arith.constant 2 : index
    %get3A_1281 = memref.load %arg1[%get3A_1280] : memref<16xi32, #tpu.memory_space<smem>>
    %get3A_1282 = arith.constant 6 : index
    %get3A_1283 = arith.constant 2 : index
    %get3A_1284 = arith.constant 0 : index
    %get3A_1285 = vector.load %arg3[%get3A_1282, %get3A_1283, %get3A_1284] : memref<8x16x128xf32, #tpu.memory_space<vmem>>, vector<1x1x128xf32>
    %get3A_1286 = vector.shape_cast %get3A_1285 : vector<1x1x128xf32> to vector<1x128xf32>
    %swap3A_1287 = arith.constant 6 : index
    %swap3A_1288 = arith.index_cast %get3A_1281 : i32 to index
    %swap3A_1289 = arith.constant 0 : index
    %swap3A_1290 = vector.load %arg4[%swap3A_1287, %swap3A_1288, %swap3A_1289] : memref<8x2048x128xf32, #tpu.memory_space<vmem>>, vector<1x1x128xf32>
    %swap3A_1291 = vector.shape_cast %swap3A_1290 : vector<1x1x128xf32> to vector<1x128xf32>
    %swap3A_1292 = vector.shape_cast %get3A_1286 : vector<1x128xf32> to vector<1x1x128xf32>
    tpu.vector_store %arg4[%swap3A_1287, %swap3A_1288, %swap3A_1289], %swap3A_1292 {strides = array<i32>} : memref<8x2048x128xf32, #tpu.memory_space<vmem>>, vector<1x1x128xf32>,
    %get3A_1293 = arith.constant 3 : index
    %get3A_1294 = memref.load %arg1[%get3A_1293] : memref<16xi32, #tpu.memory_space<smem>>
    %get3A_1295 = arith.constant 6 : index
    %get3A_1296 = arith.constant 3 : index
    %get3A_1297 = arith.constant 0 : index
    %get3A_1298 = vector.load %arg3[%get3A_1295, %get3A_1296, %get3A_1297] : memref<8x16x128xf32, #tpu.memory_space<vmem>>, vector<1x1x128xf32>
    %get3A_1299 = vector.shape_cast %get3A_1298 : vector<1x1x128xf32> to vector<1x128xf32>
    %swap3A_1300 = arith.constant 6 : index
    %swap3A_1301 = arith.index_cast %get3A_1294 : i32 to index
    %swap3A_1302 = arith.constant 0 : index
    %swap3A_1303 = vector.load %arg4[%swap3A_1300, %swap3A_1301, %swap3A_1302] : memref<8x2048x128xf32, #tpu.memory_space<vmem>>, vector<1x1x128xf32>
    %swap3A_1304 = vector.shape_cast %swap3A_1303 : vector<1x1x128xf32> to vector<1x128xf32>
    %swap3A_1305 = vector.shape_cast %get3A_1299 : vector<1x128xf32> to vector<1x1x128xf32>
    tpu.vector_store %arg4[%swap3A_1300, %swap3A_1301, %swap3A_1302], %swap3A_1305 {strides = array<i32>} : memref<8x2048x128xf32, #tpu.memory_space<vmem>>, vector<1x1x128xf32>,
    %get3A_1306 = arith.constant 4 : index
    %get3A_1307 = memref.load %arg1[%get3A_1306] : memref<16xi32, #tpu.memory_space<smem>>
    %get3A_1308 = arith.constant 6 : index
    %get3A_1309 = arith.constant 4 : index
    %get3A_1310 = arith.constant 0 : index
    %get3A_1311 = vector.load %arg3[%get3A_1308, %get3A_1309, %get3A_1310] : memref<8x16x128xf32, #tpu.memory_space<vmem>>, vector<1x1x128xf32>
    %get3A_1312 = vector.shape_cast %get3A_1311 : vector<1x1x128xf32> to vector<1x128xf32>
    %swap3A_1313 = arith.constant 6 : index
    %swap3A_1314 = arith.index_cast %get3A_1307 : i32 to index
    %swap3A_1315 = arith.constant 0 : index
    %swap3A_1316 = vector.load %arg4[%swap3A_1313, %swap3A_1314, %swap3A_1315] : memref<8x2048x128xf32, #tpu.memory_space<vmem>>, vector<1x1x128xf32>
    %swap3A_1317 = vector.shape_cast %swap3A_1316 : vector<1x1x128xf32> to vector<1x128xf32>
    %swap3A_1318 = vector.shape_cast %get3A_1312 : vector<1x128xf32> to vector<1x1x128xf32>
    tpu.vector_store %arg4[%swap3A_1313, %swap3A_1314, %swap3A_1315], %swap3A_1318 {strides = array<i32>} : memref<8x2048x128xf32, #tpu.memory_space<vmem>>, vector<1x1x128xf32>,
    %get3A_1319 = arith.constant 5 : index
    %get3A_1320 = memref.load %arg1[%get3A_1319] : memref<16xi32, #tpu.memory_space<smem>>
    %get3A_1321 = arith.constant 6 : index
    %get3A_1322 = arith.constant 5 : index
    %get3A_1323 = arith.constant 0 : index
    %get3A_1324 = vector.load %arg3[%get3A_1321, %get3A_1322, %get3A_1323] : memref<8x16x128xf32, #tpu.memory_space<vmem>>, vector<1x1x128xf32>
    %get3A_1325 = vector.shape_cast %get3A_1324 : vector<1x1x128xf32> to vector<1x128xf32>
    %swap3A_1326 = arith.constant 6 : index
    %swap3A_1327 = arith.index_cast %get3A_1320 : i32 to index
    %swap3A_1328 = arith.constant 0 : index
    %swap3A_1329 = vector.load %arg4[%swap3A_1326, %swap3A_1327, %swap3A_1328] : memref<8x2048x128xf32, #tpu.memory_space<vmem>>, vector<1x1x128xf32>
    %swap3A_1330 = vector.shape_cast %swap3A_1329 : vector<1x1x128xf32> to vector<1x128xf32>
    %swap3A_1331 = vector.shape_cast %get3A_1325 : vector<1x128xf32> to vector<1x1x128xf32>
    tpu.vector_store %arg4[%swap3A_1326, %swap3A_1327, %swap3A_1328], %swap3A_1331 {strides = array<i32>} : memref<8x2048x128xf32, #tpu.memory_space<vmem>>, vector<1x1x128xf32>,
    %get3A_1332 = arith.constant 6 : index
    %get3A_1333 = memref.load %arg1[%get3A_1332] : memref<16xi32, #tpu.memory_space<smem>>
    %get3A_1334 = arith.constant 6 : index
    %get3A_1335 = arith.constant 6 : index
    %get3A_1336 = arith.constant 0 : index
    %get3A_1337 = vector.load %arg3[%get3A_1334, %get3A_1335, %get3A_1336] : memref<8x16x128xf32, #tpu.memory_space<vmem>>, vector<1x1x128xf32>
    %get3A_1338 = vector.shape_cast %get3A_1337 : vector<1x1x128xf32> to vector<1x128xf32>
    %swap3A_1339 = arith.constant 6 : index
    %swap3A_1340 = arith.index_cast %get3A_1333 : i32 to index
    %swap3A_1341 = arith.constant 0 : index
    %swap3A_1342 = vector.load %arg4[%swap3A_1339, %swap3A_1340, %swap3A_1341] : memref<8x2048x128xf32, #tpu.memory_space<vmem>>, vector<1x1x128xf32>
    %swap3A_1343 = vector.shape_cast %swap3A_1342 : vector<1x1x128xf32> to vector<1x128xf32>
    %swap3A_1344 = vector.shape_cast %get3A_1338 : vector<1x128xf32> to vector<1x1x128xf32>
    tpu.vector_store %arg4[%swap3A_1339, %swap3A_1340, %swap3A_1341], %swap3A_1344 {strides = array<i32>} : memref<8x2048x128xf32, #tpu.memory_space<vmem>>, vector<1x1x128xf32>,
    %get3A_1345 = arith.constant 7 : index
    %get3A_1346 = memref.load %arg1[%get3A_1345] : memref<16xi32, #tpu.memory_space<smem>>
    %get3A_1347 = arith.constant 6 : index
    %get3A_1348 = arith.constant 7 : index
    %get3A_1349 = arith.constant 0 : index
    %get3A_1350 = vector.load %arg3[%get3A_1347, %get3A_1348, %get3A_1349] : memref<8x16x128xf32, #tpu.memory_space<vmem>>, vector<1x1x128xf32>
    %get3A_1351 = vector.shape_cast %get3A_1350 : vector<1x1x128xf32> to vector<1x128xf32>
    %swap3A_1352 = arith.constant 6 : index
    %swap3A_1353 = arith.index_cast %get3A_1346 : i32 to index
    %swap3A_1354 = arith.constant 0 : index
    %swap3A_1355 = vector.load %arg4[%swap3A_1352, %swap3A_1353, %swap3A_1354] : memref<8x2048x128xf32, #tpu.memory_space<vmem>>, vector<1x1x128xf32>
    %swap3A_1356 = vector.shape_cast %swap3A_1355 : vector<1x1x128xf32> to vector<1x128xf32>
    %swap3A_1357 = vector.shape_cast %get3A_1351 : vector<1x128xf32> to vector<1x1x128xf32>
    tpu.vector_store %arg4[%swap3A_1352, %swap3A_1353, %swap3A_1354], %swap3A_1357 {strides = array<i32>} : memref<8x2048x128xf32, #tpu.memory_space<vmem>>, vector<1x1x128xf32>,
    %get3A_1358 = arith.constant 8 : index
    %get3A_1359 = memref.load %arg1[%get3A_1358] : memref<16xi32, #tpu.memory_space<smem>>
    %get3A_1360 = arith.constant 6 : index
    %get3A_1361 = arith.constant 8 : index
    %get3A_1362 = arith.constant 0 : index
    %get3A_1363 = vector.load %arg3[%get3A_1360, %get3A_1361, %get3A_1362] : memref<8x16x128xf32, #tpu.memory_space<vmem>>, vector<1x1x128xf32>
    %get3A_1364 = vector.shape_cast %get3A_1363 : vector<1x1x128xf32> to vector<1x128xf32>
    %swap3A_1365 = arith.constant 6 : index
    %swap3A_1366 = arith.index_cast %get3A_1359 : i32 to index
    %swap3A_1367 = arith.constant 0 : index
    %swap3A_1368 = vector.load %arg4[%swap3A_1365, %swap3A_1366, %swap3A_1367] : memref<8x2048x128xf32, #tpu.memory_space<vmem>>, vector<1x1x128xf32>
    %swap3A_1369 = vector.shape_cast %swap3A_1368 : vector<1x1x128xf32> to vector<1x128xf32>
    %swap3A_1370 = vector.shape_cast %get3A_1364 : vector<1x128xf32> to vector<1x1x128xf32>
    tpu.vector_store %arg4[%swap3A_1365, %swap3A_1366, %swap3A_1367], %swap3A_1370 {strides = array<i32>} : memref<8x2048x128xf32, #tpu.memory_space<vmem>>, vector<1x1x128xf32>,
    %get3A_1371 = arith.constant 9 : index
    %get3A_1372 = memref.load %arg1[%get3A_1371] : memref<16xi32, #tpu.memory_space<smem>>
    %get3A_1373 = arith.constant 6 : index
    %get3A_1374 = arith.constant 9 : index
    %get3A_1375 = arith.constant 0 : index
    %get3A_1376 = vector.load %arg3[%get3A_1373, %get3A_1374, %get3A_1375] : memref<8x16x128xf32, #tpu.memory_space<vmem>>, vector<1x1x128xf32>
    %get3A_1377 = vector.shape_cast %get3A_1376 : vector<1x1x128xf32> to vector<1x128xf32>
    %swap3A_1378 = arith.constant 6 : index
    %swap3A_1379 = arith.index_cast %get3A_1372 : i32 to index
    %swap3A_1380 = arith.constant 0 : index
    %swap3A_1381 = vector.load %arg4[%swap3A_1378, %swap3A_1379, %swap3A_1380] : memref<8x2048x128xf32, #tpu.memory_space<vmem>>, vector<1x1x128xf32>
    %swap3A_1382 = vector.shape_cast %swap3A_1381 : vector<1x1x128xf32> to vector<1x128xf32>
    %swap3A_1383 = vector.shape_cast %get3A_1377 : vector<1x128xf32> to vector<1x1x128xf32>
    tpu.vector_store %arg4[%swap3A_1378, %swap3A_1379, %swap3A_1380], %swap3A_1383 {strides = array<i32>} : memref<8x2048x128xf32, #tpu.memory_space<vmem>>, vector<1x1x128xf32>,
    %get3A_1384 = arith.constant 10 : index
    %get3A_1385 = memref.load %arg1[%get3A_1384] : memref<16xi32, #tpu.memory_space<smem>>
    %get3A_1386 = arith.constant 6 : index
    %get3A_1387 = arith.constant 10 : index
    %get3A_1388 = arith.constant 0 : index
    %get3A_1389 = vector.load %arg3[%get3A_1386, %get3A_1387, %get3A_1388] : memref<8x16x128xf32, #tpu.memory_space<vmem>>, vector<1x1x128xf32>
    %get3A_1390 = vector.shape_cast %get3A_1389 : vector<1x1x128xf32> to vector<1x128xf32>
    %swap3A_1391 = arith.constant 6 : index
    %swap3A_1392 = arith.index_cast %get3A_1385 : i32 to index
    %swap3A_1393 = arith.constant 0 : index
    %swap3A_1394 = vector.load %arg4[%swap3A_1391, %swap3A_1392, %swap3A_1393] : memref<8x2048x128xf32, #tpu.memory_space<vmem>>, vector<1x1x128xf32>
    %swap3A_1395 = vector.shape_cast %swap3A_1394 : vector<1x1x128xf32> to vector<1x128xf32>
    %swap3A_1396 = vector.shape_cast %get3A_1390 : vector<1x128xf32> to vector<1x1x128xf32>
    tpu.vector_store %arg4[%swap3A_1391, %swap3A_1392, %swap3A_1393], %swap3A_1396 {strides = array<i32>} : memref<8x2048x128xf32, #tpu.memory_space<vmem>>, vector<1x1x128xf32>,
    %get3A_1397 = arith.constant 11 : index
    %get3A_1398 = memref.load %arg1[%get3A_1397] : memref<16xi32, #tpu.memory_space<smem>>
    %get3A_1399 = arith.constant 6 : index
    %get3A_1400 = arith.constant 11 : index
    %get3A_1401 = arith.constant 0 : index
    %get3A_1402 = vector.load %arg3[%get3A_1399, %get3A_1400, %get3A_1401] : memref<8x16x128xf32, #tpu.memory_space<vmem>>, vector<1x1x128xf32>
    %get3A_1403 = vector.shape_cast %get3A_1402 : vector<1x1x128xf32> to vector<1x128xf32>
    %swap3A_1404 = arith.constant 6 : index
    %swap3A_1405 = arith.index_cast %get3A_1398 : i32 to index
    %swap3A_1406 = arith.constant 0 : index
    %swap3A_1407 = vector.load %arg4[%swap3A_1404, %swap3A_1405, %swap3A_1406] : memref<8x2048x128xf32, #tpu.memory_space<vmem>>, vector<1x1x128xf32>
    %swap3A_1408 = vector.shape_cast %swap3A_1407 : vector<1x1x128xf32> to vector<1x128xf32>
    %swap3A_1409 = vector.shape_cast %get3A_1403 : vector<1x128xf32> to vector<1x1x128xf32>
    tpu.vector_store %arg4[%swap3A_1404, %swap3A_1405, %swap3A_1406], %swap3A_1409 {strides = array<i32>} : memref<8x2048x128xf32, #tpu.memory_space<vmem>>, vector<1x1x128xf32>,
    %get3A_1410 = arith.constant 12 : index
    %get3A_1411 = memref.load %arg1[%get3A_1410] : memref<16xi32, #tpu.memory_space<smem>>
    %get3A_1412 = arith.constant 6 : index
    %get3A_1413 = arith.constant 12 : index
    %get3A_1414 = arith.constant 0 : index
    %get3A_1415 = vector.load %arg3[%get3A_1412, %get3A_1413, %get3A_1414] : memref<8x16x128xf32, #tpu.memory_space<vmem>>, vector<1x1x128xf32>
    %get3A_1416 = vector.shape_cast %get3A_1415 : vector<1x1x128xf32> to vector<1x128xf32>
    %swap3A_1417 = arith.constant 6 : index
    %swap3A_1418 = arith.index_cast %get3A_1411 : i32 to index
    %swap3A_1419 = arith.constant 0 : index
    %swap3A_1420 = vector.load %arg4[%swap3A_1417, %swap3A_1418, %swap3A_1419] : memref<8x2048x128xf32, #tpu.memory_space<vmem>>, vector<1x1x128xf32>
    %swap3A_1421 = vector.shape_cast %swap3A_1420 : vector<1x1x128xf32> to vector<1x128xf32>
    %swap3A_1422 = vector.shape_cast %get3A_1416 : vector<1x128xf32> to vector<1x1x128xf32>
    tpu.vector_store %arg4[%swap3A_1417, %swap3A_1418, %swap3A_1419], %swap3A_1422 {strides = array<i32>} : memref<8x2048x128xf32, #tpu.memory_space<vmem>>, vector<1x1x128xf32>,
    %get3A_1423 = arith.constant 13 : index
    %get3A_1424 = memref.load %arg1[%get3A_1423] : memref<16xi32, #tpu.memory_space<smem>>
    %get3A_1425 = arith.constant 6 : index
    %get3A_1426 = arith.constant 13 : index
    %get3A_1427 = arith.constant 0 : index
    %get3A_1428 = vector.load %arg3[%get3A_1425, %get3A_1426, %get3A_1427] : memref<8x16x128xf32, #tpu.memory_space<vmem>>, vector<1x1x128xf32>
    %get3A_1429 = vector.shape_cast %get3A_1428 : vector<1x1x128xf32> to vector<1x128xf32>
    %swap3A_1430 = arith.constant 6 : index
    %swap3A_1431 = arith.index_cast %get3A_1424 : i32 to index
    %swap3A_1432 = arith.constant 0 : index
    %swap3A_1433 = vector.load %arg4[%swap3A_1430, %swap3A_1431, %swap3A_1432] : memref<8x2048x128xf32, #tpu.memory_space<vmem>>, vector<1x1x128xf32>
    %swap3A_1434 = vector.shape_cast %swap3A_1433 : vector<1x1x128xf32> to vector<1x128xf32>
    %swap3A_1435 = vector.shape_cast %get3A_1429 : vector<1x128xf32> to vector<1x1x128xf32>
    tpu.vector_store %arg4[%swap3A_1430, %swap3A_1431, %swap3A_1432], %swap3A_1435 {strides = array<i32>} : memref<8x2048x128xf32, #tpu.memory_space<vmem>>, vector<1x1x128xf32>,
    %get3A_1436 = arith.constant 14 : index
    %get3A_1437 = memref.load %arg1[%get3A_1436] : memref<16xi32, #tpu.memory_space<smem>>
    %get3A_1438 = arith.constant 6 : index
    %get3A_1439 = arith.constant 14 : index
    %get3A_1440 = arith.constant 0 : index
    %get3A_1441 = vector.load %arg3[%get3A_1438, %get3A_1439, %get3A_1440] : memref<8x16x128xf32, #tpu.memory_space<vmem>>, vector<1x1x128xf32>
    %get3A_1442 = vector.shape_cast %get3A_1441 : vector<1x1x128xf32> to vector<1x128xf32>
    %swap3A_1443 = arith.constant 6 : index
    %swap3A_1444 = arith.index_cast %get3A_1437 : i32 to index
    %swap3A_1445 = arith.constant 0 : index
    %swap3A_1446 = vector.load %arg4[%swap3A_1443, %swap3A_1444, %swap3A_1445] : memref<8x2048x128xf32, #tpu.memory_space<vmem>>, vector<1x1x128xf32>
    %swap3A_1447 = vector.shape_cast %swap3A_1446 : vector<1x1x128xf32> to vector<1x128xf32>
    %swap3A_1448 = vector.shape_cast %get3A_1442 : vector<1x128xf32> to vector<1x1x128xf32>
    tpu.vector_store %arg4[%swap3A_1443, %swap3A_1444, %swap3A_1445], %swap3A_1448 {strides = array<i32>} : memref<8x2048x128xf32, #tpu.memory_space<vmem>>, vector<1x1x128xf32>,
    %get3A_1449 = arith.constant 15 : index
    %get3A_1450 = memref.load %arg1[%get3A_1449] : memref<16xi32, #tpu.memory_space<smem>>
    %get3A_1451 = arith.constant 6 : index
    %get3A_1452 = arith.constant 15 : index
    %get3A_1453 = arith.constant 0 : index
    %get3A_1454 = vector.load %arg3[%get3A_1451, %get3A_1452, %get3A_1453] : memref<8x16x128xf32, #tpu.memory_space<vmem>>, vector<1x1x128xf32>
    %get3A_1455 = vector.shape_cast %get3A_1454 : vector<1x1x128xf32> to vector<1x128xf32>
    %swap3A_1456 = arith.constant 6 : index
    %swap3A_1457 = arith.index_cast %get3A_1450 : i32 to index
    %swap3A_1458 = arith.constant 0 : index
    %swap3A_1459 = vector.load %arg4[%swap3A_1456, %swap3A_1457, %swap3A_1458] : memref<8x2048x128xf32, #tpu.memory_space<vmem>>, vector<1x1x128xf32>
    %swap3A_1460 = vector.shape_cast %swap3A_1459 : vector<1x1x128xf32> to vector<1x128xf32>
    %swap3A_1461 = vector.shape_cast %get3A_1455 : vector<1x128xf32> to vector<1x1x128xf32>
    tpu.vector_store %arg4[%swap3A_1456, %swap3A_1457, %swap3A_1458], %swap3A_1461 {strides = array<i32>} : memref<8x2048x128xf32, #tpu.memory_space<vmem>>, vector<1x1x128xf32>,
    %get3A_1462 = arith.constant 0 : index
    %get3A_1463 = memref.load %arg1[%get3A_1462] : memref<16xi32, #tpu.memory_space<smem>>
    %get3A_1464 = arith.constant 7 : index
    %get3A_1465 = arith.constant 0 : index
    %get3A_1466 = arith.constant 0 : index
    %get3A_1467 = vector.load %arg3[%get3A_1464, %get3A_1465, %get3A_1466] : memref<8x16x128xf32, #tpu.memory_space<vmem>>, vector<1x1x128xf32>
    %get3A_1468 = vector.shape_cast %get3A_1467 : vector<1x1x128xf32> to vector<1x128xf32>
    %swap3A_1469 = arith.constant 7 : index
    %swap3A_1470 = arith.index_cast %get3A_1463 : i32 to index
    %swap3A_1471 = arith.constant 0 : index
    %swap3A_1472 = vector.load %arg4[%swap3A_1469, %swap3A_1470, %swap3A_1471] : memref<8x2048x128xf32, #tpu.memory_space<vmem>>, vector<1x1x128xf32>
    %swap3A_1473 = vector.shape_cast %swap3A_1472 : vector<1x1x128xf32> to vector<1x128xf32>
    %swap3A_1474 = vector.shape_cast %get3A_1468 : vector<1x128xf32> to vector<1x1x128xf32>
    tpu.vector_store %arg4[%swap3A_1469, %swap3A_1470, %swap3A_1471], %swap3A_1474 {strides = array<i32>} : memref<8x2048x128xf32, #tpu.memory_space<vmem>>, vector<1x1x128xf32>,
    %get3A_1475 = arith.constant 1 : index
    %get3A_1476 = memref.load %arg1[%get3A_1475] : memref<16xi32, #tpu.memory_space<smem>>
    %get3A_1477 = arith.constant 7 : index
    %get3A_1478 = arith.constant 1 : index
    %get3A_1479 = arith.constant 0 : index
    %get3A_1480 = vector.load %arg3[%get3A_1477, %get3A_1478, %get3A_1479] : memref<8x16x128xf32, #tpu.memory_space<vmem>>, vector<1x1x128xf32>
    %get3A_1481 = vector.shape_cast %get3A_1480 : vector<1x1x128xf32> to vector<1x128xf32>
    %swap3A_1482 = arith.constant 7 : index
    %swap3A_1483 = arith.index_cast %get3A_1476 : i32 to index
    %swap3A_1484 = arith.constant 0 : index
    %swap3A_1485 = vector.load %arg4[%swap3A_1482, %swap3A_1483, %swap3A_1484] : memref<8x2048x128xf32, #tpu.memory_space<vmem>>, vector<1x1x128xf32>
    %swap3A_1486 = vector.shape_cast %swap3A_1485 : vector<1x1x128xf32> to vector<1x128xf32>
    %swap3A_1487 = vector.shape_cast %get3A_1481 : vector<1x128xf32> to vector<1x1x128xf32>
    tpu.vector_store %arg4[%swap3A_1482, %swap3A_1483, %swap3A_1484], %swap3A_1487 {strides = array<i32>} : memref<8x2048x128xf32, #tpu.memory_space<vmem>>, vector<1x1x128xf32>,
    %get3A_1488 = arith.constant 2 : index
    %get3A_1489 = memref.load %arg1[%get3A_1488] : memref<16xi32, #tpu.memory_space<smem>>
    %get3A_1490 = arith.constant 7 : index
    %get3A_1491 = arith.constant 2 : index
    %get3A_1492 = arith.constant 0 : index
    %get3A_1493 = vector.load %arg3[%get3A_1490, %get3A_1491, %get3A_1492] : memref<8x16x128xf32, #tpu.memory_space<vmem>>, vector<1x1x128xf32>
    %get3A_1494 = vector.shape_cast %get3A_1493 : vector<1x1x128xf32> to vector<1x128xf32>
    %swap3A_1495 = arith.constant 7 : index
    %swap3A_1496 = arith.index_cast %get3A_1489 : i32 to index
    %swap3A_1497 = arith.constant 0 : index
    %swap3A_1498 = vector.load %arg4[%swap3A_1495, %swap3A_1496, %swap3A_1497] : memref<8x2048x128xf32, #tpu.memory_space<vmem>>, vector<1x1x128xf32>
    %swap3A_1499 = vector.shape_cast %swap3A_1498 : vector<1x1x128xf32> to vector<1x128xf32>
    %swap3A_1500 = vector.shape_cast %get3A_1494 : vector<1x128xf32> to vector<1x1x128xf32>
    tpu.vector_store %arg4[%swap3A_1495, %swap3A_1496, %swap3A_1497], %swap3A_1500 {strides = array<i32>} : memref<8x2048x128xf32, #tpu.memory_space<vmem>>, vector<1x1x128xf32>,
    %get3A_1501 = arith.constant 3 : index
    %get3A_1502 = memref.load %arg1[%get3A_1501] : memref<16xi32, #tpu.memory_space<smem>>
    %get3A_1503 = arith.constant 7 : index
    %get3A_1504 = arith.constant 3 : index
    %get3A_1505 = arith.constant 0 : index
    %get3A_1506 = vector.load %arg3[%get3A_1503, %get3A_1504, %get3A_1505] : memref<8x16x128xf32, #tpu.memory_space<vmem>>, vector<1x1x128xf32>
    %get3A_1507 = vector.shape_cast %get3A_1506 : vector<1x1x128xf32> to vector<1x128xf32>
    %swap3A_1508 = arith.constant 7 : index
    %swap3A_1509 = arith.index_cast %get3A_1502 : i32 to index
    %swap3A_1510 = arith.constant 0 : index
    %swap3A_1511 = vector.load %arg4[%swap3A_1508, %swap3A_1509, %swap3A_1510] : memref<8x2048x128xf32, #tpu.memory_space<vmem>>, vector<1x1x128xf32>
    %swap3A_1512 = vector.shape_cast %swap3A_1511 : vector<1x1x128xf32> to vector<1x128xf32>
    %swap3A_1513 = vector.shape_cast %get3A_1507 : vector<1x128xf32> to vector<1x1x128xf32>
    tpu.vector_store %arg4[%swap3A_1508, %swap3A_1509, %swap3A_1510], %swap3A_1513 {strides = array<i32>} : memref<8x2048x128xf32, #tpu.memory_space<vmem>>, vector<1x1x128xf32>,
    %get3A_1514 = arith.constant 4 : index
    %get3A_1515 = memref.load %arg1[%get3A_1514] : memref<16xi32, #tpu.memory_space<smem>>
    %get3A_1516 = arith.constant 7 : index
    %get3A_1517 = arith.constant 4 : index
    %get3A_1518 = arith.constant 0 : index
    %get3A_1519 = vector.load %arg3[%get3A_1516, %get3A_1517, %get3A_1518] : memref<8x16x128xf32, #tpu.memory_space<vmem>>, vector<1x1x128xf32>
    %get3A_1520 = vector.shape_cast %get3A_1519 : vector<1x1x128xf32> to vector<1x128xf32>
    %swap3A_1521 = arith.constant 7 : index
    %swap3A_1522 = arith.index_cast %get3A_1515 : i32 to index
    %swap3A_1523 = arith.constant 0 : index
    %swap3A_1524 = vector.load %arg4[%swap3A_1521, %swap3A_1522, %swap3A_1523] : memref<8x2048x128xf32, #tpu.memory_space<vmem>>, vector<1x1x128xf32>
    %swap3A_1525 = vector.shape_cast %swap3A_1524 : vector<1x1x128xf32> to vector<1x128xf32>
    %swap3A_1526 = vector.shape_cast %get3A_1520 : vector<1x128xf32> to vector<1x1x128xf32>
    tpu.vector_store %arg4[%swap3A_1521, %swap3A_1522, %swap3A_1523], %swap3A_1526 {strides = array<i32>} : memref<8x2048x128xf32, #tpu.memory_space<vmem>>, vector<1x1x128xf32>,
    %get3A_1527 = arith.constant 5 : index
    %get3A_1528 = memref.load %arg1[%get3A_1527] : memref<16xi32, #tpu.memory_space<smem>>
    %get3A_1529 = arith.constant 7 : index
    %get3A_1530 = arith.constant 5 : index
    %get3A_1531 = arith.constant 0 : index
    %get3A_1532 = vector.load %arg3[%get3A_1529, %get3A_1530, %get3A_1531] : memref<8x16x128xf32, #tpu.memory_space<vmem>>, vector<1x1x128xf32>
    %get3A_1533 = vector.shape_cast %get3A_1532 : vector<1x1x128xf32> to vector<1x128xf32>
    %swap3A_1534 = arith.constant 7 : index
    %swap3A_1535 = arith.index_cast %get3A_1528 : i32 to index
    %swap3A_1536 = arith.constant 0 : index
    %swap3A_1537 = vector.load %arg4[%swap3A_1534, %swap3A_1535, %swap3A_1536] : memref<8x2048x128xf32, #tpu.memory_space<vmem>>, vector<1x1x128xf32>
    %swap3A_1538 = vector.shape_cast %swap3A_1537 : vector<1x1x128xf32> to vector<1x128xf32>
    %swap3A_1539 = vector.shape_cast %get3A_1533 : vector<1x128xf32> to vector<1x1x128xf32>
    tpu.vector_store %arg4[%swap3A_1534, %swap3A_1535, %swap3A_1536], %swap3A_1539 {strides = array<i32>} : memref<8x2048x128xf32, #tpu.memory_space<vmem>>, vector<1x1x128xf32>,
    %get3A_1540 = arith.constant 6 : index
    %get3A_1541 = memref.load %arg1[%get3A_1540] : memref<16xi32, #tpu.memory_space<smem>>
    %get3A_1542 = arith.constant 7 : index
    %get3A_1543 = arith.constant 6 : index
    %get3A_1544 = arith.constant 0 : index
    %get3A_1545 = vector.load %arg3[%get3A_1542, %get3A_1543, %get3A_1544] : memref<8x16x128xf32, #tpu.memory_space<vmem>>, vector<1x1x128xf32>
    %get3A_1546 = vector.shape_cast %get3A_1545 : vector<1x1x128xf32> to vector<1x128xf32>
    %swap3A_1547 = arith.constant 7 : index
    %swap3A_1548 = arith.index_cast %get3A_1541 : i32 to index
    %swap3A_1549 = arith.constant 0 : index
    %swap3A_1550 = vector.load %arg4[%swap3A_1547, %swap3A_1548, %swap3A_1549] : memref<8x2048x128xf32, #tpu.memory_space<vmem>>, vector<1x1x128xf32>
    %swap3A_1551 = vector.shape_cast %swap3A_1550 : vector<1x1x128xf32> to vector<1x128xf32>
    %swap3A_1552 = vector.shape_cast %get3A_1546 : vector<1x128xf32> to vector<1x1x128xf32>
    tpu.vector_store %arg4[%swap3A_1547, %swap3A_1548, %swap3A_1549], %swap3A_1552 {strides = array<i32>} : memref<8x2048x128xf32, #tpu.memory_space<vmem>>, vector<1x1x128xf32>,
    %get3A_1553 = arith.constant 7 : index
    %get3A_1554 = memref.load %arg1[%get3A_1553] : memref<16xi32, #tpu.memory_space<smem>>
    %get3A_1555 = arith.constant 7 : index
    %get3A_1556 = arith.constant 7 : index
    %get3A_1557 = arith.constant 0 : index
    %get3A_1558 = vector.load %arg3[%get3A_1555, %get3A_1556, %get3A_1557] : memref<8x16x128xf32, #tpu.memory_space<vmem>>, vector<1x1x128xf32>
    %get3A_1559 = vector.shape_cast %get3A_1558 : vector<1x1x128xf32> to vector<1x128xf32>
    %swap3A_1560 = arith.constant 7 : index
    %swap3A_1561 = arith.index_cast %get3A_1554 : i32 to index
    %swap3A_1562 = arith.constant 0 : index
    %swap3A_1563 = vector.load %arg4[%swap3A_1560, %swap3A_1561, %swap3A_1562] : memref<8x2048x128xf32, #tpu.memory_space<vmem>>, vector<1x1x128xf32>
    %swap3A_1564 = vector.shape_cast %swap3A_1563 : vector<1x1x128xf32> to vector<1x128xf32>
    %swap3A_1565 = vector.shape_cast %get3A_1559 : vector<1x128xf32> to vector<1x1x128xf32>
    tpu.vector_store %arg4[%swap3A_1560, %swap3A_1561, %swap3A_1562], %swap3A_1565 {strides = array<i32>} : memref<8x2048x128xf32, #tpu.memory_space<vmem>>, vector<1x1x128xf32>,
    %get3A_1566 = arith.constant 8 : index
    %get3A_1567 = memref.load %arg1[%get3A_1566] : memref<16xi32, #tpu.memory_space<smem>>
    %get3A_1568 = arith.constant 7 : index
    %get3A_1569 = arith.constant 8 : index
    %get3A_1570 = arith.constant 0 : index
    %get3A_1571 = vector.load %arg3[%get3A_1568, %get3A_1569, %get3A_1570] : memref<8x16x128xf32, #tpu.memory_space<vmem>>, vector<1x1x128xf32>
    %get3A_1572 = vector.shape_cast %get3A_1571 : vector<1x1x128xf32> to vector<1x128xf32>
    %swap3A_1573 = arith.constant 7 : index
    %swap3A_1574 = arith.index_cast %get3A_1567 : i32 to index
    %swap3A_1575 = arith.constant 0 : index
    %swap3A_1576 = vector.load %arg4[%swap3A_1573, %swap3A_1574, %swap3A_1575] : memref<8x2048x128xf32, #tpu.memory_space<vmem>>, vector<1x1x128xf32>
    %swap3A_1577 = vector.shape_cast %swap3A_1576 : vector<1x1x128xf32> to vector<1x128xf32>
    %swap3A_1578 = vector.shape_cast %get3A_1572 : vector<1x128xf32> to vector<1x1x128xf32>
    tpu.vector_store %arg4[%swap3A_1573, %swap3A_1574, %swap3A_1575], %swap3A_1578 {strides = array<i32>} : memref<8x2048x128xf32, #tpu.memory_space<vmem>>, vector<1x1x128xf32>,
    %get3A_1579 = arith.constant 9 : index
    %get3A_1580 = memref.load %arg1[%get3A_1579] : memref<16xi32, #tpu.memory_space<smem>>
    %get3A_1581 = arith.constant 7 : index
    %get3A_1582 = arith.constant 9 : index
    %get3A_1583 = arith.constant 0 : index
    %get3A_1584 = vector.load %arg3[%get3A_1581, %get3A_1582, %get3A_1583] : memref<8x16x128xf32, #tpu.memory_space<vmem>>, vector<1x1x128xf32>
    %get3A_1585 = vector.shape_cast %get3A_1584 : vector<1x1x128xf32> to vector<1x128xf32>
    %swap3A_1586 = arith.constant 7 : index
    %swap3A_1587 = arith.index_cast %get3A_1580 : i32 to index
    %swap3A_1588 = arith.constant 0 : index
    %swap3A_1589 = vector.load %arg4[%swap3A_1586, %swap3A_1587, %swap3A_1588] : memref<8x2048x128xf32, #tpu.memory_space<vmem>>, vector<1x1x128xf32>
    %swap3A_1590 = vector.shape_cast %swap3A_1589 : vector<1x1x128xf32> to vector<1x128xf32>
    %swap3A_1591 = vector.shape_cast %get3A_1585 : vector<1x128xf32> to vector<1x1x128xf32>
    tpu.vector_store %arg4[%swap3A_1586, %swap3A_1587, %swap3A_1588], %swap3A_1591 {strides = array<i32>} : memref<8x2048x128xf32, #tpu.memory_space<vmem>>, vector<1x1x128xf32>,
    %get3A_1592 = arith.constant 10 : index
    %get3A_1593 = memref.load %arg1[%get3A_1592] : memref<16xi32, #tpu.memory_space<smem>>
    %get3A_1594 = arith.constant 7 : index
    %get3A_1595 = arith.constant 10 : index
    %get3A_1596 = arith.constant 0 : index
    %get3A_1597 = vector.load %arg3[%get3A_1594, %get3A_1595, %get3A_1596] : memref<8x16x128xf32, #tpu.memory_space<vmem>>, vector<1x1x128xf32>
    %get3A_1598 = vector.shape_cast %get3A_1597 : vector<1x1x128xf32> to vector<1x128xf32>
    %swap3A_1599 = arith.constant 7 : index
    %swap3A_1600 = arith.index_cast %get3A_1593 : i32 to index
    %swap3A_1601 = arith.constant 0 : index
    %swap3A_1602 = vector.load %arg4[%swap3A_1599, %swap3A_1600, %swap3A_1601] : memref<8x2048x128xf32, #tpu.memory_space<vmem>>, vector<1x1x128xf32>
    %swap3A_1603 = vector.shape_cast %swap3A_1602 : vector<1x1x128xf32> to vector<1x128xf32>
    %swap3A_1604 = vector.shape_cast %get3A_1598 : vector<1x128xf32> to vector<1x1x128xf32>
    tpu.vector_store %arg4[%swap3A_1599, %swap3A_1600, %swap3A_1601], %swap3A_1604 {strides = array<i32>} : memref<8x2048x128xf32, #tpu.memory_space<vmem>>, vector<1x1x128xf32>,
    %get3A_1605 = arith.constant 11 : index
    %get3A_1606 = memref.load %arg1[%get3A_1605] : memref<16xi32, #tpu.memory_space<smem>>
    %get3A_1607 = arith.constant 7 : index
    %get3A_1608 = arith.constant 11 : index
    %get3A_1609 = arith.constant 0 : index
    %get3A_1610 = vector.load %arg3[%get3A_1607, %get3A_1608, %get3A_1609] : memref<8x16x128xf32, #tpu.memory_space<vmem>>, vector<1x1x128xf32>
    %get3A_1611 = vector.shape_cast %get3A_1610 : vector<1x1x128xf32> to vector<1x128xf32>
    %swap3A_1612 = arith.constant 7 : index
    %swap3A_1613 = arith.index_cast %get3A_1606 : i32 to index
    %swap3A_1614 = arith.constant 0 : index
    %swap3A_1615 = vector.load %arg4[%swap3A_1612, %swap3A_1613, %swap3A_1614] : memref<8x2048x128xf32, #tpu.memory_space<vmem>>, vector<1x1x128xf32>
    %swap3A_1616 = vector.shape_cast %swap3A_1615 : vector<1x1x128xf32> to vector<1x128xf32>
    %swap3A_1617 = vector.shape_cast %get3A_1611 : vector<1x128xf32> to vector<1x1x128xf32>
    tpu.vector_store %arg4[%swap3A_1612, %swap3A_1613, %swap3A_1614], %swap3A_1617 {strides = array<i32>} : memref<8x2048x128xf32, #tpu.memory_space<vmem>>, vector<1x1x128xf32>,
    %get3A_1618 = arith.constant 12 : index
    %get3A_1619 = memref.load %arg1[%get3A_1618] : memref<16xi32, #tpu.memory_space<smem>>
    %get3A_1620 = arith.constant 7 : index
    %get3A_1621 = arith.constant 12 : index
    %get3A_1622 = arith.constant 0 : index
    %get3A_1623 = vector.load %arg3[%get3A_1620, %get3A_1621, %get3A_1622] : memref<8x16x128xf32, #tpu.memory_space<vmem>>, vector<1x1x128xf32>
    %get3A_1624 = vector.shape_cast %get3A_1623 : vector<1x1x128xf32> to vector<1x128xf32>
    %swap3A_1625 = arith.constant 7 : index
    %swap3A_1626 = arith.index_cast %get3A_1619 : i32 to index
    %swap3A_1627 = arith.constant 0 : index
    %swap3A_1628 = vector.load %arg4[%swap3A_1625, %swap3A_1626, %swap3A_1627] : memref<8x2048x128xf32, #tpu.memory_space<vmem>>, vector<1x1x128xf32>
    %swap3A_1629 = vector.shape_cast %swap3A_1628 : vector<1x1x128xf32> to vector<1x128xf32>
    %swap3A_1630 = vector.shape_cast %get3A_1624 : vector<1x128xf32> to vector<1x1x128xf32>
    tpu.vector_store %arg4[%swap3A_1625, %swap3A_1626, %swap3A_1627], %swap3A_1630 {strides = array<i32>} : memref<8x2048x128xf32, #tpu.memory_space<vmem>>, vector<1x1x128xf32>,
    %get3A_1631 = arith.constant 13 : index
    %get3A_1632 = memref.load %arg1[%get3A_1631] : memref<16xi32, #tpu.memory_space<smem>>
    %get3A_1633 = arith.constant 7 : index
    %get3A_1634 = arith.constant 13 : index
    %get3A_1635 = arith.constant 0 : index
    %get3A_1636 = vector.load %arg3[%get3A_1633, %get3A_1634, %get3A_1635] : memref<8x16x128xf32, #tpu.memory_space<vmem>>, vector<1x1x128xf32>
    %get3A_1637 = vector.shape_cast %get3A_1636 : vector<1x1x128xf32> to vector<1x128xf32>
    %swap3A_1638 = arith.constant 7 : index
    %swap3A_1639 = arith.index_cast %get3A_1632 : i32 to index
    %swap3A_1640 = arith.constant 0 : index
    %swap3A_1641 = vector.load %arg4[%swap3A_1638, %swap3A_1639, %swap3A_1640] : memref<8x2048x128xf32, #tpu.memory_space<vmem>>, vector<1x1x128xf32>
    %swap3A_1642 = vector.shape_cast %swap3A_1641 : vector<1x1x128xf32> to vector<1x128xf32>
    %swap3A_1643 = vector.shape_cast %get3A_1637 : vector<1x128xf32> to vector<1x1x128xf32>
    tpu.vector_store %arg4[%swap3A_1638, %swap3A_1639, %swap3A_1640], %swap3A_1643 {strides = array<i32>} : memref<8x2048x128xf32, #tpu.memory_space<vmem>>, vector<1x1x128xf32>,
    %get3A_1644 = arith.constant 14 : index
    %get3A_1645 = memref.load %arg1[%get3A_1644] : memref<16xi32, #tpu.memory_space<smem>>
    %get3A_1646 = arith.constant 7 : index
    %get3A_1647 = arith.constant 14 : index
    %get3A_1648 = arith.constant 0 : index
    %get3A_1649 = vector.load %arg3[%get3A_1646, %get3A_1647, %get3A_1648] : memref<8x16x128xf32, #tpu.memory_space<vmem>>, vector<1x1x128xf32>
    %get3A_1650 = vector.shape_cast %get3A_1649 : vector<1x1x128xf32> to vector<1x128xf32>
    %swap3A_1651 = arith.constant 7 : index
    %swap3A_1652 = arith.index_cast %get3A_1645 : i32 to index
    %swap3A_1653 = arith.constant 0 : index
    %swap3A_1654 = vector.load %arg4[%swap3A_1651, %swap3A_1652, %swap3A_1653] : memref<8x2048x128xf32, #tpu.memory_space<vmem>>, vector<1x1x128xf32>
    %swap3A_1655 = vector.shape_cast %swap3A_1654 : vector<1x1x128xf32> to vector<1x128xf32>
    %swap3A_1656 = vector.shape_cast %get3A_1650 : vector<1x128xf32> to vector<1x1x128xf32>
    tpu.vector_store %arg4[%swap3A_1651, %swap3A_1652, %swap3A_1653], %swap3A_1656 {strides = array<i32>} : memref<8x2048x128xf32, #tpu.memory_space<vmem>>, vector<1x1x128xf32>,
    %get3A_1657 = arith.constant 15 : index
    %get3A_1658 = memref.load %arg1[%get3A_1657] : memref<16xi32, #tpu.memory_space<smem>>
    %get3A_1659 = arith.constant 7 : index
    %get3A_1660 = arith.constant 15 : index
    %get3A_1661 = arith.constant 0 : index
    %get3A_1662 = vector.load %arg3[%get3A_1659, %get3A_1660, %get3A_1661] : memref<8x16x128xf32, #tpu.memory_space<vmem>>, vector<1x1x128xf32>
    %get3A_1663 = vector.shape_cast %get3A_1662 : vector<1x1x128xf32> to vector<1x128xf32>
    %swap3A_1664 = arith.constant 7 : index
    %swap3A_1665 = arith.index_cast %get3A_1658 : i32 to index
    %swap3A_1666 = arith.constant 0 : index
    %swap3A_1667 = vector.load %arg4[%swap3A_1664, %swap3A_1665, %swap3A_1666] : memref<8x2048x128xf32, #tpu.memory_space<vmem>>, vector<1x1x128xf32>
    %swap3A_1668 = vector.shape_cast %swap3A_1667 : vector<1x1x128xf32> to vector<1x128xf32>
    %swap3A_1669 = vector.shape_cast %get3A_1663 : vector<1x128xf32> to vector<1x1x128xf32>
    tpu.vector_store %arg4[%swap3A_1664, %swap3A_1665, %swap3A_1666], %swap3A_1669 {strides = array<i32>} : memref<8x2048x128xf32, #tpu.memory_space<vmem>>, vector<1x1x128xf32>,
    return
  }
  func.func @transform_0(%arg0: i32, %arg1: memref<16xi32, #tpu.memory_space<smem>>) -> (i32, i32, i32) {
    %c0_i32 = arith.constant 0 : i32
    %c0_i32_0 = arith.constant 0 : i32
    %c0_i32_1 = arith.constant 0 : i32
    return %arg0, %c0_i32, %c0_i32_0 : i32, i32, i32
  }
  func.func @transform_1(%arg0: i32, %arg1: memref<16xi32, #tpu.memory_space<smem>>) -> (i32, i32, i32) {
    %c0_i32 = arith.constant 0 : i32
    %c0_i32_0 = arith.constant 0 : i32
    %c0_i32_1 = arith.constant 0 : i32
    return %arg0, %c0_i32, %c0_i32_0 : i32, i32, i32
  }
  func.func @transform_2(%arg0: i32, %arg1: memref<16xi32, #tpu.memory_space<smem>>) -> (i32, i32, i32) {
    %c0_i32 = arith.constant 0 : i32
    %c0_i32_0 = arith.constant 0 : i32
    %c0_i32_1 = arith.constant 0 : i32
    return %arg0, %c0_i32, %c0_i32_0 : i32, i32, i32
  }
}

module attributes {stable_mosaic.version = 14 : i64} {
  func.func @_tcb_body(%arg0: i32, %arg1: memref<524288x128xf32, #tpu.memory_space<hbm>>, %arg2: memref<16384x128xf32, #tpu.memory_space<vmem>>, %arg3: memref<128x128xf32, #tpu.memory_space<vmem>>, %arg4: memref<16xi32, #tpu.memory_space<smem>>, %arg5: memref<16384x128xf32, #tpu.memory_space<vmem>>) attributes {dimension_semantics = [#tpu.dimension_semantics<arbitrary>], iteration_bounds = array<i64: 12>, scalar_prefetch = 0 : i64, scratch_operands = 0 : i64, tpu.core_type = #tpu.core_type<tc>, window_params = [{}, {transform_indices = @transform_1, window_bounds = array<i64: 16384, 128>}, {transform_indices = @transform_2, window_bounds = array<i64: 128, 128>}, {transform_indices = @transform_3, window_bounds = array<i64: 16>}, {transform_indices = @transform_4, window_bounds = array<i64: 16384, 128>}]} {
    %get3A = arith.constant 0 : index
    %get3A_0 = arith.constant 0 : index
    %get3A_1 = vector.load %arg2[%get3A, %get3A_0] : memref<16384x128xf32, #tpu.memory_space<vmem>>, vector<16384x128xf32>
    %swap3A = arith.constant 0 : index
    %swap3A_2 = arith.constant 0 : index
    %swap3A_3 = vector.load %arg5[%swap3A, %swap3A_2] : memref<16384x128xf32, #tpu.memory_space<vmem>>, vector<16384x128xf32>
    tpu.vector_store %arg5[%swap3A, %swap3A_2], %get3A_1 {strides = array<i32>} : memref<16384x128xf32, #tpu.memory_space<vmem>>, vector<16384x128xf32>,
    %get3A_4 = arith.constant 0 : index
    %get3A_5 = memref.load %arg4[%get3A_4] : memref<16xi32, #tpu.memory_space<smem>>
    %get3A_6 = arith.constant 0 : index
    %get3A_7 = arith.constant 0 : index
    %get3A_8 = vector.load %arg3[%get3A_6, %get3A_7] : memref<128x128xf32, #tpu.memory_space<vmem>>, vector<1x128xf32>
    %add3A = arith.constant 0 : i32
    %add3A_9 = arith.addi %add3A, %get3A_5 : i32
    %swap3A_10 = arith.index_cast %add3A_9 : i32 to index
    %swap3A_11 = arith.constant 0 : index
    %swap3A_12 = vector.load %arg5[%swap3A_10, %swap3A_11] : memref<16384x128xf32, #tpu.memory_space<vmem>>, vector<1x128xf32>
    tpu.vector_store %arg5[%swap3A_10, %swap3A_11], %get3A_8 {strides = array<i32>} : memref<16384x128xf32, #tpu.memory_space<vmem>>, vector<1x128xf32>,
    %get3A_13 = arith.constant 1 : index
    %get3A_14 = memref.load %arg4[%get3A_13] : memref<16xi32, #tpu.memory_space<smem>>
    %get3A_15 = arith.constant 1 : index
    %get3A_16 = arith.constant 0 : index
    %get3A_17 = vector.load %arg3[%get3A_15, %get3A_16] : memref<128x128xf32, #tpu.memory_space<vmem>>, vector<1x128xf32>
    %add3A_18 = arith.constant 0 : i32
    %add3A_19 = arith.addi %add3A_18, %get3A_14 : i32
    %swap3A_20 = arith.index_cast %add3A_19 : i32 to index
    %swap3A_21 = arith.constant 0 : index
    %swap3A_22 = vector.load %arg5[%swap3A_20, %swap3A_21] : memref<16384x128xf32, #tpu.memory_space<vmem>>, vector<1x128xf32>
    tpu.vector_store %arg5[%swap3A_20, %swap3A_21], %get3A_17 {strides = array<i32>} : memref<16384x128xf32, #tpu.memory_space<vmem>>, vector<1x128xf32>,
    %get3A_23 = arith.constant 2 : index
    %get3A_24 = memref.load %arg4[%get3A_23] : memref<16xi32, #tpu.memory_space<smem>>
    %get3A_25 = arith.constant 2 : index
    %get3A_26 = arith.constant 0 : index
    %get3A_27 = vector.load %arg3[%get3A_25, %get3A_26] : memref<128x128xf32, #tpu.memory_space<vmem>>, vector<1x128xf32>
    %add3A_28 = arith.constant 0 : i32
    %add3A_29 = arith.addi %add3A_28, %get3A_24 : i32
    %swap3A_30 = arith.index_cast %add3A_29 : i32 to index
    %swap3A_31 = arith.constant 0 : index
    %swap3A_32 = vector.load %arg5[%swap3A_30, %swap3A_31] : memref<16384x128xf32, #tpu.memory_space<vmem>>, vector<1x128xf32>
    tpu.vector_store %arg5[%swap3A_30, %swap3A_31], %get3A_27 {strides = array<i32>} : memref<16384x128xf32, #tpu.memory_space<vmem>>, vector<1x128xf32>,
    %get3A_33 = arith.constant 3 : index
    %get3A_34 = memref.load %arg4[%get3A_33] : memref<16xi32, #tpu.memory_space<smem>>
    %get3A_35 = arith.constant 3 : index
    %get3A_36 = arith.constant 0 : index
    %get3A_37 = vector.load %arg3[%get3A_35, %get3A_36] : memref<128x128xf32, #tpu.memory_space<vmem>>, vector<1x128xf32>
    %add3A_38 = arith.constant 0 : i32
    %add3A_39 = arith.addi %add3A_38, %get3A_34 : i32
    %swap3A_40 = arith.index_cast %add3A_39 : i32 to index
    %swap3A_41 = arith.constant 0 : index
    %swap3A_42 = vector.load %arg5[%swap3A_40, %swap3A_41] : memref<16384x128xf32, #tpu.memory_space<vmem>>, vector<1x128xf32>
    tpu.vector_store %arg5[%swap3A_40, %swap3A_41], %get3A_37 {strides = array<i32>} : memref<16384x128xf32, #tpu.memory_space<vmem>>, vector<1x128xf32>,
    %get3A_43 = arith.constant 4 : index
    %get3A_44 = memref.load %arg4[%get3A_43] : memref<16xi32, #tpu.memory_space<smem>>
    %get3A_45 = arith.constant 4 : index
    %get3A_46 = arith.constant 0 : index
    %get3A_47 = vector.load %arg3[%get3A_45, %get3A_46] : memref<128x128xf32, #tpu.memory_space<vmem>>, vector<1x128xf32>
    %add3A_48 = arith.constant 0 : i32
    %add3A_49 = arith.addi %add3A_48, %get3A_44 : i32
    %swap3A_50 = arith.index_cast %add3A_49 : i32 to index
    %swap3A_51 = arith.constant 0 : index
    %swap3A_52 = vector.load %arg5[%swap3A_50, %swap3A_51] : memref<16384x128xf32, #tpu.memory_space<vmem>>, vector<1x128xf32>
    tpu.vector_store %arg5[%swap3A_50, %swap3A_51], %get3A_47 {strides = array<i32>} : memref<16384x128xf32, #tpu.memory_space<vmem>>, vector<1x128xf32>,
    %get3A_53 = arith.constant 5 : index
    %get3A_54 = memref.load %arg4[%get3A_53] : memref<16xi32, #tpu.memory_space<smem>>
    %get3A_55 = arith.constant 5 : index
    %get3A_56 = arith.constant 0 : index
    %get3A_57 = vector.load %arg3[%get3A_55, %get3A_56] : memref<128x128xf32, #tpu.memory_space<vmem>>, vector<1x128xf32>
    %add3A_58 = arith.constant 0 : i32
    %add3A_59 = arith.addi %add3A_58, %get3A_54 : i32
    %swap3A_60 = arith.index_cast %add3A_59 : i32 to index
    %swap3A_61 = arith.constant 0 : index
    %swap3A_62 = vector.load %arg5[%swap3A_60, %swap3A_61] : memref<16384x128xf32, #tpu.memory_space<vmem>>, vector<1x128xf32>
    tpu.vector_store %arg5[%swap3A_60, %swap3A_61], %get3A_57 {strides = array<i32>} : memref<16384x128xf32, #tpu.memory_space<vmem>>, vector<1x128xf32>,
    %get3A_63 = arith.constant 6 : index
    %get3A_64 = memref.load %arg4[%get3A_63] : memref<16xi32, #tpu.memory_space<smem>>
    %get3A_65 = arith.constant 6 : index
    %get3A_66 = arith.constant 0 : index
    %get3A_67 = vector.load %arg3[%get3A_65, %get3A_66] : memref<128x128xf32, #tpu.memory_space<vmem>>, vector<1x128xf32>
    %add3A_68 = arith.constant 0 : i32
    %add3A_69 = arith.addi %add3A_68, %get3A_64 : i32
    %swap3A_70 = arith.index_cast %add3A_69 : i32 to index
    %swap3A_71 = arith.constant 0 : index
    %swap3A_72 = vector.load %arg5[%swap3A_70, %swap3A_71] : memref<16384x128xf32, #tpu.memory_space<vmem>>, vector<1x128xf32>
    tpu.vector_store %arg5[%swap3A_70, %swap3A_71], %get3A_67 {strides = array<i32>} : memref<16384x128xf32, #tpu.memory_space<vmem>>, vector<1x128xf32>,
    %get3A_73 = arith.constant 7 : index
    %get3A_74 = memref.load %arg4[%get3A_73] : memref<16xi32, #tpu.memory_space<smem>>
    %get3A_75 = arith.constant 7 : index
    %get3A_76 = arith.constant 0 : index
    %get3A_77 = vector.load %arg3[%get3A_75, %get3A_76] : memref<128x128xf32, #tpu.memory_space<vmem>>, vector<1x128xf32>
    %add3A_78 = arith.constant 0 : i32
    %add3A_79 = arith.addi %add3A_78, %get3A_74 : i32
    %swap3A_80 = arith.index_cast %add3A_79 : i32 to index
    %swap3A_81 = arith.constant 0 : index
    %swap3A_82 = vector.load %arg5[%swap3A_80, %swap3A_81] : memref<16384x128xf32, #tpu.memory_space<vmem>>, vector<1x128xf32>
    tpu.vector_store %arg5[%swap3A_80, %swap3A_81], %get3A_77 {strides = array<i32>} : memref<16384x128xf32, #tpu.memory_space<vmem>>, vector<1x128xf32>,
    %get3A_83 = arith.constant 8 : index
    %get3A_84 = memref.load %arg4[%get3A_83] : memref<16xi32, #tpu.memory_space<smem>>
    %get3A_85 = arith.constant 8 : index
    %get3A_86 = arith.constant 0 : index
    %get3A_87 = vector.load %arg3[%get3A_85, %get3A_86] : memref<128x128xf32, #tpu.memory_space<vmem>>, vector<1x128xf32>
    %add3A_88 = arith.constant 0 : i32
    %add3A_89 = arith.addi %add3A_88, %get3A_84 : i32
    %swap3A_90 = arith.index_cast %add3A_89 : i32 to index
    %swap3A_91 = arith.constant 0 : index
    %swap3A_92 = vector.load %arg5[%swap3A_90, %swap3A_91] : memref<16384x128xf32, #tpu.memory_space<vmem>>, vector<1x128xf32>
    tpu.vector_store %arg5[%swap3A_90, %swap3A_91], %get3A_87 {strides = array<i32>} : memref<16384x128xf32, #tpu.memory_space<vmem>>, vector<1x128xf32>,
    %get3A_93 = arith.constant 9 : index
    %get3A_94 = memref.load %arg4[%get3A_93] : memref<16xi32, #tpu.memory_space<smem>>
    %get3A_95 = arith.constant 9 : index
    %get3A_96 = arith.constant 0 : index
    %get3A_97 = vector.load %arg3[%get3A_95, %get3A_96] : memref<128x128xf32, #tpu.memory_space<vmem>>, vector<1x128xf32>
    %add3A_98 = arith.constant 0 : i32
    %add3A_99 = arith.addi %add3A_98, %get3A_94 : i32
    %swap3A_100 = arith.index_cast %add3A_99 : i32 to index
    %swap3A_101 = arith.constant 0 : index
    %swap3A_102 = vector.load %arg5[%swap3A_100, %swap3A_101] : memref<16384x128xf32, #tpu.memory_space<vmem>>, vector<1x128xf32>
    tpu.vector_store %arg5[%swap3A_100, %swap3A_101], %get3A_97 {strides = array<i32>} : memref<16384x128xf32, #tpu.memory_space<vmem>>, vector<1x128xf32>,
    %get3A_103 = arith.constant 10 : index
    %get3A_104 = memref.load %arg4[%get3A_103] : memref<16xi32, #tpu.memory_space<smem>>
    %get3A_105 = arith.constant 10 : index
    %get3A_106 = arith.constant 0 : index
    %get3A_107 = vector.load %arg3[%get3A_105, %get3A_106] : memref<128x128xf32, #tpu.memory_space<vmem>>, vector<1x128xf32>
    %add3A_108 = arith.constant 0 : i32
    %add3A_109 = arith.addi %add3A_108, %get3A_104 : i32
    %swap3A_110 = arith.index_cast %add3A_109 : i32 to index
    %swap3A_111 = arith.constant 0 : index
    %swap3A_112 = vector.load %arg5[%swap3A_110, %swap3A_111] : memref<16384x128xf32, #tpu.memory_space<vmem>>, vector<1x128xf32>
    tpu.vector_store %arg5[%swap3A_110, %swap3A_111], %get3A_107 {strides = array<i32>} : memref<16384x128xf32, #tpu.memory_space<vmem>>, vector<1x128xf32>,
    %get3A_113 = arith.constant 11 : index
    %get3A_114 = memref.load %arg4[%get3A_113] : memref<16xi32, #tpu.memory_space<smem>>
    %get3A_115 = arith.constant 11 : index
    %get3A_116 = arith.constant 0 : index
    %get3A_117 = vector.load %arg3[%get3A_115, %get3A_116] : memref<128x128xf32, #tpu.memory_space<vmem>>, vector<1x128xf32>
    %add3A_118 = arith.constant 0 : i32
    %add3A_119 = arith.addi %add3A_118, %get3A_114 : i32
    %swap3A_120 = arith.index_cast %add3A_119 : i32 to index
    %swap3A_121 = arith.constant 0 : index
    %swap3A_122 = vector.load %arg5[%swap3A_120, %swap3A_121] : memref<16384x128xf32, #tpu.memory_space<vmem>>, vector<1x128xf32>
    tpu.vector_store %arg5[%swap3A_120, %swap3A_121], %get3A_117 {strides = array<i32>} : memref<16384x128xf32, #tpu.memory_space<vmem>>, vector<1x128xf32>,
    %get3A_123 = arith.constant 12 : index
    %get3A_124 = memref.load %arg4[%get3A_123] : memref<16xi32, #tpu.memory_space<smem>>
    %get3A_125 = arith.constant 12 : index
    %get3A_126 = arith.constant 0 : index
    %get3A_127 = vector.load %arg3[%get3A_125, %get3A_126] : memref<128x128xf32, #tpu.memory_space<vmem>>, vector<1x128xf32>
    %add3A_128 = arith.constant 0 : i32
    %add3A_129 = arith.addi %add3A_128, %get3A_124 : i32
    %swap3A_130 = arith.index_cast %add3A_129 : i32 to index
    %swap3A_131 = arith.constant 0 : index
    %swap3A_132 = vector.load %arg5[%swap3A_130, %swap3A_131] : memref<16384x128xf32, #tpu.memory_space<vmem>>, vector<1x128xf32>
    tpu.vector_store %arg5[%swap3A_130, %swap3A_131], %get3A_127 {strides = array<i32>} : memref<16384x128xf32, #tpu.memory_space<vmem>>, vector<1x128xf32>,
    %get3A_133 = arith.constant 13 : index
    %get3A_134 = memref.load %arg4[%get3A_133] : memref<16xi32, #tpu.memory_space<smem>>
    %get3A_135 = arith.constant 13 : index
    %get3A_136 = arith.constant 0 : index
    %get3A_137 = vector.load %arg3[%get3A_135, %get3A_136] : memref<128x128xf32, #tpu.memory_space<vmem>>, vector<1x128xf32>
    %add3A_138 = arith.constant 0 : i32
    %add3A_139 = arith.addi %add3A_138, %get3A_134 : i32
    %swap3A_140 = arith.index_cast %add3A_139 : i32 to index
    %swap3A_141 = arith.constant 0 : index
    %swap3A_142 = vector.load %arg5[%swap3A_140, %swap3A_141] : memref<16384x128xf32, #tpu.memory_space<vmem>>, vector<1x128xf32>
    tpu.vector_store %arg5[%swap3A_140, %swap3A_141], %get3A_137 {strides = array<i32>} : memref<16384x128xf32, #tpu.memory_space<vmem>>, vector<1x128xf32>,
    %get3A_143 = arith.constant 14 : index
    %get3A_144 = memref.load %arg4[%get3A_143] : memref<16xi32, #tpu.memory_space<smem>>
    %get3A_145 = arith.constant 14 : index
    %get3A_146 = arith.constant 0 : index
    %get3A_147 = vector.load %arg3[%get3A_145, %get3A_146] : memref<128x128xf32, #tpu.memory_space<vmem>>, vector<1x128xf32>
    %add3A_148 = arith.constant 0 : i32
    %add3A_149 = arith.addi %add3A_148, %get3A_144 : i32
    %swap3A_150 = arith.index_cast %add3A_149 : i32 to index
    %swap3A_151 = arith.constant 0 : index
    %swap3A_152 = vector.load %arg5[%swap3A_150, %swap3A_151] : memref<16384x128xf32, #tpu.memory_space<vmem>>, vector<1x128xf32>
    tpu.vector_store %arg5[%swap3A_150, %swap3A_151], %get3A_147 {strides = array<i32>} : memref<16384x128xf32, #tpu.memory_space<vmem>>, vector<1x128xf32>,
    %get3A_153 = arith.constant 15 : index
    %get3A_154 = memref.load %arg4[%get3A_153] : memref<16xi32, #tpu.memory_space<smem>>
    %get3A_155 = arith.constant 15 : index
    %get3A_156 = arith.constant 0 : index
    %get3A_157 = vector.load %arg3[%get3A_155, %get3A_156] : memref<128x128xf32, #tpu.memory_space<vmem>>, vector<1x128xf32>
    %add3A_158 = arith.constant 0 : i32
    %add3A_159 = arith.addi %add3A_158, %get3A_154 : i32
    %swap3A_160 = arith.index_cast %add3A_159 : i32 to index
    %swap3A_161 = arith.constant 0 : index
    %swap3A_162 = vector.load %arg5[%swap3A_160, %swap3A_161] : memref<16384x128xf32, #tpu.memory_space<vmem>>, vector<1x128xf32>
    tpu.vector_store %arg5[%swap3A_160, %swap3A_161], %get3A_157 {strides = array<i32>} : memref<16384x128xf32, #tpu.memory_space<vmem>>, vector<1x128xf32>,
    %get3A_163 = arith.constant 0 : index
    %get3A_164 = memref.load %arg4[%get3A_163] : memref<16xi32, #tpu.memory_space<smem>>
    %get3A_165 = arith.constant 16 : index
    %get3A_166 = arith.constant 0 : index
    %get3A_167 = vector.load %arg3[%get3A_165, %get3A_166] : memref<128x128xf32, #tpu.memory_space<vmem>>, vector<1x128xf32>
    %add3A_168 = arith.constant 2048 : i32
    %add3A_169 = arith.addi %add3A_168, %get3A_164 : i32
    %swap3A_170 = arith.index_cast %add3A_169 : i32 to index
    %swap3A_171 = arith.constant 0 : index
    %swap3A_172 = vector.load %arg5[%swap3A_170, %swap3A_171] : memref<16384x128xf32, #tpu.memory_space<vmem>>, vector<1x128xf32>
    tpu.vector_store %arg5[%swap3A_170, %swap3A_171], %get3A_167 {strides = array<i32>} : memref<16384x128xf32, #tpu.memory_space<vmem>>, vector<1x128xf32>,
    %get3A_173 = arith.constant 1 : index
    %get3A_174 = memref.load %arg4[%get3A_173] : memref<16xi32, #tpu.memory_space<smem>>
    %get3A_175 = arith.constant 17 : index
    %get3A_176 = arith.constant 0 : index
    %get3A_177 = vector.load %arg3[%get3A_175, %get3A_176] : memref<128x128xf32, #tpu.memory_space<vmem>>, vector<1x128xf32>
    %add3A_178 = arith.constant 2048 : i32
    %add3A_179 = arith.addi %add3A_178, %get3A_174 : i32
    %swap3A_180 = arith.index_cast %add3A_179 : i32 to index
    %swap3A_181 = arith.constant 0 : index
    %swap3A_182 = vector.load %arg5[%swap3A_180, %swap3A_181] : memref<16384x128xf32, #tpu.memory_space<vmem>>, vector<1x128xf32>
    tpu.vector_store %arg5[%swap3A_180, %swap3A_181], %get3A_177 {strides = array<i32>} : memref<16384x128xf32, #tpu.memory_space<vmem>>, vector<1x128xf32>,
    %get3A_183 = arith.constant 2 : index
    %get3A_184 = memref.load %arg4[%get3A_183] : memref<16xi32, #tpu.memory_space<smem>>
    %get3A_185 = arith.constant 18 : index
    %get3A_186 = arith.constant 0 : index
    %get3A_187 = vector.load %arg3[%get3A_185, %get3A_186] : memref<128x128xf32, #tpu.memory_space<vmem>>, vector<1x128xf32>
    %add3A_188 = arith.constant 2048 : i32
    %add3A_189 = arith.addi %add3A_188, %get3A_184 : i32
    %swap3A_190 = arith.index_cast %add3A_189 : i32 to index
    %swap3A_191 = arith.constant 0 : index
    %swap3A_192 = vector.load %arg5[%swap3A_190, %swap3A_191] : memref<16384x128xf32, #tpu.memory_space<vmem>>, vector<1x128xf32>
    tpu.vector_store %arg5[%swap3A_190, %swap3A_191], %get3A_187 {strides = array<i32>} : memref<16384x128xf32, #tpu.memory_space<vmem>>, vector<1x128xf32>,
    %get3A_193 = arith.constant 3 : index
    %get3A_194 = memref.load %arg4[%get3A_193] : memref<16xi32, #tpu.memory_space<smem>>
    %get3A_195 = arith.constant 19 : index
    %get3A_196 = arith.constant 0 : index
    %get3A_197 = vector.load %arg3[%get3A_195, %get3A_196] : memref<128x128xf32, #tpu.memory_space<vmem>>, vector<1x128xf32>
    %add3A_198 = arith.constant 2048 : i32
    %add3A_199 = arith.addi %add3A_198, %get3A_194 : i32
    %swap3A_200 = arith.index_cast %add3A_199 : i32 to index
    %swap3A_201 = arith.constant 0 : index
    %swap3A_202 = vector.load %arg5[%swap3A_200, %swap3A_201] : memref<16384x128xf32, #tpu.memory_space<vmem>>, vector<1x128xf32>
    tpu.vector_store %arg5[%swap3A_200, %swap3A_201], %get3A_197 {strides = array<i32>} : memref<16384x128xf32, #tpu.memory_space<vmem>>, vector<1x128xf32>,
    %get3A_203 = arith.constant 4 : index
    %get3A_204 = memref.load %arg4[%get3A_203] : memref<16xi32, #tpu.memory_space<smem>>
    %get3A_205 = arith.constant 20 : index
    %get3A_206 = arith.constant 0 : index
    %get3A_207 = vector.load %arg3[%get3A_205, %get3A_206] : memref<128x128xf32, #tpu.memory_space<vmem>>, vector<1x128xf32>
    %add3A_208 = arith.constant 2048 : i32
    %add3A_209 = arith.addi %add3A_208, %get3A_204 : i32
    %swap3A_210 = arith.index_cast %add3A_209 : i32 to index
    %swap3A_211 = arith.constant 0 : index
    %swap3A_212 = vector.load %arg5[%swap3A_210, %swap3A_211] : memref<16384x128xf32, #tpu.memory_space<vmem>>, vector<1x128xf32>
    tpu.vector_store %arg5[%swap3A_210, %swap3A_211], %get3A_207 {strides = array<i32>} : memref<16384x128xf32, #tpu.memory_space<vmem>>, vector<1x128xf32>,
    %get3A_213 = arith.constant 5 : index
    %get3A_214 = memref.load %arg4[%get3A_213] : memref<16xi32, #tpu.memory_space<smem>>
    %get3A_215 = arith.constant 21 : index
    %get3A_216 = arith.constant 0 : index
    %get3A_217 = vector.load %arg3[%get3A_215, %get3A_216] : memref<128x128xf32, #tpu.memory_space<vmem>>, vector<1x128xf32>
    %add3A_218 = arith.constant 2048 : i32
    %add3A_219 = arith.addi %add3A_218, %get3A_214 : i32
    %swap3A_220 = arith.index_cast %add3A_219 : i32 to index
    %swap3A_221 = arith.constant 0 : index
    %swap3A_222 = vector.load %arg5[%swap3A_220, %swap3A_221] : memref<16384x128xf32, #tpu.memory_space<vmem>>, vector<1x128xf32>
    tpu.vector_store %arg5[%swap3A_220, %swap3A_221], %get3A_217 {strides = array<i32>} : memref<16384x128xf32, #tpu.memory_space<vmem>>, vector<1x128xf32>,
    %get3A_223 = arith.constant 6 : index
    %get3A_224 = memref.load %arg4[%get3A_223] : memref<16xi32, #tpu.memory_space<smem>>
    %get3A_225 = arith.constant 22 : index
    %get3A_226 = arith.constant 0 : index
    %get3A_227 = vector.load %arg3[%get3A_225, %get3A_226] : memref<128x128xf32, #tpu.memory_space<vmem>>, vector<1x128xf32>
    %add3A_228 = arith.constant 2048 : i32
    %add3A_229 = arith.addi %add3A_228, %get3A_224 : i32
    %swap3A_230 = arith.index_cast %add3A_229 : i32 to index
    %swap3A_231 = arith.constant 0 : index
    %swap3A_232 = vector.load %arg5[%swap3A_230, %swap3A_231] : memref<16384x128xf32, #tpu.memory_space<vmem>>, vector<1x128xf32>
    tpu.vector_store %arg5[%swap3A_230, %swap3A_231], %get3A_227 {strides = array<i32>} : memref<16384x128xf32, #tpu.memory_space<vmem>>, vector<1x128xf32>,
    %get3A_233 = arith.constant 7 : index
    %get3A_234 = memref.load %arg4[%get3A_233] : memref<16xi32, #tpu.memory_space<smem>>
    %get3A_235 = arith.constant 23 : index
    %get3A_236 = arith.constant 0 : index
    %get3A_237 = vector.load %arg3[%get3A_235, %get3A_236] : memref<128x128xf32, #tpu.memory_space<vmem>>, vector<1x128xf32>
    %add3A_238 = arith.constant 2048 : i32
    %add3A_239 = arith.addi %add3A_238, %get3A_234 : i32
    %swap3A_240 = arith.index_cast %add3A_239 : i32 to index
    %swap3A_241 = arith.constant 0 : index
    %swap3A_242 = vector.load %arg5[%swap3A_240, %swap3A_241] : memref<16384x128xf32, #tpu.memory_space<vmem>>, vector<1x128xf32>
    tpu.vector_store %arg5[%swap3A_240, %swap3A_241], %get3A_237 {strides = array<i32>} : memref<16384x128xf32, #tpu.memory_space<vmem>>, vector<1x128xf32>,
    %get3A_243 = arith.constant 8 : index
    %get3A_244 = memref.load %arg4[%get3A_243] : memref<16xi32, #tpu.memory_space<smem>>
    %get3A_245 = arith.constant 24 : index
    %get3A_246 = arith.constant 0 : index
    %get3A_247 = vector.load %arg3[%get3A_245, %get3A_246] : memref<128x128xf32, #tpu.memory_space<vmem>>, vector<1x128xf32>
    %add3A_248 = arith.constant 2048 : i32
    %add3A_249 = arith.addi %add3A_248, %get3A_244 : i32
    %swap3A_250 = arith.index_cast %add3A_249 : i32 to index
    %swap3A_251 = arith.constant 0 : index
    %swap3A_252 = vector.load %arg5[%swap3A_250, %swap3A_251] : memref<16384x128xf32, #tpu.memory_space<vmem>>, vector<1x128xf32>
    tpu.vector_store %arg5[%swap3A_250, %swap3A_251], %get3A_247 {strides = array<i32>} : memref<16384x128xf32, #tpu.memory_space<vmem>>, vector<1x128xf32>,
    %get3A_253 = arith.constant 9 : index
    %get3A_254 = memref.load %arg4[%get3A_253] : memref<16xi32, #tpu.memory_space<smem>>
    %get3A_255 = arith.constant 25 : index
    %get3A_256 = arith.constant 0 : index
    %get3A_257 = vector.load %arg3[%get3A_255, %get3A_256] : memref<128x128xf32, #tpu.memory_space<vmem>>, vector<1x128xf32>
    %add3A_258 = arith.constant 2048 : i32
    %add3A_259 = arith.addi %add3A_258, %get3A_254 : i32
    %swap3A_260 = arith.index_cast %add3A_259 : i32 to index
    %swap3A_261 = arith.constant 0 : index
    %swap3A_262 = vector.load %arg5[%swap3A_260, %swap3A_261] : memref<16384x128xf32, #tpu.memory_space<vmem>>, vector<1x128xf32>
    tpu.vector_store %arg5[%swap3A_260, %swap3A_261], %get3A_257 {strides = array<i32>} : memref<16384x128xf32, #tpu.memory_space<vmem>>, vector<1x128xf32>,
    %get3A_263 = arith.constant 10 : index
    %get3A_264 = memref.load %arg4[%get3A_263] : memref<16xi32, #tpu.memory_space<smem>>
    %get3A_265 = arith.constant 26 : index
    %get3A_266 = arith.constant 0 : index
    %get3A_267 = vector.load %arg3[%get3A_265, %get3A_266] : memref<128x128xf32, #tpu.memory_space<vmem>>, vector<1x128xf32>
    %add3A_268 = arith.constant 2048 : i32
    %add3A_269 = arith.addi %add3A_268, %get3A_264 : i32
    %swap3A_270 = arith.index_cast %add3A_269 : i32 to index
    %swap3A_271 = arith.constant 0 : index
    %swap3A_272 = vector.load %arg5[%swap3A_270, %swap3A_271] : memref<16384x128xf32, #tpu.memory_space<vmem>>, vector<1x128xf32>
    tpu.vector_store %arg5[%swap3A_270, %swap3A_271], %get3A_267 {strides = array<i32>} : memref<16384x128xf32, #tpu.memory_space<vmem>>, vector<1x128xf32>,
    %get3A_273 = arith.constant 11 : index
    %get3A_274 = memref.load %arg4[%get3A_273] : memref<16xi32, #tpu.memory_space<smem>>
    %get3A_275 = arith.constant 27 : index
    %get3A_276 = arith.constant 0 : index
    %get3A_277 = vector.load %arg3[%get3A_275, %get3A_276] : memref<128x128xf32, #tpu.memory_space<vmem>>, vector<1x128xf32>
    %add3A_278 = arith.constant 2048 : i32
    %add3A_279 = arith.addi %add3A_278, %get3A_274 : i32
    %swap3A_280 = arith.index_cast %add3A_279 : i32 to index
    %swap3A_281 = arith.constant 0 : index
    %swap3A_282 = vector.load %arg5[%swap3A_280, %swap3A_281] : memref<16384x128xf32, #tpu.memory_space<vmem>>, vector<1x128xf32>
    tpu.vector_store %arg5[%swap3A_280, %swap3A_281], %get3A_277 {strides = array<i32>} : memref<16384x128xf32, #tpu.memory_space<vmem>>, vector<1x128xf32>,
    %get3A_283 = arith.constant 12 : index
    %get3A_284 = memref.load %arg4[%get3A_283] : memref<16xi32, #tpu.memory_space<smem>>
    %get3A_285 = arith.constant 28 : index
    %get3A_286 = arith.constant 0 : index
    %get3A_287 = vector.load %arg3[%get3A_285, %get3A_286] : memref<128x128xf32, #tpu.memory_space<vmem>>, vector<1x128xf32>
    %add3A_288 = arith.constant 2048 : i32
    %add3A_289 = arith.addi %add3A_288, %get3A_284 : i32
    %swap3A_290 = arith.index_cast %add3A_289 : i32 to index
    %swap3A_291 = arith.constant 0 : index
    %swap3A_292 = vector.load %arg5[%swap3A_290, %swap3A_291] : memref<16384x128xf32, #tpu.memory_space<vmem>>, vector<1x128xf32>
    tpu.vector_store %arg5[%swap3A_290, %swap3A_291], %get3A_287 {strides = array<i32>} : memref<16384x128xf32, #tpu.memory_space<vmem>>, vector<1x128xf32>,
    %get3A_293 = arith.constant 13 : index
    %get3A_294 = memref.load %arg4[%get3A_293] : memref<16xi32, #tpu.memory_space<smem>>
    %get3A_295 = arith.constant 29 : index
    %get3A_296 = arith.constant 0 : index
    %get3A_297 = vector.load %arg3[%get3A_295, %get3A_296] : memref<128x128xf32, #tpu.memory_space<vmem>>, vector<1x128xf32>
    %add3A_298 = arith.constant 2048 : i32
    %add3A_299 = arith.addi %add3A_298, %get3A_294 : i32
    %swap3A_300 = arith.index_cast %add3A_299 : i32 to index
    %swap3A_301 = arith.constant 0 : index
    %swap3A_302 = vector.load %arg5[%swap3A_300, %swap3A_301] : memref<16384x128xf32, #tpu.memory_space<vmem>>, vector<1x128xf32>
    tpu.vector_store %arg5[%swap3A_300, %swap3A_301], %get3A_297 {strides = array<i32>} : memref<16384x128xf32, #tpu.memory_space<vmem>>, vector<1x128xf32>,
    %get3A_303 = arith.constant 14 : index
    %get3A_304 = memref.load %arg4[%get3A_303] : memref<16xi32, #tpu.memory_space<smem>>
    %get3A_305 = arith.constant 30 : index
    %get3A_306 = arith.constant 0 : index
    %get3A_307 = vector.load %arg3[%get3A_305, %get3A_306] : memref<128x128xf32, #tpu.memory_space<vmem>>, vector<1x128xf32>
    %add3A_308 = arith.constant 2048 : i32
    %add3A_309 = arith.addi %add3A_308, %get3A_304 : i32
    %swap3A_310 = arith.index_cast %add3A_309 : i32 to index
    %swap3A_311 = arith.constant 0 : index
    %swap3A_312 = vector.load %arg5[%swap3A_310, %swap3A_311] : memref<16384x128xf32, #tpu.memory_space<vmem>>, vector<1x128xf32>
    tpu.vector_store %arg5[%swap3A_310, %swap3A_311], %get3A_307 {strides = array<i32>} : memref<16384x128xf32, #tpu.memory_space<vmem>>, vector<1x128xf32>,
    %get3A_313 = arith.constant 15 : index
    %get3A_314 = memref.load %arg4[%get3A_313] : memref<16xi32, #tpu.memory_space<smem>>
    %get3A_315 = arith.constant 31 : index
    %get3A_316 = arith.constant 0 : index
    %get3A_317 = vector.load %arg3[%get3A_315, %get3A_316] : memref<128x128xf32, #tpu.memory_space<vmem>>, vector<1x128xf32>
    %add3A_318 = arith.constant 2048 : i32
    %add3A_319 = arith.addi %add3A_318, %get3A_314 : i32
    %swap3A_320 = arith.index_cast %add3A_319 : i32 to index
    %swap3A_321 = arith.constant 0 : index
    %swap3A_322 = vector.load %arg5[%swap3A_320, %swap3A_321] : memref<16384x128xf32, #tpu.memory_space<vmem>>, vector<1x128xf32>
    tpu.vector_store %arg5[%swap3A_320, %swap3A_321], %get3A_317 {strides = array<i32>} : memref<16384x128xf32, #tpu.memory_space<vmem>>, vector<1x128xf32>,
    %get3A_323 = arith.constant 0 : index
    %get3A_324 = memref.load %arg4[%get3A_323] : memref<16xi32, #tpu.memory_space<smem>>
    %get3A_325 = arith.constant 32 : index
    %get3A_326 = arith.constant 0 : index
    %get3A_327 = vector.load %arg3[%get3A_325, %get3A_326] : memref<128x128xf32, #tpu.memory_space<vmem>>, vector<1x128xf32>
    %add3A_328 = arith.constant 4096 : i32
    %add3A_329 = arith.addi %add3A_328, %get3A_324 : i32
    %swap3A_330 = arith.index_cast %add3A_329 : i32 to index
    %swap3A_331 = arith.constant 0 : index
    %swap3A_332 = vector.load %arg5[%swap3A_330, %swap3A_331] : memref<16384x128xf32, #tpu.memory_space<vmem>>, vector<1x128xf32>
    tpu.vector_store %arg5[%swap3A_330, %swap3A_331], %get3A_327 {strides = array<i32>} : memref<16384x128xf32, #tpu.memory_space<vmem>>, vector<1x128xf32>,
    %get3A_333 = arith.constant 1 : index
    %get3A_334 = memref.load %arg4[%get3A_333] : memref<16xi32, #tpu.memory_space<smem>>
    %get3A_335 = arith.constant 33 : index
    %get3A_336 = arith.constant 0 : index
    %get3A_337 = vector.load %arg3[%get3A_335, %get3A_336] : memref<128x128xf32, #tpu.memory_space<vmem>>, vector<1x128xf32>
    %add3A_338 = arith.constant 4096 : i32
    %add3A_339 = arith.addi %add3A_338, %get3A_334 : i32
    %swap3A_340 = arith.index_cast %add3A_339 : i32 to index
    %swap3A_341 = arith.constant 0 : index
    %swap3A_342 = vector.load %arg5[%swap3A_340, %swap3A_341] : memref<16384x128xf32, #tpu.memory_space<vmem>>, vector<1x128xf32>
    tpu.vector_store %arg5[%swap3A_340, %swap3A_341], %get3A_337 {strides = array<i32>} : memref<16384x128xf32, #tpu.memory_space<vmem>>, vector<1x128xf32>,
    %get3A_343 = arith.constant 2 : index
    %get3A_344 = memref.load %arg4[%get3A_343] : memref<16xi32, #tpu.memory_space<smem>>
    %get3A_345 = arith.constant 34 : index
    %get3A_346 = arith.constant 0 : index
    %get3A_347 = vector.load %arg3[%get3A_345, %get3A_346] : memref<128x128xf32, #tpu.memory_space<vmem>>, vector<1x128xf32>
    %add3A_348 = arith.constant 4096 : i32
    %add3A_349 = arith.addi %add3A_348, %get3A_344 : i32
    %swap3A_350 = arith.index_cast %add3A_349 : i32 to index
    %swap3A_351 = arith.constant 0 : index
    %swap3A_352 = vector.load %arg5[%swap3A_350, %swap3A_351] : memref<16384x128xf32, #tpu.memory_space<vmem>>, vector<1x128xf32>
    tpu.vector_store %arg5[%swap3A_350, %swap3A_351], %get3A_347 {strides = array<i32>} : memref<16384x128xf32, #tpu.memory_space<vmem>>, vector<1x128xf32>,
    %get3A_353 = arith.constant 3 : index
    %get3A_354 = memref.load %arg4[%get3A_353] : memref<16xi32, #tpu.memory_space<smem>>
    %get3A_355 = arith.constant 35 : index
    %get3A_356 = arith.constant 0 : index
    %get3A_357 = vector.load %arg3[%get3A_355, %get3A_356] : memref<128x128xf32, #tpu.memory_space<vmem>>, vector<1x128xf32>
    %add3A_358 = arith.constant 4096 : i32
    %add3A_359 = arith.addi %add3A_358, %get3A_354 : i32
    %swap3A_360 = arith.index_cast %add3A_359 : i32 to index
    %swap3A_361 = arith.constant 0 : index
    %swap3A_362 = vector.load %arg5[%swap3A_360, %swap3A_361] : memref<16384x128xf32, #tpu.memory_space<vmem>>, vector<1x128xf32>
    tpu.vector_store %arg5[%swap3A_360, %swap3A_361], %get3A_357 {strides = array<i32>} : memref<16384x128xf32, #tpu.memory_space<vmem>>, vector<1x128xf32>,
    %get3A_363 = arith.constant 4 : index
    %get3A_364 = memref.load %arg4[%get3A_363] : memref<16xi32, #tpu.memory_space<smem>>
    %get3A_365 = arith.constant 36 : index
    %get3A_366 = arith.constant 0 : index
    %get3A_367 = vector.load %arg3[%get3A_365, %get3A_366] : memref<128x128xf32, #tpu.memory_space<vmem>>, vector<1x128xf32>
    %add3A_368 = arith.constant 4096 : i32
    %add3A_369 = arith.addi %add3A_368, %get3A_364 : i32
    %swap3A_370 = arith.index_cast %add3A_369 : i32 to index
    %swap3A_371 = arith.constant 0 : index
    %swap3A_372 = vector.load %arg5[%swap3A_370, %swap3A_371] : memref<16384x128xf32, #tpu.memory_space<vmem>>, vector<1x128xf32>
    tpu.vector_store %arg5[%swap3A_370, %swap3A_371], %get3A_367 {strides = array<i32>} : memref<16384x128xf32, #tpu.memory_space<vmem>>, vector<1x128xf32>,
    %get3A_373 = arith.constant 5 : index
    %get3A_374 = memref.load %arg4[%get3A_373] : memref<16xi32, #tpu.memory_space<smem>>
    %get3A_375 = arith.constant 37 : index
    %get3A_376 = arith.constant 0 : index
    %get3A_377 = vector.load %arg3[%get3A_375, %get3A_376] : memref<128x128xf32, #tpu.memory_space<vmem>>, vector<1x128xf32>
    %add3A_378 = arith.constant 4096 : i32
    %add3A_379 = arith.addi %add3A_378, %get3A_374 : i32
    %swap3A_380 = arith.index_cast %add3A_379 : i32 to index
    %swap3A_381 = arith.constant 0 : index
    %swap3A_382 = vector.load %arg5[%swap3A_380, %swap3A_381] : memref<16384x128xf32, #tpu.memory_space<vmem>>, vector<1x128xf32>
    tpu.vector_store %arg5[%swap3A_380, %swap3A_381], %get3A_377 {strides = array<i32>} : memref<16384x128xf32, #tpu.memory_space<vmem>>, vector<1x128xf32>,
    %get3A_383 = arith.constant 6 : index
    %get3A_384 = memref.load %arg4[%get3A_383] : memref<16xi32, #tpu.memory_space<smem>>
    %get3A_385 = arith.constant 38 : index
    %get3A_386 = arith.constant 0 : index
    %get3A_387 = vector.load %arg3[%get3A_385, %get3A_386] : memref<128x128xf32, #tpu.memory_space<vmem>>, vector<1x128xf32>
    %add3A_388 = arith.constant 4096 : i32
    %add3A_389 = arith.addi %add3A_388, %get3A_384 : i32
    %swap3A_390 = arith.index_cast %add3A_389 : i32 to index
    %swap3A_391 = arith.constant 0 : index
    %swap3A_392 = vector.load %arg5[%swap3A_390, %swap3A_391] : memref<16384x128xf32, #tpu.memory_space<vmem>>, vector<1x128xf32>
    tpu.vector_store %arg5[%swap3A_390, %swap3A_391], %get3A_387 {strides = array<i32>} : memref<16384x128xf32, #tpu.memory_space<vmem>>, vector<1x128xf32>,
    %get3A_393 = arith.constant 7 : index
    %get3A_394 = memref.load %arg4[%get3A_393] : memref<16xi32, #tpu.memory_space<smem>>
    %get3A_395 = arith.constant 39 : index
    %get3A_396 = arith.constant 0 : index
    %get3A_397 = vector.load %arg3[%get3A_395, %get3A_396] : memref<128x128xf32, #tpu.memory_space<vmem>>, vector<1x128xf32>
    %add3A_398 = arith.constant 4096 : i32
    %add3A_399 = arith.addi %add3A_398, %get3A_394 : i32
    %swap3A_400 = arith.index_cast %add3A_399 : i32 to index
    %swap3A_401 = arith.constant 0 : index
    %swap3A_402 = vector.load %arg5[%swap3A_400, %swap3A_401] : memref<16384x128xf32, #tpu.memory_space<vmem>>, vector<1x128xf32>
    tpu.vector_store %arg5[%swap3A_400, %swap3A_401], %get3A_397 {strides = array<i32>} : memref<16384x128xf32, #tpu.memory_space<vmem>>, vector<1x128xf32>,
    %get3A_403 = arith.constant 8 : index
    %get3A_404 = memref.load %arg4[%get3A_403] : memref<16xi32, #tpu.memory_space<smem>>
    %get3A_405 = arith.constant 40 : index
    %get3A_406 = arith.constant 0 : index
    %get3A_407 = vector.load %arg3[%get3A_405, %get3A_406] : memref<128x128xf32, #tpu.memory_space<vmem>>, vector<1x128xf32>
    %add3A_408 = arith.constant 4096 : i32
    %add3A_409 = arith.addi %add3A_408, %get3A_404 : i32
    %swap3A_410 = arith.index_cast %add3A_409 : i32 to index
    %swap3A_411 = arith.constant 0 : index
    %swap3A_412 = vector.load %arg5[%swap3A_410, %swap3A_411] : memref<16384x128xf32, #tpu.memory_space<vmem>>, vector<1x128xf32>
    tpu.vector_store %arg5[%swap3A_410, %swap3A_411], %get3A_407 {strides = array<i32>} : memref<16384x128xf32, #tpu.memory_space<vmem>>, vector<1x128xf32>,
    %get3A_413 = arith.constant 9 : index
    %get3A_414 = memref.load %arg4[%get3A_413] : memref<16xi32, #tpu.memory_space<smem>>
    %get3A_415 = arith.constant 41 : index
    %get3A_416 = arith.constant 0 : index
    %get3A_417 = vector.load %arg3[%get3A_415, %get3A_416] : memref<128x128xf32, #tpu.memory_space<vmem>>, vector<1x128xf32>
    %add3A_418 = arith.constant 4096 : i32
    %add3A_419 = arith.addi %add3A_418, %get3A_414 : i32
    %swap3A_420 = arith.index_cast %add3A_419 : i32 to index
    %swap3A_421 = arith.constant 0 : index
    %swap3A_422 = vector.load %arg5[%swap3A_420, %swap3A_421] : memref<16384x128xf32, #tpu.memory_space<vmem>>, vector<1x128xf32>
    tpu.vector_store %arg5[%swap3A_420, %swap3A_421], %get3A_417 {strides = array<i32>} : memref<16384x128xf32, #tpu.memory_space<vmem>>, vector<1x128xf32>,
    %get3A_423 = arith.constant 10 : index
    %get3A_424 = memref.load %arg4[%get3A_423] : memref<16xi32, #tpu.memory_space<smem>>
    %get3A_425 = arith.constant 42 : index
    %get3A_426 = arith.constant 0 : index
    %get3A_427 = vector.load %arg3[%get3A_425, %get3A_426] : memref<128x128xf32, #tpu.memory_space<vmem>>, vector<1x128xf32>
    %add3A_428 = arith.constant 4096 : i32
    %add3A_429 = arith.addi %add3A_428, %get3A_424 : i32
    %swap3A_430 = arith.index_cast %add3A_429 : i32 to index
    %swap3A_431 = arith.constant 0 : index
    %swap3A_432 = vector.load %arg5[%swap3A_430, %swap3A_431] : memref<16384x128xf32, #tpu.memory_space<vmem>>, vector<1x128xf32>
    tpu.vector_store %arg5[%swap3A_430, %swap3A_431], %get3A_427 {strides = array<i32>} : memref<16384x128xf32, #tpu.memory_space<vmem>>, vector<1x128xf32>,
    %get3A_433 = arith.constant 11 : index
    %get3A_434 = memref.load %arg4[%get3A_433] : memref<16xi32, #tpu.memory_space<smem>>
    %get3A_435 = arith.constant 43 : index
    %get3A_436 = arith.constant 0 : index
    %get3A_437 = vector.load %arg3[%get3A_435, %get3A_436] : memref<128x128xf32, #tpu.memory_space<vmem>>, vector<1x128xf32>
    %add3A_438 = arith.constant 4096 : i32
    %add3A_439 = arith.addi %add3A_438, %get3A_434 : i32
    %swap3A_440 = arith.index_cast %add3A_439 : i32 to index
    %swap3A_441 = arith.constant 0 : index
    %swap3A_442 = vector.load %arg5[%swap3A_440, %swap3A_441] : memref<16384x128xf32, #tpu.memory_space<vmem>>, vector<1x128xf32>
    tpu.vector_store %arg5[%swap3A_440, %swap3A_441], %get3A_437 {strides = array<i32>} : memref<16384x128xf32, #tpu.memory_space<vmem>>, vector<1x128xf32>,
    %get3A_443 = arith.constant 12 : index
    %get3A_444 = memref.load %arg4[%get3A_443] : memref<16xi32, #tpu.memory_space<smem>>
    %get3A_445 = arith.constant 44 : index
    %get3A_446 = arith.constant 0 : index
    %get3A_447 = vector.load %arg3[%get3A_445, %get3A_446] : memref<128x128xf32, #tpu.memory_space<vmem>>, vector<1x128xf32>
    %add3A_448 = arith.constant 4096 : i32
    %add3A_449 = arith.addi %add3A_448, %get3A_444 : i32
    %swap3A_450 = arith.index_cast %add3A_449 : i32 to index
    %swap3A_451 = arith.constant 0 : index
    %swap3A_452 = vector.load %arg5[%swap3A_450, %swap3A_451] : memref<16384x128xf32, #tpu.memory_space<vmem>>, vector<1x128xf32>
    tpu.vector_store %arg5[%swap3A_450, %swap3A_451], %get3A_447 {strides = array<i32>} : memref<16384x128xf32, #tpu.memory_space<vmem>>, vector<1x128xf32>,
    %get3A_453 = arith.constant 13 : index
    %get3A_454 = memref.load %arg4[%get3A_453] : memref<16xi32, #tpu.memory_space<smem>>
    %get3A_455 = arith.constant 45 : index
    %get3A_456 = arith.constant 0 : index
    %get3A_457 = vector.load %arg3[%get3A_455, %get3A_456] : memref<128x128xf32, #tpu.memory_space<vmem>>, vector<1x128xf32>
    %add3A_458 = arith.constant 4096 : i32
    %add3A_459 = arith.addi %add3A_458, %get3A_454 : i32
    %swap3A_460 = arith.index_cast %add3A_459 : i32 to index
    %swap3A_461 = arith.constant 0 : index
    %swap3A_462 = vector.load %arg5[%swap3A_460, %swap3A_461] : memref<16384x128xf32, #tpu.memory_space<vmem>>, vector<1x128xf32>
    tpu.vector_store %arg5[%swap3A_460, %swap3A_461], %get3A_457 {strides = array<i32>} : memref<16384x128xf32, #tpu.memory_space<vmem>>, vector<1x128xf32>,
    %get3A_463 = arith.constant 14 : index
    %get3A_464 = memref.load %arg4[%get3A_463] : memref<16xi32, #tpu.memory_space<smem>>
    %get3A_465 = arith.constant 46 : index
    %get3A_466 = arith.constant 0 : index
    %get3A_467 = vector.load %arg3[%get3A_465, %get3A_466] : memref<128x128xf32, #tpu.memory_space<vmem>>, vector<1x128xf32>
    %add3A_468 = arith.constant 4096 : i32
    %add3A_469 = arith.addi %add3A_468, %get3A_464 : i32
    %swap3A_470 = arith.index_cast %add3A_469 : i32 to index
    %swap3A_471 = arith.constant 0 : index
    %swap3A_472 = vector.load %arg5[%swap3A_470, %swap3A_471] : memref<16384x128xf32, #tpu.memory_space<vmem>>, vector<1x128xf32>
    tpu.vector_store %arg5[%swap3A_470, %swap3A_471], %get3A_467 {strides = array<i32>} : memref<16384x128xf32, #tpu.memory_space<vmem>>, vector<1x128xf32>,
    %get3A_473 = arith.constant 15 : index
    %get3A_474 = memref.load %arg4[%get3A_473] : memref<16xi32, #tpu.memory_space<smem>>
    %get3A_475 = arith.constant 47 : index
    %get3A_476 = arith.constant 0 : index
    %get3A_477 = vector.load %arg3[%get3A_475, %get3A_476] : memref<128x128xf32, #tpu.memory_space<vmem>>, vector<1x128xf32>
    %add3A_478 = arith.constant 4096 : i32
    %add3A_479 = arith.addi %add3A_478, %get3A_474 : i32
    %swap3A_480 = arith.index_cast %add3A_479 : i32 to index
    %swap3A_481 = arith.constant 0 : index
    %swap3A_482 = vector.load %arg5[%swap3A_480, %swap3A_481] : memref<16384x128xf32, #tpu.memory_space<vmem>>, vector<1x128xf32>
    tpu.vector_store %arg5[%swap3A_480, %swap3A_481], %get3A_477 {strides = array<i32>} : memref<16384x128xf32, #tpu.memory_space<vmem>>, vector<1x128xf32>,
    %get3A_483 = arith.constant 0 : index
    %get3A_484 = memref.load %arg4[%get3A_483] : memref<16xi32, #tpu.memory_space<smem>>
    %get3A_485 = arith.constant 48 : index
    %get3A_486 = arith.constant 0 : index
    %get3A_487 = vector.load %arg3[%get3A_485, %get3A_486] : memref<128x128xf32, #tpu.memory_space<vmem>>, vector<1x128xf32>
    %add3A_488 = arith.constant 6144 : i32
    %add3A_489 = arith.addi %add3A_488, %get3A_484 : i32
    %swap3A_490 = arith.index_cast %add3A_489 : i32 to index
    %swap3A_491 = arith.constant 0 : index
    %swap3A_492 = vector.load %arg5[%swap3A_490, %swap3A_491] : memref<16384x128xf32, #tpu.memory_space<vmem>>, vector<1x128xf32>
    tpu.vector_store %arg5[%swap3A_490, %swap3A_491], %get3A_487 {strides = array<i32>} : memref<16384x128xf32, #tpu.memory_space<vmem>>, vector<1x128xf32>,
    %get3A_493 = arith.constant 1 : index
    %get3A_494 = memref.load %arg4[%get3A_493] : memref<16xi32, #tpu.memory_space<smem>>
    %get3A_495 = arith.constant 49 : index
    %get3A_496 = arith.constant 0 : index
    %get3A_497 = vector.load %arg3[%get3A_495, %get3A_496] : memref<128x128xf32, #tpu.memory_space<vmem>>, vector<1x128xf32>
    %add3A_498 = arith.constant 6144 : i32
    %add3A_499 = arith.addi %add3A_498, %get3A_494 : i32
    %swap3A_500 = arith.index_cast %add3A_499 : i32 to index
    %swap3A_501 = arith.constant 0 : index
    %swap3A_502 = vector.load %arg5[%swap3A_500, %swap3A_501] : memref<16384x128xf32, #tpu.memory_space<vmem>>, vector<1x128xf32>
    tpu.vector_store %arg5[%swap3A_500, %swap3A_501], %get3A_497 {strides = array<i32>} : memref<16384x128xf32, #tpu.memory_space<vmem>>, vector<1x128xf32>,
    %get3A_503 = arith.constant 2 : index
    %get3A_504 = memref.load %arg4[%get3A_503] : memref<16xi32, #tpu.memory_space<smem>>
    %get3A_505 = arith.constant 50 : index
    %get3A_506 = arith.constant 0 : index
    %get3A_507 = vector.load %arg3[%get3A_505, %get3A_506] : memref<128x128xf32, #tpu.memory_space<vmem>>, vector<1x128xf32>
    %add3A_508 = arith.constant 6144 : i32
    %add3A_509 = arith.addi %add3A_508, %get3A_504 : i32
    %swap3A_510 = arith.index_cast %add3A_509 : i32 to index
    %swap3A_511 = arith.constant 0 : index
    %swap3A_512 = vector.load %arg5[%swap3A_510, %swap3A_511] : memref<16384x128xf32, #tpu.memory_space<vmem>>, vector<1x128xf32>
    tpu.vector_store %arg5[%swap3A_510, %swap3A_511], %get3A_507 {strides = array<i32>} : memref<16384x128xf32, #tpu.memory_space<vmem>>, vector<1x128xf32>,
    %get3A_513 = arith.constant 3 : index
    %get3A_514 = memref.load %arg4[%get3A_513] : memref<16xi32, #tpu.memory_space<smem>>
    %get3A_515 = arith.constant 51 : index
    %get3A_516 = arith.constant 0 : index
    %get3A_517 = vector.load %arg3[%get3A_515, %get3A_516] : memref<128x128xf32, #tpu.memory_space<vmem>>, vector<1x128xf32>
    %add3A_518 = arith.constant 6144 : i32
    %add3A_519 = arith.addi %add3A_518, %get3A_514 : i32
    %swap3A_520 = arith.index_cast %add3A_519 : i32 to index
    %swap3A_521 = arith.constant 0 : index
    %swap3A_522 = vector.load %arg5[%swap3A_520, %swap3A_521] : memref<16384x128xf32, #tpu.memory_space<vmem>>, vector<1x128xf32>
    tpu.vector_store %arg5[%swap3A_520, %swap3A_521], %get3A_517 {strides = array<i32>} : memref<16384x128xf32, #tpu.memory_space<vmem>>, vector<1x128xf32>,
    %get3A_523 = arith.constant 4 : index
    %get3A_524 = memref.load %arg4[%get3A_523] : memref<16xi32, #tpu.memory_space<smem>>
    %get3A_525 = arith.constant 52 : index
    %get3A_526 = arith.constant 0 : index
    %get3A_527 = vector.load %arg3[%get3A_525, %get3A_526] : memref<128x128xf32, #tpu.memory_space<vmem>>, vector<1x128xf32>
    %add3A_528 = arith.constant 6144 : i32
    %add3A_529 = arith.addi %add3A_528, %get3A_524 : i32
    %swap3A_530 = arith.index_cast %add3A_529 : i32 to index
    %swap3A_531 = arith.constant 0 : index
    %swap3A_532 = vector.load %arg5[%swap3A_530, %swap3A_531] : memref<16384x128xf32, #tpu.memory_space<vmem>>, vector<1x128xf32>
    tpu.vector_store %arg5[%swap3A_530, %swap3A_531], %get3A_527 {strides = array<i32>} : memref<16384x128xf32, #tpu.memory_space<vmem>>, vector<1x128xf32>,
    %get3A_533 = arith.constant 5 : index
    %get3A_534 = memref.load %arg4[%get3A_533] : memref<16xi32, #tpu.memory_space<smem>>
    %get3A_535 = arith.constant 53 : index
    %get3A_536 = arith.constant 0 : index
    %get3A_537 = vector.load %arg3[%get3A_535, %get3A_536] : memref<128x128xf32, #tpu.memory_space<vmem>>, vector<1x128xf32>
    %add3A_538 = arith.constant 6144 : i32
    %add3A_539 = arith.addi %add3A_538, %get3A_534 : i32
    %swap3A_540 = arith.index_cast %add3A_539 : i32 to index
    %swap3A_541 = arith.constant 0 : index
    %swap3A_542 = vector.load %arg5[%swap3A_540, %swap3A_541] : memref<16384x128xf32, #tpu.memory_space<vmem>>, vector<1x128xf32>
    tpu.vector_store %arg5[%swap3A_540, %swap3A_541], %get3A_537 {strides = array<i32>} : memref<16384x128xf32, #tpu.memory_space<vmem>>, vector<1x128xf32>,
    %get3A_543 = arith.constant 6 : index
    %get3A_544 = memref.load %arg4[%get3A_543] : memref<16xi32, #tpu.memory_space<smem>>
    %get3A_545 = arith.constant 54 : index
    %get3A_546 = arith.constant 0 : index
    %get3A_547 = vector.load %arg3[%get3A_545, %get3A_546] : memref<128x128xf32, #tpu.memory_space<vmem>>, vector<1x128xf32>
    %add3A_548 = arith.constant 6144 : i32
    %add3A_549 = arith.addi %add3A_548, %get3A_544 : i32
    %swap3A_550 = arith.index_cast %add3A_549 : i32 to index
    %swap3A_551 = arith.constant 0 : index
    %swap3A_552 = vector.load %arg5[%swap3A_550, %swap3A_551] : memref<16384x128xf32, #tpu.memory_space<vmem>>, vector<1x128xf32>
    tpu.vector_store %arg5[%swap3A_550, %swap3A_551], %get3A_547 {strides = array<i32>} : memref<16384x128xf32, #tpu.memory_space<vmem>>, vector<1x128xf32>,
    %get3A_553 = arith.constant 7 : index
    %get3A_554 = memref.load %arg4[%get3A_553] : memref<16xi32, #tpu.memory_space<smem>>
    %get3A_555 = arith.constant 55 : index
    %get3A_556 = arith.constant 0 : index
    %get3A_557 = vector.load %arg3[%get3A_555, %get3A_556] : memref<128x128xf32, #tpu.memory_space<vmem>>, vector<1x128xf32>
    %add3A_558 = arith.constant 6144 : i32
    %add3A_559 = arith.addi %add3A_558, %get3A_554 : i32
    %swap3A_560 = arith.index_cast %add3A_559 : i32 to index
    %swap3A_561 = arith.constant 0 : index
    %swap3A_562 = vector.load %arg5[%swap3A_560, %swap3A_561] : memref<16384x128xf32, #tpu.memory_space<vmem>>, vector<1x128xf32>
    tpu.vector_store %arg5[%swap3A_560, %swap3A_561], %get3A_557 {strides = array<i32>} : memref<16384x128xf32, #tpu.memory_space<vmem>>, vector<1x128xf32>,
    %get3A_563 = arith.constant 8 : index
    %get3A_564 = memref.load %arg4[%get3A_563] : memref<16xi32, #tpu.memory_space<smem>>
    %get3A_565 = arith.constant 56 : index
    %get3A_566 = arith.constant 0 : index
    %get3A_567 = vector.load %arg3[%get3A_565, %get3A_566] : memref<128x128xf32, #tpu.memory_space<vmem>>, vector<1x128xf32>
    %add3A_568 = arith.constant 6144 : i32
    %add3A_569 = arith.addi %add3A_568, %get3A_564 : i32
    %swap3A_570 = arith.index_cast %add3A_569 : i32 to index
    %swap3A_571 = arith.constant 0 : index
    %swap3A_572 = vector.load %arg5[%swap3A_570, %swap3A_571] : memref<16384x128xf32, #tpu.memory_space<vmem>>, vector<1x128xf32>
    tpu.vector_store %arg5[%swap3A_570, %swap3A_571], %get3A_567 {strides = array<i32>} : memref<16384x128xf32, #tpu.memory_space<vmem>>, vector<1x128xf32>,
    %get3A_573 = arith.constant 9 : index
    %get3A_574 = memref.load %arg4[%get3A_573] : memref<16xi32, #tpu.memory_space<smem>>
    %get3A_575 = arith.constant 57 : index
    %get3A_576 = arith.constant 0 : index
    %get3A_577 = vector.load %arg3[%get3A_575, %get3A_576] : memref<128x128xf32, #tpu.memory_space<vmem>>, vector<1x128xf32>
    %add3A_578 = arith.constant 6144 : i32
    %add3A_579 = arith.addi %add3A_578, %get3A_574 : i32
    %swap3A_580 = arith.index_cast %add3A_579 : i32 to index
    %swap3A_581 = arith.constant 0 : index
    %swap3A_582 = vector.load %arg5[%swap3A_580, %swap3A_581] : memref<16384x128xf32, #tpu.memory_space<vmem>>, vector<1x128xf32>
    tpu.vector_store %arg5[%swap3A_580, %swap3A_581], %get3A_577 {strides = array<i32>} : memref<16384x128xf32, #tpu.memory_space<vmem>>, vector<1x128xf32>,
    %get3A_583 = arith.constant 10 : index
    %get3A_584 = memref.load %arg4[%get3A_583] : memref<16xi32, #tpu.memory_space<smem>>
    %get3A_585 = arith.constant 58 : index
    %get3A_586 = arith.constant 0 : index
    %get3A_587 = vector.load %arg3[%get3A_585, %get3A_586] : memref<128x128xf32, #tpu.memory_space<vmem>>, vector<1x128xf32>
    %add3A_588 = arith.constant 6144 : i32
    %add3A_589 = arith.addi %add3A_588, %get3A_584 : i32
    %swap3A_590 = arith.index_cast %add3A_589 : i32 to index
    %swap3A_591 = arith.constant 0 : index
    %swap3A_592 = vector.load %arg5[%swap3A_590, %swap3A_591] : memref<16384x128xf32, #tpu.memory_space<vmem>>, vector<1x128xf32>
    tpu.vector_store %arg5[%swap3A_590, %swap3A_591], %get3A_587 {strides = array<i32>} : memref<16384x128xf32, #tpu.memory_space<vmem>>, vector<1x128xf32>,
    %get3A_593 = arith.constant 11 : index
    %get3A_594 = memref.load %arg4[%get3A_593] : memref<16xi32, #tpu.memory_space<smem>>
    %get3A_595 = arith.constant 59 : index
    %get3A_596 = arith.constant 0 : index
    %get3A_597 = vector.load %arg3[%get3A_595, %get3A_596] : memref<128x128xf32, #tpu.memory_space<vmem>>, vector<1x128xf32>
    %add3A_598 = arith.constant 6144 : i32
    %add3A_599 = arith.addi %add3A_598, %get3A_594 : i32
    %swap3A_600 = arith.index_cast %add3A_599 : i32 to index
    %swap3A_601 = arith.constant 0 : index
    %swap3A_602 = vector.load %arg5[%swap3A_600, %swap3A_601] : memref<16384x128xf32, #tpu.memory_space<vmem>>, vector<1x128xf32>
    tpu.vector_store %arg5[%swap3A_600, %swap3A_601], %get3A_597 {strides = array<i32>} : memref<16384x128xf32, #tpu.memory_space<vmem>>, vector<1x128xf32>,
    %get3A_603 = arith.constant 12 : index
    %get3A_604 = memref.load %arg4[%get3A_603] : memref<16xi32, #tpu.memory_space<smem>>
    %get3A_605 = arith.constant 60 : index
    %get3A_606 = arith.constant 0 : index
    %get3A_607 = vector.load %arg3[%get3A_605, %get3A_606] : memref<128x128xf32, #tpu.memory_space<vmem>>, vector<1x128xf32>
    %add3A_608 = arith.constant 6144 : i32
    %add3A_609 = arith.addi %add3A_608, %get3A_604 : i32
    %swap3A_610 = arith.index_cast %add3A_609 : i32 to index
    %swap3A_611 = arith.constant 0 : index
    %swap3A_612 = vector.load %arg5[%swap3A_610, %swap3A_611] : memref<16384x128xf32, #tpu.memory_space<vmem>>, vector<1x128xf32>
    tpu.vector_store %arg5[%swap3A_610, %swap3A_611], %get3A_607 {strides = array<i32>} : memref<16384x128xf32, #tpu.memory_space<vmem>>, vector<1x128xf32>,
    %get3A_613 = arith.constant 13 : index
    %get3A_614 = memref.load %arg4[%get3A_613] : memref<16xi32, #tpu.memory_space<smem>>
    %get3A_615 = arith.constant 61 : index
    %get3A_616 = arith.constant 0 : index
    %get3A_617 = vector.load %arg3[%get3A_615, %get3A_616] : memref<128x128xf32, #tpu.memory_space<vmem>>, vector<1x128xf32>
    %add3A_618 = arith.constant 6144 : i32
    %add3A_619 = arith.addi %add3A_618, %get3A_614 : i32
    %swap3A_620 = arith.index_cast %add3A_619 : i32 to index
    %swap3A_621 = arith.constant 0 : index
    %swap3A_622 = vector.load %arg5[%swap3A_620, %swap3A_621] : memref<16384x128xf32, #tpu.memory_space<vmem>>, vector<1x128xf32>
    tpu.vector_store %arg5[%swap3A_620, %swap3A_621], %get3A_617 {strides = array<i32>} : memref<16384x128xf32, #tpu.memory_space<vmem>>, vector<1x128xf32>,
    %get3A_623 = arith.constant 14 : index
    %get3A_624 = memref.load %arg4[%get3A_623] : memref<16xi32, #tpu.memory_space<smem>>
    %get3A_625 = arith.constant 62 : index
    %get3A_626 = arith.constant 0 : index
    %get3A_627 = vector.load %arg3[%get3A_625, %get3A_626] : memref<128x128xf32, #tpu.memory_space<vmem>>, vector<1x128xf32>
    %add3A_628 = arith.constant 6144 : i32
    %add3A_629 = arith.addi %add3A_628, %get3A_624 : i32
    %swap3A_630 = arith.index_cast %add3A_629 : i32 to index
    %swap3A_631 = arith.constant 0 : index
    %swap3A_632 = vector.load %arg5[%swap3A_630, %swap3A_631] : memref<16384x128xf32, #tpu.memory_space<vmem>>, vector<1x128xf32>
    tpu.vector_store %arg5[%swap3A_630, %swap3A_631], %get3A_627 {strides = array<i32>} : memref<16384x128xf32, #tpu.memory_space<vmem>>, vector<1x128xf32>,
    %get3A_633 = arith.constant 15 : index
    %get3A_634 = memref.load %arg4[%get3A_633] : memref<16xi32, #tpu.memory_space<smem>>
    %get3A_635 = arith.constant 63 : index
    %get3A_636 = arith.constant 0 : index
    %get3A_637 = vector.load %arg3[%get3A_635, %get3A_636] : memref<128x128xf32, #tpu.memory_space<vmem>>, vector<1x128xf32>
    %add3A_638 = arith.constant 6144 : i32
    %add3A_639 = arith.addi %add3A_638, %get3A_634 : i32
    %swap3A_640 = arith.index_cast %add3A_639 : i32 to index
    %swap3A_641 = arith.constant 0 : index
    %swap3A_642 = vector.load %arg5[%swap3A_640, %swap3A_641] : memref<16384x128xf32, #tpu.memory_space<vmem>>, vector<1x128xf32>
    tpu.vector_store %arg5[%swap3A_640, %swap3A_641], %get3A_637 {strides = array<i32>} : memref<16384x128xf32, #tpu.memory_space<vmem>>, vector<1x128xf32>,
    %get3A_643 = arith.constant 0 : index
    %get3A_644 = memref.load %arg4[%get3A_643] : memref<16xi32, #tpu.memory_space<smem>>
    %get3A_645 = arith.constant 64 : index
    %get3A_646 = arith.constant 0 : index
    %get3A_647 = vector.load %arg3[%get3A_645, %get3A_646] : memref<128x128xf32, #tpu.memory_space<vmem>>, vector<1x128xf32>
    %add3A_648 = arith.constant 8192 : i32
    %add3A_649 = arith.addi %add3A_648, %get3A_644 : i32
    %swap3A_650 = arith.index_cast %add3A_649 : i32 to index
    %swap3A_651 = arith.constant 0 : index
    %swap3A_652 = vector.load %arg5[%swap3A_650, %swap3A_651] : memref<16384x128xf32, #tpu.memory_space<vmem>>, vector<1x128xf32>
    tpu.vector_store %arg5[%swap3A_650, %swap3A_651], %get3A_647 {strides = array<i32>} : memref<16384x128xf32, #tpu.memory_space<vmem>>, vector<1x128xf32>,
    %get3A_653 = arith.constant 1 : index
    %get3A_654 = memref.load %arg4[%get3A_653] : memref<16xi32, #tpu.memory_space<smem>>
    %get3A_655 = arith.constant 65 : index
    %get3A_656 = arith.constant 0 : index
    %get3A_657 = vector.load %arg3[%get3A_655, %get3A_656] : memref<128x128xf32, #tpu.memory_space<vmem>>, vector<1x128xf32>
    %add3A_658 = arith.constant 8192 : i32
    %add3A_659 = arith.addi %add3A_658, %get3A_654 : i32
    %swap3A_660 = arith.index_cast %add3A_659 : i32 to index
    %swap3A_661 = arith.constant 0 : index
    %swap3A_662 = vector.load %arg5[%swap3A_660, %swap3A_661] : memref<16384x128xf32, #tpu.memory_space<vmem>>, vector<1x128xf32>
    tpu.vector_store %arg5[%swap3A_660, %swap3A_661], %get3A_657 {strides = array<i32>} : memref<16384x128xf32, #tpu.memory_space<vmem>>, vector<1x128xf32>,
    %get3A_663 = arith.constant 2 : index
    %get3A_664 = memref.load %arg4[%get3A_663] : memref<16xi32, #tpu.memory_space<smem>>
    %get3A_665 = arith.constant 66 : index
    %get3A_666 = arith.constant 0 : index
    %get3A_667 = vector.load %arg3[%get3A_665, %get3A_666] : memref<128x128xf32, #tpu.memory_space<vmem>>, vector<1x128xf32>
    %add3A_668 = arith.constant 8192 : i32
    %add3A_669 = arith.addi %add3A_668, %get3A_664 : i32
    %swap3A_670 = arith.index_cast %add3A_669 : i32 to index
    %swap3A_671 = arith.constant 0 : index
    %swap3A_672 = vector.load %arg5[%swap3A_670, %swap3A_671] : memref<16384x128xf32, #tpu.memory_space<vmem>>, vector<1x128xf32>
    tpu.vector_store %arg5[%swap3A_670, %swap3A_671], %get3A_667 {strides = array<i32>} : memref<16384x128xf32, #tpu.memory_space<vmem>>, vector<1x128xf32>,
    %get3A_673 = arith.constant 3 : index
    %get3A_674 = memref.load %arg4[%get3A_673] : memref<16xi32, #tpu.memory_space<smem>>
    %get3A_675 = arith.constant 67 : index
    %get3A_676 = arith.constant 0 : index
    %get3A_677 = vector.load %arg3[%get3A_675, %get3A_676] : memref<128x128xf32, #tpu.memory_space<vmem>>, vector<1x128xf32>
    %add3A_678 = arith.constant 8192 : i32
    %add3A_679 = arith.addi %add3A_678, %get3A_674 : i32
    %swap3A_680 = arith.index_cast %add3A_679 : i32 to index
    %swap3A_681 = arith.constant 0 : index
    %swap3A_682 = vector.load %arg5[%swap3A_680, %swap3A_681] : memref<16384x128xf32, #tpu.memory_space<vmem>>, vector<1x128xf32>
    tpu.vector_store %arg5[%swap3A_680, %swap3A_681], %get3A_677 {strides = array<i32>} : memref<16384x128xf32, #tpu.memory_space<vmem>>, vector<1x128xf32>,
    %get3A_683 = arith.constant 4 : index
    %get3A_684 = memref.load %arg4[%get3A_683] : memref<16xi32, #tpu.memory_space<smem>>
    %get3A_685 = arith.constant 68 : index
    %get3A_686 = arith.constant 0 : index
    %get3A_687 = vector.load %arg3[%get3A_685, %get3A_686] : memref<128x128xf32, #tpu.memory_space<vmem>>, vector<1x128xf32>
    %add3A_688 = arith.constant 8192 : i32
    %add3A_689 = arith.addi %add3A_688, %get3A_684 : i32
    %swap3A_690 = arith.index_cast %add3A_689 : i32 to index
    %swap3A_691 = arith.constant 0 : index
    %swap3A_692 = vector.load %arg5[%swap3A_690, %swap3A_691] : memref<16384x128xf32, #tpu.memory_space<vmem>>, vector<1x128xf32>
    tpu.vector_store %arg5[%swap3A_690, %swap3A_691], %get3A_687 {strides = array<i32>} : memref<16384x128xf32, #tpu.memory_space<vmem>>, vector<1x128xf32>,
    %get3A_693 = arith.constant 5 : index
    %get3A_694 = memref.load %arg4[%get3A_693] : memref<16xi32, #tpu.memory_space<smem>>
    %get3A_695 = arith.constant 69 : index
    %get3A_696 = arith.constant 0 : index
    %get3A_697 = vector.load %arg3[%get3A_695, %get3A_696] : memref<128x128xf32, #tpu.memory_space<vmem>>, vector<1x128xf32>
    %add3A_698 = arith.constant 8192 : i32
    %add3A_699 = arith.addi %add3A_698, %get3A_694 : i32
    %swap3A_700 = arith.index_cast %add3A_699 : i32 to index
    %swap3A_701 = arith.constant 0 : index
    %swap3A_702 = vector.load %arg5[%swap3A_700, %swap3A_701] : memref<16384x128xf32, #tpu.memory_space<vmem>>, vector<1x128xf32>
    tpu.vector_store %arg5[%swap3A_700, %swap3A_701], %get3A_697 {strides = array<i32>} : memref<16384x128xf32, #tpu.memory_space<vmem>>, vector<1x128xf32>,
    %get3A_703 = arith.constant 6 : index
    %get3A_704 = memref.load %arg4[%get3A_703] : memref<16xi32, #tpu.memory_space<smem>>
    %get3A_705 = arith.constant 70 : index
    %get3A_706 = arith.constant 0 : index
    %get3A_707 = vector.load %arg3[%get3A_705, %get3A_706] : memref<128x128xf32, #tpu.memory_space<vmem>>, vector<1x128xf32>
    %add3A_708 = arith.constant 8192 : i32
    %add3A_709 = arith.addi %add3A_708, %get3A_704 : i32
    %swap3A_710 = arith.index_cast %add3A_709 : i32 to index
    %swap3A_711 = arith.constant 0 : index
    %swap3A_712 = vector.load %arg5[%swap3A_710, %swap3A_711] : memref<16384x128xf32, #tpu.memory_space<vmem>>, vector<1x128xf32>
    tpu.vector_store %arg5[%swap3A_710, %swap3A_711], %get3A_707 {strides = array<i32>} : memref<16384x128xf32, #tpu.memory_space<vmem>>, vector<1x128xf32>,
    %get3A_713 = arith.constant 7 : index
    %get3A_714 = memref.load %arg4[%get3A_713] : memref<16xi32, #tpu.memory_space<smem>>
    %get3A_715 = arith.constant 71 : index
    %get3A_716 = arith.constant 0 : index
    %get3A_717 = vector.load %arg3[%get3A_715, %get3A_716] : memref<128x128xf32, #tpu.memory_space<vmem>>, vector<1x128xf32>
    %add3A_718 = arith.constant 8192 : i32
    %add3A_719 = arith.addi %add3A_718, %get3A_714 : i32
    %swap3A_720 = arith.index_cast %add3A_719 : i32 to index
    %swap3A_721 = arith.constant 0 : index
    %swap3A_722 = vector.load %arg5[%swap3A_720, %swap3A_721] : memref<16384x128xf32, #tpu.memory_space<vmem>>, vector<1x128xf32>
    tpu.vector_store %arg5[%swap3A_720, %swap3A_721], %get3A_717 {strides = array<i32>} : memref<16384x128xf32, #tpu.memory_space<vmem>>, vector<1x128xf32>,
    %get3A_723 = arith.constant 8 : index
    %get3A_724 = memref.load %arg4[%get3A_723] : memref<16xi32, #tpu.memory_space<smem>>
    %get3A_725 = arith.constant 72 : index
    %get3A_726 = arith.constant 0 : index
    %get3A_727 = vector.load %arg3[%get3A_725, %get3A_726] : memref<128x128xf32, #tpu.memory_space<vmem>>, vector<1x128xf32>
    %add3A_728 = arith.constant 8192 : i32
    %add3A_729 = arith.addi %add3A_728, %get3A_724 : i32
    %swap3A_730 = arith.index_cast %add3A_729 : i32 to index
    %swap3A_731 = arith.constant 0 : index
    %swap3A_732 = vector.load %arg5[%swap3A_730, %swap3A_731] : memref<16384x128xf32, #tpu.memory_space<vmem>>, vector<1x128xf32>
    tpu.vector_store %arg5[%swap3A_730, %swap3A_731], %get3A_727 {strides = array<i32>} : memref<16384x128xf32, #tpu.memory_space<vmem>>, vector<1x128xf32>,
    %get3A_733 = arith.constant 9 : index
    %get3A_734 = memref.load %arg4[%get3A_733] : memref<16xi32, #tpu.memory_space<smem>>
    %get3A_735 = arith.constant 73 : index
    %get3A_736 = arith.constant 0 : index
    %get3A_737 = vector.load %arg3[%get3A_735, %get3A_736] : memref<128x128xf32, #tpu.memory_space<vmem>>, vector<1x128xf32>
    %add3A_738 = arith.constant 8192 : i32
    %add3A_739 = arith.addi %add3A_738, %get3A_734 : i32
    %swap3A_740 = arith.index_cast %add3A_739 : i32 to index
    %swap3A_741 = arith.constant 0 : index
    %swap3A_742 = vector.load %arg5[%swap3A_740, %swap3A_741] : memref<16384x128xf32, #tpu.memory_space<vmem>>, vector<1x128xf32>
    tpu.vector_store %arg5[%swap3A_740, %swap3A_741], %get3A_737 {strides = array<i32>} : memref<16384x128xf32, #tpu.memory_space<vmem>>, vector<1x128xf32>,
    %get3A_743 = arith.constant 10 : index
    %get3A_744 = memref.load %arg4[%get3A_743] : memref<16xi32, #tpu.memory_space<smem>>
    %get3A_745 = arith.constant 74 : index
    %get3A_746 = arith.constant 0 : index
    %get3A_747 = vector.load %arg3[%get3A_745, %get3A_746] : memref<128x128xf32, #tpu.memory_space<vmem>>, vector<1x128xf32>
    %add3A_748 = arith.constant 8192 : i32
    %add3A_749 = arith.addi %add3A_748, %get3A_744 : i32
    %swap3A_750 = arith.index_cast %add3A_749 : i32 to index
    %swap3A_751 = arith.constant 0 : index
    %swap3A_752 = vector.load %arg5[%swap3A_750, %swap3A_751] : memref<16384x128xf32, #tpu.memory_space<vmem>>, vector<1x128xf32>
    tpu.vector_store %arg5[%swap3A_750, %swap3A_751], %get3A_747 {strides = array<i32>} : memref<16384x128xf32, #tpu.memory_space<vmem>>, vector<1x128xf32>,
    %get3A_753 = arith.constant 11 : index
    %get3A_754 = memref.load %arg4[%get3A_753] : memref<16xi32, #tpu.memory_space<smem>>
    %get3A_755 = arith.constant 75 : index
    %get3A_756 = arith.constant 0 : index
    %get3A_757 = vector.load %arg3[%get3A_755, %get3A_756] : memref<128x128xf32, #tpu.memory_space<vmem>>, vector<1x128xf32>
    %add3A_758 = arith.constant 8192 : i32
    %add3A_759 = arith.addi %add3A_758, %get3A_754 : i32
    %swap3A_760 = arith.index_cast %add3A_759 : i32 to index
    %swap3A_761 = arith.constant 0 : index
    %swap3A_762 = vector.load %arg5[%swap3A_760, %swap3A_761] : memref<16384x128xf32, #tpu.memory_space<vmem>>, vector<1x128xf32>
    tpu.vector_store %arg5[%swap3A_760, %swap3A_761], %get3A_757 {strides = array<i32>} : memref<16384x128xf32, #tpu.memory_space<vmem>>, vector<1x128xf32>,
    %get3A_763 = arith.constant 12 : index
    %get3A_764 = memref.load %arg4[%get3A_763] : memref<16xi32, #tpu.memory_space<smem>>
    %get3A_765 = arith.constant 76 : index
    %get3A_766 = arith.constant 0 : index
    %get3A_767 = vector.load %arg3[%get3A_765, %get3A_766] : memref<128x128xf32, #tpu.memory_space<vmem>>, vector<1x128xf32>
    %add3A_768 = arith.constant 8192 : i32
    %add3A_769 = arith.addi %add3A_768, %get3A_764 : i32
    %swap3A_770 = arith.index_cast %add3A_769 : i32 to index
    %swap3A_771 = arith.constant 0 : index
    %swap3A_772 = vector.load %arg5[%swap3A_770, %swap3A_771] : memref<16384x128xf32, #tpu.memory_space<vmem>>, vector<1x128xf32>
    tpu.vector_store %arg5[%swap3A_770, %swap3A_771], %get3A_767 {strides = array<i32>} : memref<16384x128xf32, #tpu.memory_space<vmem>>, vector<1x128xf32>,
    %get3A_773 = arith.constant 13 : index
    %get3A_774 = memref.load %arg4[%get3A_773] : memref<16xi32, #tpu.memory_space<smem>>
    %get3A_775 = arith.constant 77 : index
    %get3A_776 = arith.constant 0 : index
    %get3A_777 = vector.load %arg3[%get3A_775, %get3A_776] : memref<128x128xf32, #tpu.memory_space<vmem>>, vector<1x128xf32>
    %add3A_778 = arith.constant 8192 : i32
    %add3A_779 = arith.addi %add3A_778, %get3A_774 : i32
    %swap3A_780 = arith.index_cast %add3A_779 : i32 to index
    %swap3A_781 = arith.constant 0 : index
    %swap3A_782 = vector.load %arg5[%swap3A_780, %swap3A_781] : memref<16384x128xf32, #tpu.memory_space<vmem>>, vector<1x128xf32>
    tpu.vector_store %arg5[%swap3A_780, %swap3A_781], %get3A_777 {strides = array<i32>} : memref<16384x128xf32, #tpu.memory_space<vmem>>, vector<1x128xf32>,
    %get3A_783 = arith.constant 14 : index
    %get3A_784 = memref.load %arg4[%get3A_783] : memref<16xi32, #tpu.memory_space<smem>>
    %get3A_785 = arith.constant 78 : index
    %get3A_786 = arith.constant 0 : index
    %get3A_787 = vector.load %arg3[%get3A_785, %get3A_786] : memref<128x128xf32, #tpu.memory_space<vmem>>, vector<1x128xf32>
    %add3A_788 = arith.constant 8192 : i32
    %add3A_789 = arith.addi %add3A_788, %get3A_784 : i32
    %swap3A_790 = arith.index_cast %add3A_789 : i32 to index
    %swap3A_791 = arith.constant 0 : index
    %swap3A_792 = vector.load %arg5[%swap3A_790, %swap3A_791] : memref<16384x128xf32, #tpu.memory_space<vmem>>, vector<1x128xf32>
    tpu.vector_store %arg5[%swap3A_790, %swap3A_791], %get3A_787 {strides = array<i32>} : memref<16384x128xf32, #tpu.memory_space<vmem>>, vector<1x128xf32>,
    %get3A_793 = arith.constant 15 : index
    %get3A_794 = memref.load %arg4[%get3A_793] : memref<16xi32, #tpu.memory_space<smem>>
    %get3A_795 = arith.constant 79 : index
    %get3A_796 = arith.constant 0 : index
    %get3A_797 = vector.load %arg3[%get3A_795, %get3A_796] : memref<128x128xf32, #tpu.memory_space<vmem>>, vector<1x128xf32>
    %add3A_798 = arith.constant 8192 : i32
    %add3A_799 = arith.addi %add3A_798, %get3A_794 : i32
    %swap3A_800 = arith.index_cast %add3A_799 : i32 to index
    %swap3A_801 = arith.constant 0 : index
    %swap3A_802 = vector.load %arg5[%swap3A_800, %swap3A_801] : memref<16384x128xf32, #tpu.memory_space<vmem>>, vector<1x128xf32>
    tpu.vector_store %arg5[%swap3A_800, %swap3A_801], %get3A_797 {strides = array<i32>} : memref<16384x128xf32, #tpu.memory_space<vmem>>, vector<1x128xf32>,
    %get3A_803 = arith.constant 0 : index
    %get3A_804 = memref.load %arg4[%get3A_803] : memref<16xi32, #tpu.memory_space<smem>>
    %get3A_805 = arith.constant 80 : index
    %get3A_806 = arith.constant 0 : index
    %get3A_807 = vector.load %arg3[%get3A_805, %get3A_806] : memref<128x128xf32, #tpu.memory_space<vmem>>, vector<1x128xf32>
    %add3A_808 = arith.constant 10240 : i32
    %add3A_809 = arith.addi %add3A_808, %get3A_804 : i32
    %swap3A_810 = arith.index_cast %add3A_809 : i32 to index
    %swap3A_811 = arith.constant 0 : index
    %swap3A_812 = vector.load %arg5[%swap3A_810, %swap3A_811] : memref<16384x128xf32, #tpu.memory_space<vmem>>, vector<1x128xf32>
    tpu.vector_store %arg5[%swap3A_810, %swap3A_811], %get3A_807 {strides = array<i32>} : memref<16384x128xf32, #tpu.memory_space<vmem>>, vector<1x128xf32>,
    %get3A_813 = arith.constant 1 : index
    %get3A_814 = memref.load %arg4[%get3A_813] : memref<16xi32, #tpu.memory_space<smem>>
    %get3A_815 = arith.constant 81 : index
    %get3A_816 = arith.constant 0 : index
    %get3A_817 = vector.load %arg3[%get3A_815, %get3A_816] : memref<128x128xf32, #tpu.memory_space<vmem>>, vector<1x128xf32>
    %add3A_818 = arith.constant 10240 : i32
    %add3A_819 = arith.addi %add3A_818, %get3A_814 : i32
    %swap3A_820 = arith.index_cast %add3A_819 : i32 to index
    %swap3A_821 = arith.constant 0 : index
    %swap3A_822 = vector.load %arg5[%swap3A_820, %swap3A_821] : memref<16384x128xf32, #tpu.memory_space<vmem>>, vector<1x128xf32>
    tpu.vector_store %arg5[%swap3A_820, %swap3A_821], %get3A_817 {strides = array<i32>} : memref<16384x128xf32, #tpu.memory_space<vmem>>, vector<1x128xf32>,
    %get3A_823 = arith.constant 2 : index
    %get3A_824 = memref.load %arg4[%get3A_823] : memref<16xi32, #tpu.memory_space<smem>>
    %get3A_825 = arith.constant 82 : index
    %get3A_826 = arith.constant 0 : index
    %get3A_827 = vector.load %arg3[%get3A_825, %get3A_826] : memref<128x128xf32, #tpu.memory_space<vmem>>, vector<1x128xf32>
    %add3A_828 = arith.constant 10240 : i32
    %add3A_829 = arith.addi %add3A_828, %get3A_824 : i32
    %swap3A_830 = arith.index_cast %add3A_829 : i32 to index
    %swap3A_831 = arith.constant 0 : index
    %swap3A_832 = vector.load %arg5[%swap3A_830, %swap3A_831] : memref<16384x128xf32, #tpu.memory_space<vmem>>, vector<1x128xf32>
    tpu.vector_store %arg5[%swap3A_830, %swap3A_831], %get3A_827 {strides = array<i32>} : memref<16384x128xf32, #tpu.memory_space<vmem>>, vector<1x128xf32>,
    %get3A_833 = arith.constant 3 : index
    %get3A_834 = memref.load %arg4[%get3A_833] : memref<16xi32, #tpu.memory_space<smem>>
    %get3A_835 = arith.constant 83 : index
    %get3A_836 = arith.constant 0 : index
    %get3A_837 = vector.load %arg3[%get3A_835, %get3A_836] : memref<128x128xf32, #tpu.memory_space<vmem>>, vector<1x128xf32>
    %add3A_838 = arith.constant 10240 : i32
    %add3A_839 = arith.addi %add3A_838, %get3A_834 : i32
    %swap3A_840 = arith.index_cast %add3A_839 : i32 to index
    %swap3A_841 = arith.constant 0 : index
    %swap3A_842 = vector.load %arg5[%swap3A_840, %swap3A_841] : memref<16384x128xf32, #tpu.memory_space<vmem>>, vector<1x128xf32>
    tpu.vector_store %arg5[%swap3A_840, %swap3A_841], %get3A_837 {strides = array<i32>} : memref<16384x128xf32, #tpu.memory_space<vmem>>, vector<1x128xf32>,
    %get3A_843 = arith.constant 4 : index
    %get3A_844 = memref.load %arg4[%get3A_843] : memref<16xi32, #tpu.memory_space<smem>>
    %get3A_845 = arith.constant 84 : index
    %get3A_846 = arith.constant 0 : index
    %get3A_847 = vector.load %arg3[%get3A_845, %get3A_846] : memref<128x128xf32, #tpu.memory_space<vmem>>, vector<1x128xf32>
    %add3A_848 = arith.constant 10240 : i32
    %add3A_849 = arith.addi %add3A_848, %get3A_844 : i32
    %swap3A_850 = arith.index_cast %add3A_849 : i32 to index
    %swap3A_851 = arith.constant 0 : index
    %swap3A_852 = vector.load %arg5[%swap3A_850, %swap3A_851] : memref<16384x128xf32, #tpu.memory_space<vmem>>, vector<1x128xf32>
    tpu.vector_store %arg5[%swap3A_850, %swap3A_851], %get3A_847 {strides = array<i32>} : memref<16384x128xf32, #tpu.memory_space<vmem>>, vector<1x128xf32>,
    %get3A_853 = arith.constant 5 : index
    %get3A_854 = memref.load %arg4[%get3A_853] : memref<16xi32, #tpu.memory_space<smem>>
    %get3A_855 = arith.constant 85 : index
    %get3A_856 = arith.constant 0 : index
    %get3A_857 = vector.load %arg3[%get3A_855, %get3A_856] : memref<128x128xf32, #tpu.memory_space<vmem>>, vector<1x128xf32>
    %add3A_858 = arith.constant 10240 : i32
    %add3A_859 = arith.addi %add3A_858, %get3A_854 : i32
    %swap3A_860 = arith.index_cast %add3A_859 : i32 to index
    %swap3A_861 = arith.constant 0 : index
    %swap3A_862 = vector.load %arg5[%swap3A_860, %swap3A_861] : memref<16384x128xf32, #tpu.memory_space<vmem>>, vector<1x128xf32>
    tpu.vector_store %arg5[%swap3A_860, %swap3A_861], %get3A_857 {strides = array<i32>} : memref<16384x128xf32, #tpu.memory_space<vmem>>, vector<1x128xf32>,
    %get3A_863 = arith.constant 6 : index
    %get3A_864 = memref.load %arg4[%get3A_863] : memref<16xi32, #tpu.memory_space<smem>>
    %get3A_865 = arith.constant 86 : index
    %get3A_866 = arith.constant 0 : index
    %get3A_867 = vector.load %arg3[%get3A_865, %get3A_866] : memref<128x128xf32, #tpu.memory_space<vmem>>, vector<1x128xf32>
    %add3A_868 = arith.constant 10240 : i32
    %add3A_869 = arith.addi %add3A_868, %get3A_864 : i32
    %swap3A_870 = arith.index_cast %add3A_869 : i32 to index
    %swap3A_871 = arith.constant 0 : index
    %swap3A_872 = vector.load %arg5[%swap3A_870, %swap3A_871] : memref<16384x128xf32, #tpu.memory_space<vmem>>, vector<1x128xf32>
    tpu.vector_store %arg5[%swap3A_870, %swap3A_871], %get3A_867 {strides = array<i32>} : memref<16384x128xf32, #tpu.memory_space<vmem>>, vector<1x128xf32>,
    %get3A_873 = arith.constant 7 : index
    %get3A_874 = memref.load %arg4[%get3A_873] : memref<16xi32, #tpu.memory_space<smem>>
    %get3A_875 = arith.constant 87 : index
    %get3A_876 = arith.constant 0 : index
    %get3A_877 = vector.load %arg3[%get3A_875, %get3A_876] : memref<128x128xf32, #tpu.memory_space<vmem>>, vector<1x128xf32>
    %add3A_878 = arith.constant 10240 : i32
    %add3A_879 = arith.addi %add3A_878, %get3A_874 : i32
    %swap3A_880 = arith.index_cast %add3A_879 : i32 to index
    %swap3A_881 = arith.constant 0 : index
    %swap3A_882 = vector.load %arg5[%swap3A_880, %swap3A_881] : memref<16384x128xf32, #tpu.memory_space<vmem>>, vector<1x128xf32>
    tpu.vector_store %arg5[%swap3A_880, %swap3A_881], %get3A_877 {strides = array<i32>} : memref<16384x128xf32, #tpu.memory_space<vmem>>, vector<1x128xf32>,
    %get3A_883 = arith.constant 8 : index
    %get3A_884 = memref.load %arg4[%get3A_883] : memref<16xi32, #tpu.memory_space<smem>>
    %get3A_885 = arith.constant 88 : index
    %get3A_886 = arith.constant 0 : index
    %get3A_887 = vector.load %arg3[%get3A_885, %get3A_886] : memref<128x128xf32, #tpu.memory_space<vmem>>, vector<1x128xf32>
    %add3A_888 = arith.constant 10240 : i32
    %add3A_889 = arith.addi %add3A_888, %get3A_884 : i32
    %swap3A_890 = arith.index_cast %add3A_889 : i32 to index
    %swap3A_891 = arith.constant 0 : index
    %swap3A_892 = vector.load %arg5[%swap3A_890, %swap3A_891] : memref<16384x128xf32, #tpu.memory_space<vmem>>, vector<1x128xf32>
    tpu.vector_store %arg5[%swap3A_890, %swap3A_891], %get3A_887 {strides = array<i32>} : memref<16384x128xf32, #tpu.memory_space<vmem>>, vector<1x128xf32>,
    %get3A_893 = arith.constant 9 : index
    %get3A_894 = memref.load %arg4[%get3A_893] : memref<16xi32, #tpu.memory_space<smem>>
    %get3A_895 = arith.constant 89 : index
    %get3A_896 = arith.constant 0 : index
    %get3A_897 = vector.load %arg3[%get3A_895, %get3A_896] : memref<128x128xf32, #tpu.memory_space<vmem>>, vector<1x128xf32>
    %add3A_898 = arith.constant 10240 : i32
    %add3A_899 = arith.addi %add3A_898, %get3A_894 : i32
    %swap3A_900 = arith.index_cast %add3A_899 : i32 to index
    %swap3A_901 = arith.constant 0 : index
    %swap3A_902 = vector.load %arg5[%swap3A_900, %swap3A_901] : memref<16384x128xf32, #tpu.memory_space<vmem>>, vector<1x128xf32>
    tpu.vector_store %arg5[%swap3A_900, %swap3A_901], %get3A_897 {strides = array<i32>} : memref<16384x128xf32, #tpu.memory_space<vmem>>, vector<1x128xf32>,
    %get3A_903 = arith.constant 10 : index
    %get3A_904 = memref.load %arg4[%get3A_903] : memref<16xi32, #tpu.memory_space<smem>>
    %get3A_905 = arith.constant 90 : index
    %get3A_906 = arith.constant 0 : index
    %get3A_907 = vector.load %arg3[%get3A_905, %get3A_906] : memref<128x128xf32, #tpu.memory_space<vmem>>, vector<1x128xf32>
    %add3A_908 = arith.constant 10240 : i32
    %add3A_909 = arith.addi %add3A_908, %get3A_904 : i32
    %swap3A_910 = arith.index_cast %add3A_909 : i32 to index
    %swap3A_911 = arith.constant 0 : index
    %swap3A_912 = vector.load %arg5[%swap3A_910, %swap3A_911] : memref<16384x128xf32, #tpu.memory_space<vmem>>, vector<1x128xf32>
    tpu.vector_store %arg5[%swap3A_910, %swap3A_911], %get3A_907 {strides = array<i32>} : memref<16384x128xf32, #tpu.memory_space<vmem>>, vector<1x128xf32>,
    %get3A_913 = arith.constant 11 : index
    %get3A_914 = memref.load %arg4[%get3A_913] : memref<16xi32, #tpu.memory_space<smem>>
    %get3A_915 = arith.constant 91 : index
    %get3A_916 = arith.constant 0 : index
    %get3A_917 = vector.load %arg3[%get3A_915, %get3A_916] : memref<128x128xf32, #tpu.memory_space<vmem>>, vector<1x128xf32>
    %add3A_918 = arith.constant 10240 : i32
    %add3A_919 = arith.addi %add3A_918, %get3A_914 : i32
    %swap3A_920 = arith.index_cast %add3A_919 : i32 to index
    %swap3A_921 = arith.constant 0 : index
    %swap3A_922 = vector.load %arg5[%swap3A_920, %swap3A_921] : memref<16384x128xf32, #tpu.memory_space<vmem>>, vector<1x128xf32>
    tpu.vector_store %arg5[%swap3A_920, %swap3A_921], %get3A_917 {strides = array<i32>} : memref<16384x128xf32, #tpu.memory_space<vmem>>, vector<1x128xf32>,
    %get3A_923 = arith.constant 12 : index
    %get3A_924 = memref.load %arg4[%get3A_923] : memref<16xi32, #tpu.memory_space<smem>>
    %get3A_925 = arith.constant 92 : index
    %get3A_926 = arith.constant 0 : index
    %get3A_927 = vector.load %arg3[%get3A_925, %get3A_926] : memref<128x128xf32, #tpu.memory_space<vmem>>, vector<1x128xf32>
    %add3A_928 = arith.constant 10240 : i32
    %add3A_929 = arith.addi %add3A_928, %get3A_924 : i32
    %swap3A_930 = arith.index_cast %add3A_929 : i32 to index
    %swap3A_931 = arith.constant 0 : index
    %swap3A_932 = vector.load %arg5[%swap3A_930, %swap3A_931] : memref<16384x128xf32, #tpu.memory_space<vmem>>, vector<1x128xf32>
    tpu.vector_store %arg5[%swap3A_930, %swap3A_931], %get3A_927 {strides = array<i32>} : memref<16384x128xf32, #tpu.memory_space<vmem>>, vector<1x128xf32>,
    %get3A_933 = arith.constant 13 : index
    %get3A_934 = memref.load %arg4[%get3A_933] : memref<16xi32, #tpu.memory_space<smem>>
    %get3A_935 = arith.constant 93 : index
    %get3A_936 = arith.constant 0 : index
    %get3A_937 = vector.load %arg3[%get3A_935, %get3A_936] : memref<128x128xf32, #tpu.memory_space<vmem>>, vector<1x128xf32>
    %add3A_938 = arith.constant 10240 : i32
    %add3A_939 = arith.addi %add3A_938, %get3A_934 : i32
    %swap3A_940 = arith.index_cast %add3A_939 : i32 to index
    %swap3A_941 = arith.constant 0 : index
    %swap3A_942 = vector.load %arg5[%swap3A_940, %swap3A_941] : memref<16384x128xf32, #tpu.memory_space<vmem>>, vector<1x128xf32>
    tpu.vector_store %arg5[%swap3A_940, %swap3A_941], %get3A_937 {strides = array<i32>} : memref<16384x128xf32, #tpu.memory_space<vmem>>, vector<1x128xf32>,
    %get3A_943 = arith.constant 14 : index
    %get3A_944 = memref.load %arg4[%get3A_943] : memref<16xi32, #tpu.memory_space<smem>>
    %get3A_945 = arith.constant 94 : index
    %get3A_946 = arith.constant 0 : index
    %get3A_947 = vector.load %arg3[%get3A_945, %get3A_946] : memref<128x128xf32, #tpu.memory_space<vmem>>, vector<1x128xf32>
    %add3A_948 = arith.constant 10240 : i32
    %add3A_949 = arith.addi %add3A_948, %get3A_944 : i32
    %swap3A_950 = arith.index_cast %add3A_949 : i32 to index
    %swap3A_951 = arith.constant 0 : index
    %swap3A_952 = vector.load %arg5[%swap3A_950, %swap3A_951] : memref<16384x128xf32, #tpu.memory_space<vmem>>, vector<1x128xf32>
    tpu.vector_store %arg5[%swap3A_950, %swap3A_951], %get3A_947 {strides = array<i32>} : memref<16384x128xf32, #tpu.memory_space<vmem>>, vector<1x128xf32>,
    %get3A_953 = arith.constant 15 : index
    %get3A_954 = memref.load %arg4[%get3A_953] : memref<16xi32, #tpu.memory_space<smem>>
    %get3A_955 = arith.constant 95 : index
    %get3A_956 = arith.constant 0 : index
    %get3A_957 = vector.load %arg3[%get3A_955, %get3A_956] : memref<128x128xf32, #tpu.memory_space<vmem>>, vector<1x128xf32>
    %add3A_958 = arith.constant 10240 : i32
    %add3A_959 = arith.addi %add3A_958, %get3A_954 : i32
    %swap3A_960 = arith.index_cast %add3A_959 : i32 to index
    %swap3A_961 = arith.constant 0 : index
    %swap3A_962 = vector.load %arg5[%swap3A_960, %swap3A_961] : memref<16384x128xf32, #tpu.memory_space<vmem>>, vector<1x128xf32>
    tpu.vector_store %arg5[%swap3A_960, %swap3A_961], %get3A_957 {strides = array<i32>} : memref<16384x128xf32, #tpu.memory_space<vmem>>, vector<1x128xf32>,
    %get3A_963 = arith.constant 0 : index
    %get3A_964 = memref.load %arg4[%get3A_963] : memref<16xi32, #tpu.memory_space<smem>>
    %get3A_965 = arith.constant 96 : index
    %get3A_966 = arith.constant 0 : index
    %get3A_967 = vector.load %arg3[%get3A_965, %get3A_966] : memref<128x128xf32, #tpu.memory_space<vmem>>, vector<1x128xf32>
    %add3A_968 = arith.constant 12288 : i32
    %add3A_969 = arith.addi %add3A_968, %get3A_964 : i32
    %swap3A_970 = arith.index_cast %add3A_969 : i32 to index
    %swap3A_971 = arith.constant 0 : index
    %swap3A_972 = vector.load %arg5[%swap3A_970, %swap3A_971] : memref<16384x128xf32, #tpu.memory_space<vmem>>, vector<1x128xf32>
    tpu.vector_store %arg5[%swap3A_970, %swap3A_971], %get3A_967 {strides = array<i32>} : memref<16384x128xf32, #tpu.memory_space<vmem>>, vector<1x128xf32>,
    %get3A_973 = arith.constant 1 : index
    %get3A_974 = memref.load %arg4[%get3A_973] : memref<16xi32, #tpu.memory_space<smem>>
    %get3A_975 = arith.constant 97 : index
    %get3A_976 = arith.constant 0 : index
    %get3A_977 = vector.load %arg3[%get3A_975, %get3A_976] : memref<128x128xf32, #tpu.memory_space<vmem>>, vector<1x128xf32>
    %add3A_978 = arith.constant 12288 : i32
    %add3A_979 = arith.addi %add3A_978, %get3A_974 : i32
    %swap3A_980 = arith.index_cast %add3A_979 : i32 to index
    %swap3A_981 = arith.constant 0 : index
    %swap3A_982 = vector.load %arg5[%swap3A_980, %swap3A_981] : memref<16384x128xf32, #tpu.memory_space<vmem>>, vector<1x128xf32>
    tpu.vector_store %arg5[%swap3A_980, %swap3A_981], %get3A_977 {strides = array<i32>} : memref<16384x128xf32, #tpu.memory_space<vmem>>, vector<1x128xf32>,
    %get3A_983 = arith.constant 2 : index
    %get3A_984 = memref.load %arg4[%get3A_983] : memref<16xi32, #tpu.memory_space<smem>>
    %get3A_985 = arith.constant 98 : index
    %get3A_986 = arith.constant 0 : index
    %get3A_987 = vector.load %arg3[%get3A_985, %get3A_986] : memref<128x128xf32, #tpu.memory_space<vmem>>, vector<1x128xf32>
    %add3A_988 = arith.constant 12288 : i32
    %add3A_989 = arith.addi %add3A_988, %get3A_984 : i32
    %swap3A_990 = arith.index_cast %add3A_989 : i32 to index
    %swap3A_991 = arith.constant 0 : index
    %swap3A_992 = vector.load %arg5[%swap3A_990, %swap3A_991] : memref<16384x128xf32, #tpu.memory_space<vmem>>, vector<1x128xf32>
    tpu.vector_store %arg5[%swap3A_990, %swap3A_991], %get3A_987 {strides = array<i32>} : memref<16384x128xf32, #tpu.memory_space<vmem>>, vector<1x128xf32>,
    %get3A_993 = arith.constant 3 : index
    %get3A_994 = memref.load %arg4[%get3A_993] : memref<16xi32, #tpu.memory_space<smem>>
    %get3A_995 = arith.constant 99 : index
    %get3A_996 = arith.constant 0 : index
    %get3A_997 = vector.load %arg3[%get3A_995, %get3A_996] : memref<128x128xf32, #tpu.memory_space<vmem>>, vector<1x128xf32>
    %add3A_998 = arith.constant 12288 : i32
    %add3A_999 = arith.addi %add3A_998, %get3A_994 : i32
    %swap3A_1000 = arith.index_cast %add3A_999 : i32 to index
    %swap3A_1001 = arith.constant 0 : index
    %swap3A_1002 = vector.load %arg5[%swap3A_1000, %swap3A_1001] : memref<16384x128xf32, #tpu.memory_space<vmem>>, vector<1x128xf32>
    tpu.vector_store %arg5[%swap3A_1000, %swap3A_1001], %get3A_997 {strides = array<i32>} : memref<16384x128xf32, #tpu.memory_space<vmem>>, vector<1x128xf32>,
    %get3A_1003 = arith.constant 4 : index
    %get3A_1004 = memref.load %arg4[%get3A_1003] : memref<16xi32, #tpu.memory_space<smem>>
    %get3A_1005 = arith.constant 100 : index
    %get3A_1006 = arith.constant 0 : index
    %get3A_1007 = vector.load %arg3[%get3A_1005, %get3A_1006] : memref<128x128xf32, #tpu.memory_space<vmem>>, vector<1x128xf32>
    %add3A_1008 = arith.constant 12288 : i32
    %add3A_1009 = arith.addi %add3A_1008, %get3A_1004 : i32
    %swap3A_1010 = arith.index_cast %add3A_1009 : i32 to index
    %swap3A_1011 = arith.constant 0 : index
    %swap3A_1012 = vector.load %arg5[%swap3A_1010, %swap3A_1011] : memref<16384x128xf32, #tpu.memory_space<vmem>>, vector<1x128xf32>
    tpu.vector_store %arg5[%swap3A_1010, %swap3A_1011], %get3A_1007 {strides = array<i32>} : memref<16384x128xf32, #tpu.memory_space<vmem>>, vector<1x128xf32>,
    %get3A_1013 = arith.constant 5 : index
    %get3A_1014 = memref.load %arg4[%get3A_1013] : memref<16xi32, #tpu.memory_space<smem>>
    %get3A_1015 = arith.constant 101 : index
    %get3A_1016 = arith.constant 0 : index
    %get3A_1017 = vector.load %arg3[%get3A_1015, %get3A_1016] : memref<128x128xf32, #tpu.memory_space<vmem>>, vector<1x128xf32>
    %add3A_1018 = arith.constant 12288 : i32
    %add3A_1019 = arith.addi %add3A_1018, %get3A_1014 : i32
    %swap3A_1020 = arith.index_cast %add3A_1019 : i32 to index
    %swap3A_1021 = arith.constant 0 : index
    %swap3A_1022 = vector.load %arg5[%swap3A_1020, %swap3A_1021] : memref<16384x128xf32, #tpu.memory_space<vmem>>, vector<1x128xf32>
    tpu.vector_store %arg5[%swap3A_1020, %swap3A_1021], %get3A_1017 {strides = array<i32>} : memref<16384x128xf32, #tpu.memory_space<vmem>>, vector<1x128xf32>,
    %get3A_1023 = arith.constant 6 : index
    %get3A_1024 = memref.load %arg4[%get3A_1023] : memref<16xi32, #tpu.memory_space<smem>>
    %get3A_1025 = arith.constant 102 : index
    %get3A_1026 = arith.constant 0 : index
    %get3A_1027 = vector.load %arg3[%get3A_1025, %get3A_1026] : memref<128x128xf32, #tpu.memory_space<vmem>>, vector<1x128xf32>
    %add3A_1028 = arith.constant 12288 : i32
    %add3A_1029 = arith.addi %add3A_1028, %get3A_1024 : i32
    %swap3A_1030 = arith.index_cast %add3A_1029 : i32 to index
    %swap3A_1031 = arith.constant 0 : index
    %swap3A_1032 = vector.load %arg5[%swap3A_1030, %swap3A_1031] : memref<16384x128xf32, #tpu.memory_space<vmem>>, vector<1x128xf32>
    tpu.vector_store %arg5[%swap3A_1030, %swap3A_1031], %get3A_1027 {strides = array<i32>} : memref<16384x128xf32, #tpu.memory_space<vmem>>, vector<1x128xf32>,
    %get3A_1033 = arith.constant 7 : index
    %get3A_1034 = memref.load %arg4[%get3A_1033] : memref<16xi32, #tpu.memory_space<smem>>
    %get3A_1035 = arith.constant 103 : index
    %get3A_1036 = arith.constant 0 : index
    %get3A_1037 = vector.load %arg3[%get3A_1035, %get3A_1036] : memref<128x128xf32, #tpu.memory_space<vmem>>, vector<1x128xf32>
    %add3A_1038 = arith.constant 12288 : i32
    %add3A_1039 = arith.addi %add3A_1038, %get3A_1034 : i32
    %swap3A_1040 = arith.index_cast %add3A_1039 : i32 to index
    %swap3A_1041 = arith.constant 0 : index
    %swap3A_1042 = vector.load %arg5[%swap3A_1040, %swap3A_1041] : memref<16384x128xf32, #tpu.memory_space<vmem>>, vector<1x128xf32>
    tpu.vector_store %arg5[%swap3A_1040, %swap3A_1041], %get3A_1037 {strides = array<i32>} : memref<16384x128xf32, #tpu.memory_space<vmem>>, vector<1x128xf32>,
    %get3A_1043 = arith.constant 8 : index
    %get3A_1044 = memref.load %arg4[%get3A_1043] : memref<16xi32, #tpu.memory_space<smem>>
    %get3A_1045 = arith.constant 104 : index
    %get3A_1046 = arith.constant 0 : index
    %get3A_1047 = vector.load %arg3[%get3A_1045, %get3A_1046] : memref<128x128xf32, #tpu.memory_space<vmem>>, vector<1x128xf32>
    %add3A_1048 = arith.constant 12288 : i32
    %add3A_1049 = arith.addi %add3A_1048, %get3A_1044 : i32
    %swap3A_1050 = arith.index_cast %add3A_1049 : i32 to index
    %swap3A_1051 = arith.constant 0 : index
    %swap3A_1052 = vector.load %arg5[%swap3A_1050, %swap3A_1051] : memref<16384x128xf32, #tpu.memory_space<vmem>>, vector<1x128xf32>
    tpu.vector_store %arg5[%swap3A_1050, %swap3A_1051], %get3A_1047 {strides = array<i32>} : memref<16384x128xf32, #tpu.memory_space<vmem>>, vector<1x128xf32>,
    %get3A_1053 = arith.constant 9 : index
    %get3A_1054 = memref.load %arg4[%get3A_1053] : memref<16xi32, #tpu.memory_space<smem>>
    %get3A_1055 = arith.constant 105 : index
    %get3A_1056 = arith.constant 0 : index
    %get3A_1057 = vector.load %arg3[%get3A_1055, %get3A_1056] : memref<128x128xf32, #tpu.memory_space<vmem>>, vector<1x128xf32>
    %add3A_1058 = arith.constant 12288 : i32
    %add3A_1059 = arith.addi %add3A_1058, %get3A_1054 : i32
    %swap3A_1060 = arith.index_cast %add3A_1059 : i32 to index
    %swap3A_1061 = arith.constant 0 : index
    %swap3A_1062 = vector.load %arg5[%swap3A_1060, %swap3A_1061] : memref<16384x128xf32, #tpu.memory_space<vmem>>, vector<1x128xf32>
    tpu.vector_store %arg5[%swap3A_1060, %swap3A_1061], %get3A_1057 {strides = array<i32>} : memref<16384x128xf32, #tpu.memory_space<vmem>>, vector<1x128xf32>,
    %get3A_1063 = arith.constant 10 : index
    %get3A_1064 = memref.load %arg4[%get3A_1063] : memref<16xi32, #tpu.memory_space<smem>>
    %get3A_1065 = arith.constant 106 : index
    %get3A_1066 = arith.constant 0 : index
    %get3A_1067 = vector.load %arg3[%get3A_1065, %get3A_1066] : memref<128x128xf32, #tpu.memory_space<vmem>>, vector<1x128xf32>
    %add3A_1068 = arith.constant 12288 : i32
    %add3A_1069 = arith.addi %add3A_1068, %get3A_1064 : i32
    %swap3A_1070 = arith.index_cast %add3A_1069 : i32 to index
    %swap3A_1071 = arith.constant 0 : index
    %swap3A_1072 = vector.load %arg5[%swap3A_1070, %swap3A_1071] : memref<16384x128xf32, #tpu.memory_space<vmem>>, vector<1x128xf32>
    tpu.vector_store %arg5[%swap3A_1070, %swap3A_1071], %get3A_1067 {strides = array<i32>} : memref<16384x128xf32, #tpu.memory_space<vmem>>, vector<1x128xf32>,
    %get3A_1073 = arith.constant 11 : index
    %get3A_1074 = memref.load %arg4[%get3A_1073] : memref<16xi32, #tpu.memory_space<smem>>
    %get3A_1075 = arith.constant 107 : index
    %get3A_1076 = arith.constant 0 : index
    %get3A_1077 = vector.load %arg3[%get3A_1075, %get3A_1076] : memref<128x128xf32, #tpu.memory_space<vmem>>, vector<1x128xf32>
    %add3A_1078 = arith.constant 12288 : i32
    %add3A_1079 = arith.addi %add3A_1078, %get3A_1074 : i32
    %swap3A_1080 = arith.index_cast %add3A_1079 : i32 to index
    %swap3A_1081 = arith.constant 0 : index
    %swap3A_1082 = vector.load %arg5[%swap3A_1080, %swap3A_1081] : memref<16384x128xf32, #tpu.memory_space<vmem>>, vector<1x128xf32>
    tpu.vector_store %arg5[%swap3A_1080, %swap3A_1081], %get3A_1077 {strides = array<i32>} : memref<16384x128xf32, #tpu.memory_space<vmem>>, vector<1x128xf32>,
    %get3A_1083 = arith.constant 12 : index
    %get3A_1084 = memref.load %arg4[%get3A_1083] : memref<16xi32, #tpu.memory_space<smem>>
    %get3A_1085 = arith.constant 108 : index
    %get3A_1086 = arith.constant 0 : index
    %get3A_1087 = vector.load %arg3[%get3A_1085, %get3A_1086] : memref<128x128xf32, #tpu.memory_space<vmem>>, vector<1x128xf32>
    %add3A_1088 = arith.constant 12288 : i32
    %add3A_1089 = arith.addi %add3A_1088, %get3A_1084 : i32
    %swap3A_1090 = arith.index_cast %add3A_1089 : i32 to index
    %swap3A_1091 = arith.constant 0 : index
    %swap3A_1092 = vector.load %arg5[%swap3A_1090, %swap3A_1091] : memref<16384x128xf32, #tpu.memory_space<vmem>>, vector<1x128xf32>
    tpu.vector_store %arg5[%swap3A_1090, %swap3A_1091], %get3A_1087 {strides = array<i32>} : memref<16384x128xf32, #tpu.memory_space<vmem>>, vector<1x128xf32>,
    %get3A_1093 = arith.constant 13 : index
    %get3A_1094 = memref.load %arg4[%get3A_1093] : memref<16xi32, #tpu.memory_space<smem>>
    %get3A_1095 = arith.constant 109 : index
    %get3A_1096 = arith.constant 0 : index
    %get3A_1097 = vector.load %arg3[%get3A_1095, %get3A_1096] : memref<128x128xf32, #tpu.memory_space<vmem>>, vector<1x128xf32>
    %add3A_1098 = arith.constant 12288 : i32
    %add3A_1099 = arith.addi %add3A_1098, %get3A_1094 : i32
    %swap3A_1100 = arith.index_cast %add3A_1099 : i32 to index
    %swap3A_1101 = arith.constant 0 : index
    %swap3A_1102 = vector.load %arg5[%swap3A_1100, %swap3A_1101] : memref<16384x128xf32, #tpu.memory_space<vmem>>, vector<1x128xf32>
    tpu.vector_store %arg5[%swap3A_1100, %swap3A_1101], %get3A_1097 {strides = array<i32>} : memref<16384x128xf32, #tpu.memory_space<vmem>>, vector<1x128xf32>,
    %get3A_1103 = arith.constant 14 : index
    %get3A_1104 = memref.load %arg4[%get3A_1103] : memref<16xi32, #tpu.memory_space<smem>>
    %get3A_1105 = arith.constant 110 : index
    %get3A_1106 = arith.constant 0 : index
    %get3A_1107 = vector.load %arg3[%get3A_1105, %get3A_1106] : memref<128x128xf32, #tpu.memory_space<vmem>>, vector<1x128xf32>
    %add3A_1108 = arith.constant 12288 : i32
    %add3A_1109 = arith.addi %add3A_1108, %get3A_1104 : i32
    %swap3A_1110 = arith.index_cast %add3A_1109 : i32 to index
    %swap3A_1111 = arith.constant 0 : index
    %swap3A_1112 = vector.load %arg5[%swap3A_1110, %swap3A_1111] : memref<16384x128xf32, #tpu.memory_space<vmem>>, vector<1x128xf32>
    tpu.vector_store %arg5[%swap3A_1110, %swap3A_1111], %get3A_1107 {strides = array<i32>} : memref<16384x128xf32, #tpu.memory_space<vmem>>, vector<1x128xf32>,
    %get3A_1113 = arith.constant 15 : index
    %get3A_1114 = memref.load %arg4[%get3A_1113] : memref<16xi32, #tpu.memory_space<smem>>
    %get3A_1115 = arith.constant 111 : index
    %get3A_1116 = arith.constant 0 : index
    %get3A_1117 = vector.load %arg3[%get3A_1115, %get3A_1116] : memref<128x128xf32, #tpu.memory_space<vmem>>, vector<1x128xf32>
    %add3A_1118 = arith.constant 12288 : i32
    %add3A_1119 = arith.addi %add3A_1118, %get3A_1114 : i32
    %swap3A_1120 = arith.index_cast %add3A_1119 : i32 to index
    %swap3A_1121 = arith.constant 0 : index
    %swap3A_1122 = vector.load %arg5[%swap3A_1120, %swap3A_1121] : memref<16384x128xf32, #tpu.memory_space<vmem>>, vector<1x128xf32>
    tpu.vector_store %arg5[%swap3A_1120, %swap3A_1121], %get3A_1117 {strides = array<i32>} : memref<16384x128xf32, #tpu.memory_space<vmem>>, vector<1x128xf32>,
    %get3A_1123 = arith.constant 0 : index
    %get3A_1124 = memref.load %arg4[%get3A_1123] : memref<16xi32, #tpu.memory_space<smem>>
    %get3A_1125 = arith.constant 112 : index
    %get3A_1126 = arith.constant 0 : index
    %get3A_1127 = vector.load %arg3[%get3A_1125, %get3A_1126] : memref<128x128xf32, #tpu.memory_space<vmem>>, vector<1x128xf32>
    %add3A_1128 = arith.constant 14336 : i32
    %add3A_1129 = arith.addi %add3A_1128, %get3A_1124 : i32
    %swap3A_1130 = arith.index_cast %add3A_1129 : i32 to index
    %swap3A_1131 = arith.constant 0 : index
    %swap3A_1132 = vector.load %arg5[%swap3A_1130, %swap3A_1131] : memref<16384x128xf32, #tpu.memory_space<vmem>>, vector<1x128xf32>
    tpu.vector_store %arg5[%swap3A_1130, %swap3A_1131], %get3A_1127 {strides = array<i32>} : memref<16384x128xf32, #tpu.memory_space<vmem>>, vector<1x128xf32>,
    %get3A_1133 = arith.constant 1 : index
    %get3A_1134 = memref.load %arg4[%get3A_1133] : memref<16xi32, #tpu.memory_space<smem>>
    %get3A_1135 = arith.constant 113 : index
    %get3A_1136 = arith.constant 0 : index
    %get3A_1137 = vector.load %arg3[%get3A_1135, %get3A_1136] : memref<128x128xf32, #tpu.memory_space<vmem>>, vector<1x128xf32>
    %add3A_1138 = arith.constant 14336 : i32
    %add3A_1139 = arith.addi %add3A_1138, %get3A_1134 : i32
    %swap3A_1140 = arith.index_cast %add3A_1139 : i32 to index
    %swap3A_1141 = arith.constant 0 : index
    %swap3A_1142 = vector.load %arg5[%swap3A_1140, %swap3A_1141] : memref<16384x128xf32, #tpu.memory_space<vmem>>, vector<1x128xf32>
    tpu.vector_store %arg5[%swap3A_1140, %swap3A_1141], %get3A_1137 {strides = array<i32>} : memref<16384x128xf32, #tpu.memory_space<vmem>>, vector<1x128xf32>,
    %get3A_1143 = arith.constant 2 : index
    %get3A_1144 = memref.load %arg4[%get3A_1143] : memref<16xi32, #tpu.memory_space<smem>>
    %get3A_1145 = arith.constant 114 : index
    %get3A_1146 = arith.constant 0 : index
    %get3A_1147 = vector.load %arg3[%get3A_1145, %get3A_1146] : memref<128x128xf32, #tpu.memory_space<vmem>>, vector<1x128xf32>
    %add3A_1148 = arith.constant 14336 : i32
    %add3A_1149 = arith.addi %add3A_1148, %get3A_1144 : i32
    %swap3A_1150 = arith.index_cast %add3A_1149 : i32 to index
    %swap3A_1151 = arith.constant 0 : index
    %swap3A_1152 = vector.load %arg5[%swap3A_1150, %swap3A_1151] : memref<16384x128xf32, #tpu.memory_space<vmem>>, vector<1x128xf32>
    tpu.vector_store %arg5[%swap3A_1150, %swap3A_1151], %get3A_1147 {strides = array<i32>} : memref<16384x128xf32, #tpu.memory_space<vmem>>, vector<1x128xf32>,
    %get3A_1153 = arith.constant 3 : index
    %get3A_1154 = memref.load %arg4[%get3A_1153] : memref<16xi32, #tpu.memory_space<smem>>
    %get3A_1155 = arith.constant 115 : index
    %get3A_1156 = arith.constant 0 : index
    %get3A_1157 = vector.load %arg3[%get3A_1155, %get3A_1156] : memref<128x128xf32, #tpu.memory_space<vmem>>, vector<1x128xf32>
    %add3A_1158 = arith.constant 14336 : i32
    %add3A_1159 = arith.addi %add3A_1158, %get3A_1154 : i32
    %swap3A_1160 = arith.index_cast %add3A_1159 : i32 to index
    %swap3A_1161 = arith.constant 0 : index
    %swap3A_1162 = vector.load %arg5[%swap3A_1160, %swap3A_1161] : memref<16384x128xf32, #tpu.memory_space<vmem>>, vector<1x128xf32>
    tpu.vector_store %arg5[%swap3A_1160, %swap3A_1161], %get3A_1157 {strides = array<i32>} : memref<16384x128xf32, #tpu.memory_space<vmem>>, vector<1x128xf32>,
    %get3A_1163 = arith.constant 4 : index
    %get3A_1164 = memref.load %arg4[%get3A_1163] : memref<16xi32, #tpu.memory_space<smem>>
    %get3A_1165 = arith.constant 116 : index
    %get3A_1166 = arith.constant 0 : index
    %get3A_1167 = vector.load %arg3[%get3A_1165, %get3A_1166] : memref<128x128xf32, #tpu.memory_space<vmem>>, vector<1x128xf32>
    %add3A_1168 = arith.constant 14336 : i32
    %add3A_1169 = arith.addi %add3A_1168, %get3A_1164 : i32
    %swap3A_1170 = arith.index_cast %add3A_1169 : i32 to index
    %swap3A_1171 = arith.constant 0 : index
    %swap3A_1172 = vector.load %arg5[%swap3A_1170, %swap3A_1171] : memref<16384x128xf32, #tpu.memory_space<vmem>>, vector<1x128xf32>
    tpu.vector_store %arg5[%swap3A_1170, %swap3A_1171], %get3A_1167 {strides = array<i32>} : memref<16384x128xf32, #tpu.memory_space<vmem>>, vector<1x128xf32>,
    %get3A_1173 = arith.constant 5 : index
    %get3A_1174 = memref.load %arg4[%get3A_1173] : memref<16xi32, #tpu.memory_space<smem>>
    %get3A_1175 = arith.constant 117 : index
    %get3A_1176 = arith.constant 0 : index
    %get3A_1177 = vector.load %arg3[%get3A_1175, %get3A_1176] : memref<128x128xf32, #tpu.memory_space<vmem>>, vector<1x128xf32>
    %add3A_1178 = arith.constant 14336 : i32
    %add3A_1179 = arith.addi %add3A_1178, %get3A_1174 : i32
    %swap3A_1180 = arith.index_cast %add3A_1179 : i32 to index
    %swap3A_1181 = arith.constant 0 : index
    %swap3A_1182 = vector.load %arg5[%swap3A_1180, %swap3A_1181] : memref<16384x128xf32, #tpu.memory_space<vmem>>, vector<1x128xf32>
    tpu.vector_store %arg5[%swap3A_1180, %swap3A_1181], %get3A_1177 {strides = array<i32>} : memref<16384x128xf32, #tpu.memory_space<vmem>>, vector<1x128xf32>,
    %get3A_1183 = arith.constant 6 : index
    %get3A_1184 = memref.load %arg4[%get3A_1183] : memref<16xi32, #tpu.memory_space<smem>>
    %get3A_1185 = arith.constant 118 : index
    %get3A_1186 = arith.constant 0 : index
    %get3A_1187 = vector.load %arg3[%get3A_1185, %get3A_1186] : memref<128x128xf32, #tpu.memory_space<vmem>>, vector<1x128xf32>
    %add3A_1188 = arith.constant 14336 : i32
    %add3A_1189 = arith.addi %add3A_1188, %get3A_1184 : i32
    %swap3A_1190 = arith.index_cast %add3A_1189 : i32 to index
    %swap3A_1191 = arith.constant 0 : index
    %swap3A_1192 = vector.load %arg5[%swap3A_1190, %swap3A_1191] : memref<16384x128xf32, #tpu.memory_space<vmem>>, vector<1x128xf32>
    tpu.vector_store %arg5[%swap3A_1190, %swap3A_1191], %get3A_1187 {strides = array<i32>} : memref<16384x128xf32, #tpu.memory_space<vmem>>, vector<1x128xf32>,
    %get3A_1193 = arith.constant 7 : index
    %get3A_1194 = memref.load %arg4[%get3A_1193] : memref<16xi32, #tpu.memory_space<smem>>
    %get3A_1195 = arith.constant 119 : index
    %get3A_1196 = arith.constant 0 : index
    %get3A_1197 = vector.load %arg3[%get3A_1195, %get3A_1196] : memref<128x128xf32, #tpu.memory_space<vmem>>, vector<1x128xf32>
    %add3A_1198 = arith.constant 14336 : i32
    %add3A_1199 = arith.addi %add3A_1198, %get3A_1194 : i32
    %swap3A_1200 = arith.index_cast %add3A_1199 : i32 to index
    %swap3A_1201 = arith.constant 0 : index
    %swap3A_1202 = vector.load %arg5[%swap3A_1200, %swap3A_1201] : memref<16384x128xf32, #tpu.memory_space<vmem>>, vector<1x128xf32>
    tpu.vector_store %arg5[%swap3A_1200, %swap3A_1201], %get3A_1197 {strides = array<i32>} : memref<16384x128xf32, #tpu.memory_space<vmem>>, vector<1x128xf32>,
    %get3A_1203 = arith.constant 8 : index
    %get3A_1204 = memref.load %arg4[%get3A_1203] : memref<16xi32, #tpu.memory_space<smem>>
    %get3A_1205 = arith.constant 120 : index
    %get3A_1206 = arith.constant 0 : index
    %get3A_1207 = vector.load %arg3[%get3A_1205, %get3A_1206] : memref<128x128xf32, #tpu.memory_space<vmem>>, vector<1x128xf32>
    %add3A_1208 = arith.constant 14336 : i32
    %add3A_1209 = arith.addi %add3A_1208, %get3A_1204 : i32
    %swap3A_1210 = arith.index_cast %add3A_1209 : i32 to index
    %swap3A_1211 = arith.constant 0 : index
    %swap3A_1212 = vector.load %arg5[%swap3A_1210, %swap3A_1211] : memref<16384x128xf32, #tpu.memory_space<vmem>>, vector<1x128xf32>
    tpu.vector_store %arg5[%swap3A_1210, %swap3A_1211], %get3A_1207 {strides = array<i32>} : memref<16384x128xf32, #tpu.memory_space<vmem>>, vector<1x128xf32>,
    %get3A_1213 = arith.constant 9 : index
    %get3A_1214 = memref.load %arg4[%get3A_1213] : memref<16xi32, #tpu.memory_space<smem>>
    %get3A_1215 = arith.constant 121 : index
    %get3A_1216 = arith.constant 0 : index
    %get3A_1217 = vector.load %arg3[%get3A_1215, %get3A_1216] : memref<128x128xf32, #tpu.memory_space<vmem>>, vector<1x128xf32>
    %add3A_1218 = arith.constant 14336 : i32
    %add3A_1219 = arith.addi %add3A_1218, %get3A_1214 : i32
    %swap3A_1220 = arith.index_cast %add3A_1219 : i32 to index
    %swap3A_1221 = arith.constant 0 : index
    %swap3A_1222 = vector.load %arg5[%swap3A_1220, %swap3A_1221] : memref<16384x128xf32, #tpu.memory_space<vmem>>, vector<1x128xf32>
    tpu.vector_store %arg5[%swap3A_1220, %swap3A_1221], %get3A_1217 {strides = array<i32>} : memref<16384x128xf32, #tpu.memory_space<vmem>>, vector<1x128xf32>,
    %get3A_1223 = arith.constant 10 : index
    %get3A_1224 = memref.load %arg4[%get3A_1223] : memref<16xi32, #tpu.memory_space<smem>>
    %get3A_1225 = arith.constant 122 : index
    %get3A_1226 = arith.constant 0 : index
    %get3A_1227 = vector.load %arg3[%get3A_1225, %get3A_1226] : memref<128x128xf32, #tpu.memory_space<vmem>>, vector<1x128xf32>
    %add3A_1228 = arith.constant 14336 : i32
    %add3A_1229 = arith.addi %add3A_1228, %get3A_1224 : i32
    %swap3A_1230 = arith.index_cast %add3A_1229 : i32 to index
    %swap3A_1231 = arith.constant 0 : index
    %swap3A_1232 = vector.load %arg5[%swap3A_1230, %swap3A_1231] : memref<16384x128xf32, #tpu.memory_space<vmem>>, vector<1x128xf32>
    tpu.vector_store %arg5[%swap3A_1230, %swap3A_1231], %get3A_1227 {strides = array<i32>} : memref<16384x128xf32, #tpu.memory_space<vmem>>, vector<1x128xf32>,
    %get3A_1233 = arith.constant 11 : index
    %get3A_1234 = memref.load %arg4[%get3A_1233] : memref<16xi32, #tpu.memory_space<smem>>
    %get3A_1235 = arith.constant 123 : index
    %get3A_1236 = arith.constant 0 : index
    %get3A_1237 = vector.load %arg3[%get3A_1235, %get3A_1236] : memref<128x128xf32, #tpu.memory_space<vmem>>, vector<1x128xf32>
    %add3A_1238 = arith.constant 14336 : i32
    %add3A_1239 = arith.addi %add3A_1238, %get3A_1234 : i32
    %swap3A_1240 = arith.index_cast %add3A_1239 : i32 to index
    %swap3A_1241 = arith.constant 0 : index
    %swap3A_1242 = vector.load %arg5[%swap3A_1240, %swap3A_1241] : memref<16384x128xf32, #tpu.memory_space<vmem>>, vector<1x128xf32>
    tpu.vector_store %arg5[%swap3A_1240, %swap3A_1241], %get3A_1237 {strides = array<i32>} : memref<16384x128xf32, #tpu.memory_space<vmem>>, vector<1x128xf32>,
    %get3A_1243 = arith.constant 12 : index
    %get3A_1244 = memref.load %arg4[%get3A_1243] : memref<16xi32, #tpu.memory_space<smem>>
    %get3A_1245 = arith.constant 124 : index
    %get3A_1246 = arith.constant 0 : index
    %get3A_1247 = vector.load %arg3[%get3A_1245, %get3A_1246] : memref<128x128xf32, #tpu.memory_space<vmem>>, vector<1x128xf32>
    %add3A_1248 = arith.constant 14336 : i32
    %add3A_1249 = arith.addi %add3A_1248, %get3A_1244 : i32
    %swap3A_1250 = arith.index_cast %add3A_1249 : i32 to index
    %swap3A_1251 = arith.constant 0 : index
    %swap3A_1252 = vector.load %arg5[%swap3A_1250, %swap3A_1251] : memref<16384x128xf32, #tpu.memory_space<vmem>>, vector<1x128xf32>
    tpu.vector_store %arg5[%swap3A_1250, %swap3A_1251], %get3A_1247 {strides = array<i32>} : memref<16384x128xf32, #tpu.memory_space<vmem>>, vector<1x128xf32>,
    %get3A_1253 = arith.constant 13 : index
    %get3A_1254 = memref.load %arg4[%get3A_1253] : memref<16xi32, #tpu.memory_space<smem>>
    %get3A_1255 = arith.constant 125 : index
    %get3A_1256 = arith.constant 0 : index
    %get3A_1257 = vector.load %arg3[%get3A_1255, %get3A_1256] : memref<128x128xf32, #tpu.memory_space<vmem>>, vector<1x128xf32>
    %add3A_1258 = arith.constant 14336 : i32
    %add3A_1259 = arith.addi %add3A_1258, %get3A_1254 : i32
    %swap3A_1260 = arith.index_cast %add3A_1259 : i32 to index
    %swap3A_1261 = arith.constant 0 : index
    %swap3A_1262 = vector.load %arg5[%swap3A_1260, %swap3A_1261] : memref<16384x128xf32, #tpu.memory_space<vmem>>, vector<1x128xf32>
    tpu.vector_store %arg5[%swap3A_1260, %swap3A_1261], %get3A_1257 {strides = array<i32>} : memref<16384x128xf32, #tpu.memory_space<vmem>>, vector<1x128xf32>,
    %get3A_1263 = arith.constant 14 : index
    %get3A_1264 = memref.load %arg4[%get3A_1263] : memref<16xi32, #tpu.memory_space<smem>>
    %get3A_1265 = arith.constant 126 : index
    %get3A_1266 = arith.constant 0 : index
    %get3A_1267 = vector.load %arg3[%get3A_1265, %get3A_1266] : memref<128x128xf32, #tpu.memory_space<vmem>>, vector<1x128xf32>
    %add3A_1268 = arith.constant 14336 : i32
    %add3A_1269 = arith.addi %add3A_1268, %get3A_1264 : i32
    %swap3A_1270 = arith.index_cast %add3A_1269 : i32 to index
    %swap3A_1271 = arith.constant 0 : index
    %swap3A_1272 = vector.load %arg5[%swap3A_1270, %swap3A_1271] : memref<16384x128xf32, #tpu.memory_space<vmem>>, vector<1x128xf32>
    tpu.vector_store %arg5[%swap3A_1270, %swap3A_1271], %get3A_1267 {strides = array<i32>} : memref<16384x128xf32, #tpu.memory_space<vmem>>, vector<1x128xf32>,
    %get3A_1273 = arith.constant 15 : index
    %get3A_1274 = memref.load %arg4[%get3A_1273] : memref<16xi32, #tpu.memory_space<smem>>
    %get3A_1275 = arith.constant 127 : index
    %get3A_1276 = arith.constant 0 : index
    %get3A_1277 = vector.load %arg3[%get3A_1275, %get3A_1276] : memref<128x128xf32, #tpu.memory_space<vmem>>, vector<1x128xf32>
    %add3A_1278 = arith.constant 14336 : i32
    %add3A_1279 = arith.addi %add3A_1278, %get3A_1274 : i32
    %swap3A_1280 = arith.index_cast %add3A_1279 : i32 to index
    %swap3A_1281 = arith.constant 0 : index
    %swap3A_1282 = vector.load %arg5[%swap3A_1280, %swap3A_1281] : memref<16384x128xf32, #tpu.memory_space<vmem>>, vector<1x128xf32>
    tpu.vector_store %arg5[%swap3A_1280, %swap3A_1281], %get3A_1277 {strides = array<i32>} : memref<16384x128xf32, #tpu.memory_space<vmem>>, vector<1x128xf32>,
    return
  }
  func.func @transform_1(%arg0: i32) -> (i32, i32) {
    %add3A = arith.constant 20 : i32
    %add3A_0 = arith.addi %add3A, %arg0 : i32
    %c0_i32 = arith.constant 0 : i32
    %c0_i32_1 = arith.constant 0 : i32
    return %add3A_0, %c0_i32 : i32, i32
  }
  func.func @transform_2(%arg0: i32) -> (i32, i32) {
    %add3A = arith.constant 20 : i32
    %add3A_0 = arith.addi %add3A, %arg0 : i32
    %c0_i32 = arith.constant 0 : i32
    %c0_i32_1 = arith.constant 0 : i32
    return %add3A_0, %c0_i32 : i32, i32
  }
  func.func @transform_3(%arg0: i32) -> i32 {
    %c0_i32 = arith.constant 0 : i32
    %c0_i32_0 = arith.constant 0 : i32
    return %c0_i32 : i32
  }
  func.func @transform_4(%arg0: i32) -> (i32, i32) {
    %add3A = arith.constant 20 : i32
    %add3A_0 = arith.addi %add3A, %arg0 : i32
    %c0_i32 = arith.constant 0 : i32
    %c0_i32_1 = arith.constant 0 : i32
    return %add3A_0, %c0_i32 : i32, i32
  }
}

</mosaic_0001>

<sc_bundles>
// kernel: kernel.5.cloned.1.call-start
scs
__scs_entry_jumppad:
0x0: {  	(pc) =	sbr.rel $0x88, $3  }
0x1: {  	(tag) =	ssettag $0x0;
	lr =	simm.s32 $0x1  }
0x2: {  	[smem:$0x3F9C] =	sst lr;
	_ =	strace $0xD0000000  }
0x3: {  	_ = 	snop  }
0x4: {  	_ = 	snop  }
0x5: {  	_ = 	snop  }
0x6: {  	_ = 	snop  }
0x7: {  	_ = 	snop  }
__scs_overlays_trampoline_lowered:
0x8: {  	[smem:$0x3FAB] =	sst s0  }
0x9: {  	[smem:$0x3FAC] =	sst s1  }
0xa: {  	[smem:$0x3FAD] =	sst s2  }
0xb: {  	[smem:$0x3FAE] =	sst s3  }
0xc: {  	[smem:$0x3FAF] =	sst s4  }
0xd: {  	[smem:$0x3FB0] =	sst s5  }
0xe: {  	[smem:$0x3FB1] =	sst s6  }
0xf: {  	[smem:$0x3FB2] =	sst s7  }
0x10: {  	[smem:$0x3FB3] =	sst s8  }
0x11: {  	[smem:$0x3FB4] =	sst s9;
	s0 =	simm.s32 @!p0 $0x0  }
0x12: {  	s1 =	sld [smem:$0x3F9A];
	s0 =	simm.s32 @p0 $0x1  }
0x13: {  	[smem:$0x3FB5] =	sst s0;
	s0 =	simm.s32 @!p1 $0x0  }
0x14: {  	s2 =	sld [smem:$0x3F99];
	s0 =	simm.s32 @p1 $0x1  }
0x15: {  	[smem:$0x3FB6] =	sst s0;
	s0 =	simm.s32 @!p2 $0x0  }
0x16: {  	s3 =	sld [smem:$0x3FDB];
	s0 =	simm.s32 @p2 $0x1  }
0x17: {  	s4 =	simm.s32 $0x1BF5;
	[smem:$0x3FB8] =	sst s0  }
0x18: {  	s0 =	sld [smem:$0x3F9B];
	_ =	swait.ge [sflag:s4], $0x0  }
0x19: {  	s7 =	sld [smem:$0x3F9C]  }
0x1a: {  	s8 =	sadd.s32 $0xFFFFE003, lr  }
0x1b: {  	s9 =	sadd.s32 $0xFFFFFEF7, lr;
	s5 =	simm.s32 $0xFFFFFFFF;
	p2 =	slt.u32 s8, $0xFFFFF086  }
0x1c: {  	p1 =	slt.u32 s9, $0xF7A;
	s5 =	simm.s32 @!p2 $0x0  }
0x1d: {  	s5 =	simm.s32 @p1 $0x1;
	p0 =	seq.s32 s7, s2  }
0x1e: {  	s7 =	smul.u32 @!p0 $0xF7A, s2;
	p2 =	seq.s32 @!p0 s5, $0x0  }
0x1f: {  	s9 =	smul.u32 $0xF7A, s1;
	s8 =	simm.s32 @!p0 $0x1BF5;
	p2 =	por !p2, p0  }
0x20: {  	[sflag:s8] =	ssyncset.s32 @!p0 $0xFFFFF086;
	s6 =	sadd.s32 @!p0 s3, s7;
	s7 =	simm.s32 @!p0 $0x108  }
0x21: {  	s3 =	sadd.s32 s3, s9;
	s6 =	sadd.s32 @!p0 $0x88, s6;
	s7 =	simm.s32 @p2 $0x1082  }
0x22: {  	[simem:s7], [sflag:s8] =	dma.local @!p0 [hbm:s6], $0xF7A  }
0x23: {  	s9 =	sor.u32 $0xD0000000, s2;
	s6 =	simm.s32 $0x108;
	_ =	swait.ge @!p0 [sflag:s8], $0x0  }
0x24: {  	s3 =	sadd.s32 $0x88, s3;
	s6 =	simm.s32 @!p1 $0x1082;
	[sflag:s4] =	ssyncset.s32 $0xFFFFF086  }
0x25: {  	[simem:s6], [sflag:s4] =	dma.local [hbm:s3], $0xF7A  }
0x26: {  	[smem:$0x3F9C] =	sst s1;
	(tag) =	ssettag s2;
	_ =	strace s9  }
0x27: {  	s1 =	sld [smem:$0x3FAC]  }
0x28: {  	s2 =	sld [smem:$0x3FAD]  }
0x29: {  	s4 =	sld [smem:$0x3FAF]  }
0x2a: {  	p0 =	seq.s32 s5, $0x0;
	s5 =	sld [smem:$0x3FB0]  }
0x2b: {  	s6 =	sld [smem:$0x3FB1]  }
0x2c: {  	s7 =	sld [smem:$0x3FB2]  }
0x2d: {  	s3 =	simm.s32 $0x108;
	s8 =	sld [smem:$0x3FB3]  }
0x2e: {  	s3 =	simm.s32 @!p0 $0x1082;
	s9 =	sld [smem:$0x3FB4]  }
0x2f: {  	lr =	sadd.s32 s0, s3;
	s0 =	sld [smem:$0x3FAB]  }
0x30: {  	s3 =	sld [smem:$0x3FAE]  }
0x31: {  	[smem:$0x3FB7] =	sst s10  }
0x32: {  	s10 =	sld [smem:$0x3FB5];
	_ =	sdelay $0x3  }
0x33: {  	p0 =	seq.s32 s10, $0x1;
	s10 =	sld [smem:$0x3FB7];
	_ =	sdelay $0x3  }
0x34: {  	[smem:$0x3FB7] =	sst s10  }
0x35: {  	s10 =	sld [smem:$0x3FB6];
	_ =	sdelay $0x3  }
0x36: {  	p1 =	seq.s32 s10, $0x1;
	s10 =	sld [smem:$0x3FB7];
	_ =	sdelay $0x3  }
0x37: {  	[smem:$0x3FB7] =	sst s10  }
0x38: {  	s10 =	sld [smem:$0x3FB8]  }
0x39: {  	_ = 	snop;
	(pc) =	sbr.ind lr, $3  }
0x3a: {  	_ = 	snop  }
0x3b: {  	_ = 	snop  }
0x3c: {  	p2 =	seq.s32 s10, $0x1;
	s10 =	sld [smem:$0x3FB7]  }
0x3d: {  	_ =	shalt  }
0x3e: {  	_ =	shalt  }
0x3f: {  	_ =	shalt  }
0x40: {  	_ =	shalt  }
0x41: {  	_ =	shalt  }
0x42: {  	_ =	shalt  }
0x43: {  	_ =	shalt  }
0x44: {  	_ =	shalt  }
0x45: {  	_ =	shalt  }
0x46: {  	_ =	shalt  }
0x47: {  	_ =	shalt  }
0x48: {  	_ =	shalt  }
0x49: {  	_ =	shalt  }
0x4a: {  	_ =	shalt  }
0x4b: {  	_ =	shalt  }
0x4c: {  	_ =	shalt  }
0x4d: {  	_ =	shalt  }
0x4e: {  	_ =	shalt  }
0x4f: {  	_ =	shalt  }
0x50: {  	_ =	shalt  }
0x51: {  	_ =	shalt  }
0x52: {  	_ =	shalt  }
0x53: {  	_ =	shalt  }
0x54: {  	_ =	shalt  }
0x55: {  	_ =	shalt  }
0x56: {  	_ =	shalt  }
0x57: {  	_ =	shalt  }
0x58: {  	_ =	shalt  }
0x59: {  	_ =	shalt  }
0x5a: {  	_ =	shalt  }
0x5b: {  	_ =	shalt  }
0x5c: {  	_ =	shalt  }
0x5d: {  	_ =	shalt  }
0x5e: {  	_ =	shalt  }
0x5f: {  	_ =	shalt  }
0x60: {  	_ =	shalt  }
0x61: {  	_ =	shalt  }
0x62: {  	_ =	shalt  }
0x63: {  	_ =	shalt  }
0x64: {  	_ =	shalt  }
0x65: {  	_ =	shalt  }
0x66: {  	_ =	shalt  }
0x67: {  	_ =	shalt  }
0x68: {  	_ =	shalt  }
0x69: {  	_ =	shalt  }
0x6a: {  	_ =	shalt  }
0x6b: {  	_ =	shalt  }
0x6c: {  	_ =	shalt  }
0x6d: {  	_ =	shalt  }
0x6e: {  	_ =	shalt  }
0x6f: {  	_ =	shalt  }
0x70: {  	_ =	shalt  }
0x71: {  	_ =	shalt  }
0x72: {  	_ =	shalt  }
0x73: {  	_ =	shalt  }
0x74: {  	_ =	shalt  }
0x75: {  	_ =	shalt  }
0x76: {  	_ =	shalt  }
0x77: {  	_ =	shalt  }
0x78: {  	_ =	shalt  }
0x79: {  	_ =	shalt  }
0x7a: {  	_ =	shalt  }
0x7b: {  	_ =	shalt  }
0x7c: {  	_ =	shalt  }
0x7d: {  	_ =	shalt  }
0x7e: {  	_ =	shalt  }
0x7f: {  	_ =	shalt  }
0x80: {  	_ =	shalt  }
0x81: {  	_ =	shalt  }
0x82: {  	_ =	shalt  }
0x83: {  	_ =	shalt  }
0x84: {  	_ =	shalt  }
0x85: {  	_ =	shalt  }
0x86: {  	_ =	shalt  }
0x87: {  	_ =	shalt  }
.Lfunc_end0:
.L_simem_size_0:
called_computation_lowered:
.L_overlay_start_0:
0x88: {  	s2 =	sld [smem:$0x3FD9]  }
0x89: {  	s3 =	sld [smem:$0x3FFE];
	_ =	sdelay $0x1  }
0x8a: {  	s1 =	srdreg.scid  }
0x8b: {  	s0 =	sand.u32 $0x1, s1  }
0x8c: {  	s14 =	sshll.u32 s0, $0xA;
	s2 =	sadd.s32 s3, s2  }
0x8d: {  	s2 =	sadd.s32 s2, s14  }
0x8e: {  	[smem:$0x3FC3] =	sst s2  }
0x8f: {  	_ = 	snop  }
0x90: {  	s2 =	sld [smem:$0x3FD0];
	_ =	sdelay $0x1  }
0x91: {  	s15 =	sld [smem:$0x3FC8]  }
0x92: {  	s5 =	simm.s32 $0xA;
	s6 =	simm.s32 $0x10;
	s4 =	sld [smem:$0x3FC5]  }
0x93: {  	[smem:s6], [sflag:s5] =	dma.local [hbm:s2], $0x1  }
0x94: {  	_ =	swait.eq [sflag:s5], $0x1  }
0x95: {  	[sflag:s5] =	ssyncset.done $0x0  }
0x96: {  	[sflag:s5] =	ssyncadd.s32 $0xFFFFFFFF  }
0x97: {  	s16 =	sld [smem:$0x11];
	(tm) =	ssettm $0x1  }
0x98: {  	s17 =	sld [smem:$0x3FFB];
	_ =	sdelay $0x3  }
0x99: {  	_ =	strace s17  }
0x9a: {  	s5 =	sld [smem:$0x3FFC];
	_ =	sdelay $0x3  }
0x9b: {  	_ =	strace s5  }
0x9c: {  	s5 =	sld [smem:$0x3FFD];
	_ =	sdelay $0x3  }
0x9d: {  	_ =	strace s5  }
0x9e: {  	_ =	strace $0x8FFFFFFF  }
0x9f: {  	s18 =	sld [smem:$0x3FDB];
	_ =	sdelay $0x1  }
0xa0: {  	s19 =	simm.s32 $_scs_section_size  }
0xa1: {  	s7 =	simm.s32 $_size__tile_overlayer_lowered;
	s8 =	simm.s32 $_tile_overlayer_lowered  }
0xa2: {  	s22 =	simm.s32 $0x1BFF;
	s21 =	sshll.u32 s8, $0x1;
	s5 =	sadd.s32 s19, s18  }
0xa3: {  	s9 =	simm.s32 $0x0;
	s20 =	sshll.u32 s7, $0x1;
	s7 =	sadd.s32 s21, s5  }
0xa4: {  	[timem:s9], [sflag:s22] =	dma.local [hbm:s7], s20  }
0xa5: {  	_ =	swait.ge [sflag:s22], s20  }
0xa6: {  	s6 =	ssub.s32 $0x0, s20;
	[sflag:s22] =	ssyncset.done $0x0  }
0xa7: {  	[sflag:s22] =	ssyncadd.s32 s6;
	_ =	sdelay $0x1  }
0xa8: {  	s23 =	simm.s32 $0x1B8B  }
0xa9: {  	_ =	swait.ge [sflag:s23], $0x1  }
0xaa: {  	[sflag:s23] =	ssyncset.done $0x0  }
0xab: {  	s25 =	simm.s32 $0x1B8E;
	s24 =	sld [smem:$0x3FFE];
	[sflag:s23] =	ssyncadd.s32 $0xFFFFFFFF  }
0xac: {  	s26 =	simm.s32 $execute0_lowered;
	[smem:$0x3FD2] =	sst s25  }
0xad: {  	s7 =	sshll.u32 s26, $0x1;
	_ =	strace $0x80000046;
	[dreg:$0x1] =	wrdreg $0xFFFFFFFF  }
0xae: {  	s28 =	simm.s32 $_size_execute0_lowered;
	s5 =	sadd.s32 s5, s7;
	[dreg:$0x0] =	wrdreg $0x0  }
0xaf: {  	s7 =	sshll.u32 s28, $0x1;
	[dreg:$0x2] =	wrdreg s5  }
0xb0: {  	[dreg:$0x3] =	wrdreg s7  }
0xb1: {  	[dreg:$0x4] =	wrdreg $0xC0  }
0xb2: {  	_ =	task [dreg:s9], $0x5FFFF  }
0xb3: {  	[dreg:$0x1] =	wrdreg $0xFFFFFFFF  }
0xb4: {  	[dreg:$0x0] =	wrdreg $0x60  }
0xb5: {  	[dreg:$0x2] =	wrdreg s15  }
0xb6: {  	[dreg:$0x3] =	wrdreg s4  }
0xb7: {  	[dreg:$0x4] =	wrdreg s24  }
0xb8: {  	[dreg:$0x5] =	wrdreg s16  }
0xb9: {  	[dreg:$0x6] =	wrdreg $0x9  }
0xba: {  	_ =	task.clear_ibuf [dreg:s9], $0x7FFFF;
	_ =	strace $0x90000046  }
0xbb: {  	s29 =	simm.s32 $0x9;
	_ =	strace $0x80000048  }
0xbc: {  	_ =	swait.ge [sflag:s29], $0x1  }
0xbd: {  	[sflag:s29] =	ssyncadd.s32 $0xFFFFFFFF  }
0xbe: {  	_ =	strace $0x90000048  }
0xbf: {  	_ =	sfence  }
0xc0: {  	s30 =	sld [smem:$0x0];
	_ =	sdelay $0x2  }
0xc1: {  	s31 =	sshll.u32 s1, $0xD;
	s1 =	sshrl.u32 s1, $0x2  }
0xc2: {  	s3 =	sand.u32 $0x4000, s31;
	s1 =	sadd.s32 s1, s30  }
0xc3: {  	s0 =	sor.u32 s3, s0;
	s1 =	sshll.u32 s1, $0x11  }
0xc4: {  	s0 =	sor.u32 s1, s0  }
0xc5: {  	s0 =	sadd.s32 $0x8F2B, s0  }
0xc6: {  	[sflag:s0] =	ssyncadd.remote.s32 $0x1  }
0xc7: {  	_ =	sfence.sel $0xFFFF  }
0xc8: {  	[dreg:$0x0] =	wrdreg $0xFFFFFFFF;
	(pc) =	sbr.abs _section_cstart, $3  }
0xc9: {  	[dreg:$0x1] =	wrdreg $0xFFFFFFFF  }
0xca: {  	_ =	task.clear_ibuf [dreg:s9], $0x2FFFF;
	_ =	strace $0x9FFFFFFF  }
0xcb: {  	(tm) =	ssettm $0x7FFFFFFF  }
tec
execute0_lowered:
.L_overlay_start_1:
0x0: {  	(tag) =	ssettag $0x1  }
0x1: {  	s13 =	rddreg [dreg:$0x0]  }
0x2: {  	s7 =	rddreg [dreg:$0x1]  }
0x3: {  	s4 =	rddreg [dreg:$0x2]  }
0x4: {  	s2 =	rddreg [dreg:$0x3]  }
0x5: {  	s0 =	rddreg [dreg:$0x4];
	s5 =	srdreg.scid  }
0x6: {  	s1 =	stileid.u32;
	s3 =	simm.s32 $0x0;
	s17 =	simm.s32 $0x3  }
0x7: {  	s18 =	simm.s32 $0x2;
	s19 =	simm.s32 $0x4;
	s20 =	simm.s32 $0x10000  }
0x8: {  	s21 =	simm.s32 $0x5;
	s22 =	simm.s32 $0x10080;
	s26 =	smul.u32 $0x50000, s1  }
0x9: {  	s23 =	simm.s32 $0x50;
	s10 =	sand.u32 $0x1, s5;
	s15 =	smul.u32 $0x280000, s1  }
0xa: {  	s24 =	simm.s32 $0x0;
	s25 =	sshll.u32 s1, $0x1;
	s28 =	smul.u32 $0x140000, s10  }
0xb: {  	[smem:$0x7FF] =	sst s3;
	s5 =	sor.u32 s10, s25;
	s16 =	smul.u32 $0x28000, s10  }
0xc: {  	_ =	strace $0x80000047;
	s8 =	ssub.s32 $0x2, s10;
	s11 =	smul.u32 $0x28000, s5  }
0xd: {  	s6 =	sshll.u32 s5, $0x4;
	s9 =	smul.u32 $0x140000, s5;
	s12 =	sshrl.u32 s8, $0x1  }
0xe: {  	s14 =	smul.u32 $0x500, s5;
	s30 =	sadd.s32 s26, s2;
	s6 =	sadd.s32 s6, s4  }
0xf: {  	s8 =	ssub.s32 s8, s12;
	s4 =	sadd.s32 s13, s11;
	s6 =	sadd.s32 $0xA00, s6  }
0x10: {  	s9 =	sshrl.u32 s9, $0x3;
	s7 =	sadd.s32 s7, s14;
	s8 =	smax.u32 s8, $0x1  }
0x11: {  	s29 =	sadd.s32 s2, s11;
	s14 =	sadd.s32 s28, s15;
	s11 =	sadd.s32 s16, s30  }
0x12: {  	s16 =	simm.s32 $0x1;
	s5 =	sadd.s32 $0x1000, s4;
	s9 =	sadd.s32 s2, s9  }
0x13: {  	s10 =	sadd.s32 $0x27000, s29;
	s31 =	sor.u32 $0x18000, s14;
	s11 =	sadd.s32 $0x1000, s11  }
0x14: {  	s15 =	sor.u32 $0x10000, s14;
	s14 =	sshrl.u32 s14, $0x3;
	s9 =	sadd.s32 $0x26000, s9  }
0x15: {  	s12 =	sshrl.u32 s31, $0x3;
	s15 =	sshrl.u32 s15, $0x3;
	s14 =	sadd.s32 s14, s2  }
0x16: {  	s12 =	sadd.s32 s12, s13;
	s13 =	sadd.s32 s15, s13;
	s15 =	simm.s32 $0x8000  }
.LBB2_1:
0x17: {  	[tilespmem:s3], [sflag:$0x1] =	stream.linear.gather [hbm4b:s4+s3], $0x8000, $0x38;
	[tilespmem:$0x12880] =	vst v63  }
0x18: {  	_ = 	snop  }
0x19: {  	[tilespmem:s15], [sflag:$0x2] =	stream.linear.gather [hbm4b:s5+s3], $0x8000, $0x38;
	[tilespmem:$0x12880] =	vst v63  }
0x1a: {  	_ =	swait.ge [sflag:s16], $0x8000  }
0x1b: {  	[sflag:s16] =	ssyncset.done $0x0  }
0x1c: {  	s25 =	sadd.s32 $0x0, s14;
	[sflag:s16] =	ssyncadd.s32 $0xFFFF8000  }
0x1d: {  	[hbm4b:s25+s3] =	stream.linear.scatter [tilespmem:s3], [sflag:$0x3], $0x8000, $0x38;
	[tilespmem:$0x12880] =	vst v63  }
0x1e: {  	_ =	swait.ge [sflag:s17], $0x8000  }
0x1f: {  	[sflag:s17] =	ssyncset.done $0x0  }
0x20: {  	s30 =	sadd.s32 $0x0, s13;
	[sflag:s17] =	ssyncadd.s32 $0xFFFF8000  }
0x21: {  	[tilespmem:s3], [sflag:$0x1] =	stream.linear.gather [hbm4b:s30+s3], $0x8000, $0x38;
	[tilespmem:$0x12880] =	vst v63  }
0x22: {  	_ =	swait.ge [sflag:s18], $0x8000  }
0x23: {  	[sflag:s18] =	ssyncset.done $0x0  }
0x24: {  	s31 =	sadd.s32 $0x0, s11;
	[sflag:s18] =	ssyncadd.s32 $0xFFFF8000  }
0x25: {  	[hbm4b:s31+s3] =	stream.linear.scatter [tilespmem:s15], [sflag:$0x4], $0x8000, $0x38;
	[tilespmem:$0x12880] =	vst v63  }
0x26: {  	_ =	swait.ge [sflag:s19], $0x8000  }
0x27: {  	[sflag:s19] =	ssyncset.done $0x0  }
0x28: {  	s26 =	sadd.s32 $0x0, s12;
	s25 =	simm.s32 $0x2000;
	[sflag:s19] =	ssyncadd.s32 $0xFFFF8000  }
.LBB2_2:
0x29: {  	[tilespmem:s15], [sflag:$0x2] =	stream.linear.gather [hbm4b:s26+s3], $0x8000, $0x38;
	[tilespmem:$0x12880] =	vst v63  }
0x2a: {  	s26 =	smov.u32 s25  }
0x2b: {  	p0 =	sne.s32 s25, $0x24000;
	s25 =	sadd.s32 $0x2000, s25;
	_ =	swait.ge [sflag:s16], $0x8000  }
0x2c: {  	[sflag:s16] =	ssyncset.done $0x0  }
0x2d: {  	s28 =	sadd.s32 s26, s14;
	[sflag:s16] =	ssyncadd.s32 $0xFFFF8000  }
0x2e: {  	[hbm4b:s28+s3] =	stream.linear.scatter [tilespmem:s3], [sflag:$0x3], $0x8000, $0x38;
	[tilespmem:$0x12880] =	vst v63  }
0x2f: {  	_ =	swait.ge [sflag:s17], $0x8000  }
0x30: {  	[sflag:s17] =	ssyncset.done $0x0  }
0x31: {  	s28 =	sadd.s32 s26, s13;
	[sflag:s17] =	ssyncadd.s32 $0xFFFF8000  }
0x32: {  	[tilespmem:s3], [sflag:$0x1] =	stream.linear.gather [hbm4b:s28+s3], $0x8000, $0x38;
	[tilespmem:$0x12880] =	vst v63  }
0x33: {  	_ =	swait.ge [sflag:s18], $0x8000  }
0x34: {  	[sflag:s18] =	ssyncset.done $0x0  }
.Ltmp0:
0x35: {  	s28 =	sadd.s32 s26, s11;
	[sflag:s18] =	ssyncadd.s32 $0xFFFF8000;
	(pc) =	sbr.rel @p0 .LBB2_2-.Ltmp0, $4  }
0x36: {  	[hbm4b:s28+s3] =	stream.linear.scatter [tilespmem:s15], [sflag:$0x4], $0x8000, $0x38;
	[tilespmem:$0x12880] =	vst v63  }
0x37: {  	_ =	swait.ge [sflag:s19], $0x8000  }
0x38: {  	[sflag:s19] =	ssyncset.done $0x0  }
0x39: {  	s26 =	sadd.s32 s26, s12;
	[sflag:s19] =	ssyncadd.s32 $0xFFFF8000  }
0x3a: {  	[tilespmem:s15], [sflag:$0x2] =	stream.linear.gather [hbm4b:s26+s3], $0x8000, $0x38;
	[tilespmem:$0x12880] =	vst v63  }
0x3b: {  	_ =	swait.ge [sflag:s16], $0x8000  }
0x3c: {  	[sflag:s16] =	ssyncset.done $0x0  }
0x3d: {  	[sflag:s16] =	ssyncadd.s32 $0xFFFF8000  }
0x3e: {  	[hbm4b:s9+s3] =	stream.linear.scatter [tilespmem:s3], [sflag:$0x3], $0x8000, $0x38;
	[tilespmem:$0x12880] =	vst v63  }
0x3f: {  	_ =	swait.ge [sflag:s18], $0x8000  }
0x40: {  	[sflag:s18] =	ssyncset.done $0x0  }
0x41: {  	[sflag:s18] =	ssyncadd.s32 $0xFFFF8000  }
0x42: {  	[hbm4b:s10+s3] =	stream.linear.scatter [tilespmem:s15], [sflag:$0x4], $0x8000, $0x38;
	[tilespmem:$0x12880] =	vst v63  }
0x43: {  	_ =	swait.ge [sflag:s17], $0x8000  }
0x44: {  	[sflag:s17] =	ssyncset.done $0x0  }
0x45: {  	[sflag:s17] =	ssyncadd.s32 $0xFFFF8000  }
0x46: {  	_ =	swait.ge [sflag:s19], $0x8000  }
0x47: {  	[sflag:s19] =	ssyncset.done $0x0  }
0x48: {  	[sflag:s19] =	ssyncadd.s32 $0xFFFF8000  }
0x49: {  	[tilespmem:s20], [sflag:$0x5] =	stream.linear.gather [hbm4b:s6+s3], $0x80, $0x38;
	[tilespmem:$0x12880] =	vst v63  }
0x4a: {  	_ =	swait.ge [sflag:s21], $0x80  }
0x4b: {  	[sflag:s21] =	ssyncset.done $0x0  }
0x4c: {  	[sflag:s21] =	ssyncadd.s32 $0xFFFFFF80  }
0x4d: {  	[tilespmem:s22], [sflag:$0x5] =	stream.linear.gather [hbm4b:s7+s3], $0x2800, $0x38;
	[tilespmem:$0x12880] =	vst v63  }
0x4e: {  	s24 =	sadd.s32 $0x1, s24;
	_ =	swait.ge [sflag:s21], $0x2800  }
0x4f: {  	p0 =	sne.s32 s24, s8;
	[sflag:s21] =	ssyncset.done $0x0  }
.Ltmp1:
0x50: {  	[sflag:s21] =	ssyncadd.s32 $0xFFFFD800;
	(pc) =	sbr.rel @p0 .LBB2_1-.Ltmp1, $4  }
0x51: {  	[hbm4b:s2+s23] =	stream.indirect.scatter [tilespmem:s22], [sflag:$0x5], $0x80, s20, s23, $0xb8;
	[tilespmem:$0x12880] =	vst v63  }
0x52: {  	_ =	swait.ge [sflag:s21], $0x2800  }
0x53: {  	[sflag:s21] =	ssyncset.done $0x0  }
0x54: {  	[sflag:s21] =	ssyncadd.s32 $0xFFFFD800  }
0x55: {  	_ =	sfence.sel $0x180000  }
0x56: {  	[bflag:$0x0] =	sbarrier.arrive $0xFFFF  }
0x57: {  	p0 =	sne.s32 s1, $0x0;
	_ =	strace $0x90000047  }
0x58: {  	s0 =	sadd.s32 @!p0 $0x100000, s0;
	[bflag:$0x2] =	sbarrier.arrive $0xFFFF  }
0x59: {  	[sflag:s0] =	ssyncadd.tile.s32 @!p0 $0x1;
	_ =	shalt  }
.Lfunc_end2:
_tile_overlayer_lowered:
.L_overlay_start_2:
0x5a: {  	(tag) =	ssettag $0x2  }
0x5b: {  	s0 =	rddreg [dreg:$0x0];
	s2 =	stileid.u32  }
0x5c: {  	s1 =	rddreg [dreg:$0x1];
	p0 =	sne.s32 s2, $0x0  }
0x5d: {  	s3 =	rddreg [dreg:$0x2];
	[bflag:$0x3] =	sbarrier.arrive $0xFFFF;
	s2 =	simm.s32 @!p0 $0x1C05  }
0x5e: {  	[timem:s3], [sflag:s2] =	dma.local @!p0 [hbm:s0], s1  }
0x5f: {  	s0 =	simm.s32 @!p0 $0x5  }
0x60: {  	_ =	swait.ge @!p0 [sflag:s0], s1  }
0x61: {  	s1 =	ssub.s32 @!p0 $0x0, s1;
	[sflag:s0] =	ssyncset.done @!p0 $0x0  }
0x62: {  	[sflag:s0] =	ssyncadd.s32 @!p0 s1  }
0x63: {  	[bflag:$0x3] =	sbarrier.arrive $0xFFFF  }
0x64: {  	_ =	shalt  }

</sc_bundles>
